<compile_context>
chip_gen: v7x
topology: tpu7x:2x2x1
jax: 0.10.2.dev20260603
libtpu: 0.0.44.dev20260713+nightly
codegen_flags: <defaults>
</compile_context>

<pallas_src>
import functools

import jax
import jax.numpy as jnp
from jax import lax
from jax.experimental import pallas as pl
from jax.experimental.pallas import tpu as pltpu
from jax.experimental.pallas import tpu_sc as plsc

_NUM_PASSES = 3
_NC = 2
_NS = 16
_LANES = 16


_DEPTH = 4


def _pick_chunk(epw: int, n: int) -> int:
    budget = (131071 - 2 * n) // (2 * _DEPTH)
    for c in range(budget - budget % 16, 15, -16):
        if epw % c == 0:
            return c
    return _LANES


def _make_propagate(B: int, N: int, E: int):
    NW = _NC * _NS
    R = NW // B
    EPW = E // R
    C = _pick_chunk(EPW, N)
    n_chunks = EPW // C
    D = _DEPTH
    full = n_chunks // D
    rem = n_chunks % D

    mesh = plsc.VectorSubcoreMesh(
        core_axis_name="c", subcore_axis_name="s",
        num_cores=_NC, num_subcores=_NS)

    @functools.partial(
        pl.kernel,
        out_type=jax.ShapeDtypeStruct((NW, N), jnp.float32),
        mesh=mesh,
        scratch_types=(
            [pltpu.VMEM((N,), jnp.float32),
             pltpu.VMEM((N,), jnp.float32)]
            + [pltpu.VMEM((2 * C,), jnp.int32)] * D
            + [pltpu.SemaphoreType.DMA] * D
        ),
        compiler_params=pltpu.CompilerParams(needs_layout_passes=False),
    )
    def prop(h_hbm, pw_hbm, out_hbm, h_v, aggr_v, *ring):
        bufs = ring[:D]
        sems = ring[D:]
        cid = lax.axis_index("c")
        sid = lax.axis_index("s")
        wid = sid * _NC + cid
        b = wid % B
        base = (wid // B) * EPW

        def issue(chunk_idx, slot):
            off = (base + chunk_idx * C) * 2
            pltpu.async_copy(pw_hbm.at[pl.ds(off, 2 * C)], bufs[slot],
                             sems[slot])

        for s in range(D - 1):
            issue(s, s)
        pltpu.sync_copy(h_hbm.at[b], h_v)

        def zero_body(i, carry):
            aggr_v[pl.ds(i * _LANES, _LANES)] = jnp.zeros((_LANES,),
                                                          jnp.float32)
            return carry
        lax.fori_loop(0, N // _LANES, zero_body, 0, unroll=8)

        def process(slot):
            buf = bufs[slot]
            pltpu.make_async_copy(pw_hbm.at[pl.ds(0, 2 * C)], buf,
                                  sems[slot]).wait()

            @plsc.parallel_loop(0, C, _LANES, unroll=8)
            def _(off):
                pr = buf[pl.ds(off, _LANES)]
                wi = plsc.bitcast(buf[pl.ds(C + off, _LANES)], jnp.float32)
                si = pr & 0xFFFF
                di = lax.shift_right_logical(pr, 16)
                vals = plsc.load_gather(h_v, [si])
                plsc.addupdate_scatter(aggr_v, [di], vals * wi)

        def ring_body(m, carry):
            c0 = m * D
            for ph in range(D):
                nxt = c0 + ph + (D - 1)

                @pl.when(nxt < n_chunks)
                def _():
                    issue(nxt, (ph + D - 1) % D)
                process(ph)
            return carry
        lax.fori_loop(0, full, ring_body, 0)
        for ph in range(rem):
            process(ph)

        pltpu.sync_copy(aggr_v, out_hbm.at[wid])

    return prop


def _prep_edges(src, dst, edge_weight, edge_weight_multiplier, C):
    E = edge_weight.shape[0]
    G = E // C
    BG = 1
    for cand in (20, 10, 8, 5, 4, 2):
        if G % cand == 0:
            BG = cand
            break

    def body(src_ref, dst_ref, ew_ref, mult_ref, out_ref):
        pair = (dst_ref[...] << 16) | src_ref[...]
        w = ew_ref[...] * jax.nn.sigmoid(mult_ref[...])
        out_ref[:, 0:1, :] = pair
        out_ref[:, 1:2, :] = lax.bitcast_convert_type(w, jnp.int32)

    spec_i = pl.BlockSpec((BG, 1, C), lambda i: (i, 0, 0))
    out = pl.pallas_call(
        body,
        grid=(G // BG,),
        in_specs=[spec_i] * 4,
        out_specs=pl.BlockSpec((BG, 2, C), lambda i: (i, 0, 0)),
        out_shape=jax.ShapeDtypeStruct((G, 2, C), jnp.int32),
    )(src.reshape(G, 1, C), dst.reshape(G, 1, C),
      edge_weight.reshape(G, 1, C),
      edge_weight_multiplier.reshape(G, 1, C))
    return out.reshape(2 * E)


def _reduce_norm(parts, B):
    NW = parts.shape[0]
    R = NW // B
    aggr = parts[0:B]
    for k in range(1, R):
        aggr = aggr + parts[k * B:(k + 1) * B]
    mn = jnp.min(aggr)
    mx = jnp.max(aggr)
    return (aggr - mn) / (mx - mn)


def _make_update(B, N, NW):
    def body(parts_ref, thr_ref, h_ref):
        t = _reduce_norm(parts_ref[...], B)
        h_ref[...] = jax.nn.sigmoid(t - jnp.abs(thr_ref[...]))

    return pl.pallas_call(
        body,
        out_shape=jax.ShapeDtypeStruct((B, N), jnp.float32),
    )


def _make_final(B, N, NW, n_classes):
    def body(parts_ref, thr_ref, mask_ref, wfc_ref, bfc_ref, out_ref):
        t = _reduce_norm(parts_ref[...], B)
        h = jax.nn.sigmoid(t - jnp.abs(thr_ref[...]))
        pooled = jnp.sum(h * mask_ref[...], axis=1, keepdims=True)
        out_ref[...] = pooled * wfc_ref[...] + bfc_ref[...]

    return pl.pallas_call(
        body,
        out_shape=jax.ShapeDtypeStruct((B, n_classes), jnp.float32),
    )


def kernel(x, edge_index, edge_weight, edge_weight_multiplier,
           neuron_activation_threshold, W_fc, b_fc, sel_idx):
    N = neuron_activation_threshold.shape[0]
    B = x.shape[0] // N
    E = edge_weight.shape[0]
    S = sel_idx.shape[0]
    n_classes = W_fc.shape[0]
    NW = _NC * _NS

    h = x.reshape(B, N)
    src = edge_index[0]
    dst = edge_index[1]
    thr2 = neuron_activation_threshold.reshape(1, N)
    maskw = jnp.zeros((N,), jnp.float32).at[sel_idx].set(1.0 / S).reshape(1, N)
    wfc_row = W_fc.reshape(1, n_classes)
    bfc_row = b_fc.reshape(1, n_classes)

    C = _pick_chunk(E // (NW // B), N)
    pairw = _prep_edges(src, dst, edge_weight, edge_weight_multiplier, C)
    prop = _make_propagate(B, N, E)
    update = _make_update(B, N, NW)
    final = _make_final(B, N, NW, n_classes)

    for p in range(_NUM_PASSES):
        parts = prop(h, pairw)
        if p < _NUM_PASSES - 1:
            h = update(parts, thr2)
        else:
            out = final(parts, thr2, maskw, wfc_row, bfc_row)
    return out

# --- scband reference (transcript-rebuilt; emitter-appended) ---
"""Pipeline reference for scband-full-graph-model-292057776280 (READ-ONLY COPY).

The authoritative reference and input builder live on the scoring server;
editing this copy changes nothing except your own understanding.
"""

import jax, jax.numpy as jnp
import numpy as np

BATCH = 8
N_NODES = 50000
N_EDGES = 1600000
NUM_PASSES = 3
N_CLASSES = 10

def setup_inputs(seed: int = 0):
    key = jax.random.key(seed)
    ks = jax.random.split(key, 7)
    x = jax.random.normal(ks[0], (BATCH * N_NODES, 1), dtype=jnp.float32)
    edge_index = jax.random.randint(ks[1], (2, N_EDGES), 0, N_NODES, dtype=jnp.int32)
    edge_weight = jax.random.normal(ks[2], (N_EDGES,), dtype=jnp.float32)
    edge_weight_multiplier = jax.random.uniform(ks[3], (N_EDGES,), minval=-1.0, maxval=1.0, dtype=jnp.float32)
    neuron_activation_threshold = jax.random.uniform(ks[4], (N_NODES,), minval=0.0, maxval=0.1, dtype=jnp.float32)
    W_fc = jax.random.normal(ks[5], (N_CLASSES, 1), dtype=jnp.float32) * 0.1
    b_fc = jnp.zeros((N_CLASSES,), dtype=jnp.float32)
    sel_idx = jnp.asarray(np.arange(0, N_NODES, 10), dtype=jnp.int32)
    return {"x": x, "edge_index": edge_index, "edge_weight": edge_weight,
            "edge_weight_multiplier": edge_weight_multiplier,
            "neuron_activation_threshold": neuron_activation_threshold,
            "W_fc": W_fc, "b_fc": b_fc, "sel_idx": sel_idx}

def reference(x, edge_index, edge_weight, edge_weight_multiplier,
              neuron_activation_threshold, W_fc, b_fc, sel_idx):
    src = edge_index[0]
    dst = edge_index[1]
    h = x.reshape(BATCH, N_NODES)
    # Connectome message passing: message = x_j * edge_weight * sigmoid(multiplier)
    # (train_edges=True, refined_synaptic_data=True)
    eff_w = edge_weight * jax.nn.sigmoid(edge_weight_multiplier)
    for _ in range(NUM_PASSES):
        msgs = jnp.take(h, src, axis=1) * eff_w[None, :]          # [B, E] gather
        aggr = jnp.zeros((BATCH, N_NODES), dtype=h.dtype).at[:, dst].add(msgs)  # scatter-add
        # update: min_max_norm over full tensor, then lambda_func(sigmoid)(t - |thr|)
        t = (aggr - aggr.min()) / (aggr.max() - aggr.min())
        h = jax.nn.sigmoid(t - jnp.abs(neuron_activation_threshold)[None, :])
    # decision_making_mask: select decision-making neurons (static index set)
    xm = jnp.take(h, sel_idx, axis=1)                             # [B, S]
    # final_layer == 'mean'; train_neurons=True so no global-norm division; dropout eval=identity
    pooled = jnp.mean(xm, axis=1, keepdims=True)                  # [B, 1]
    out = pooled @ W_fc.T + b_fc[None, :]                         # [B, 10]
    return out

if __name__ == "__main__":
    import jax
    _d = setup_inputs()
    print(jax.jit(kernel)(*tuple(_d.values())))

</pallas_src>

<mosaic_0001>
#map = affine_map<(d0, d1) -> (0, 0)>
#map1 = affine_map<(d0, d1) -> (0)>
module attributes {stable_mosaic.version = 14 : i64} {
  func.func @prop(%arg0: i32, %arg1: i32, %arg2: memref<8x50000xf32, #tpu.memory_space<hbm>>, %arg3: memref<3200000xi32, #tpu.memory_space<hbm>>, %arg4: memref<32x50000xf32, #tpu.memory_space<hbm>>, %arg5: memref<50000xf32, #tpu.memory_space<vmem>>, %arg6: memref<50000xf32, #tpu.memory_space<vmem>>, %arg7: memref<6400xi32, #tpu.memory_space<vmem>>, %arg8: memref<6400xi32, #tpu.memory_space<vmem>>, %arg9: memref<6400xi32, #tpu.memory_space<vmem>>, %arg10: memref<6400xi32, #tpu.memory_space<vmem>>, %arg11: memref<!tpu.dma_semaphore, #tpu.memory_space<semaphore_mem>>, %arg12: memref<!tpu.dma_semaphore, #tpu.memory_space<semaphore_mem>>, %arg13: memref<!tpu.dma_semaphore, #tpu.memory_space<semaphore_mem>>, %arg14: memref<!tpu.dma_semaphore, #tpu.memory_space<semaphore_mem>>) attributes {dimension_semantics = [#tpu.dimension_semantics<core_parallel>, #tpu.dimension_semantics<subcore_parallel>], iteration_bounds = array<i64: 2, 16>, scalar_prefetch = 0 : i64, scratch_operands = 10 : i64, tpu.core_type = #tpu.core_type<sc_vector_subcore>, window_params = [{transform_indices = #map}, {transform_indices = #map1}, {transform_indices = #map}]} {
    %mul3A = arith.constant 2 : i32
    %mul3A_0 = arith.muli %arg1, %mul3A : i32
    %add3A = arith.addi %mul3A_0, %arg0 : i32
    %jit3A = arith.constant 8 : i32
    %eq3A = arith.constant 0 : i32
    %eq3A_1 = arith.cmpi eq, %jit3A, %eq3A : i32
    %jit3A_2 = arith.constant 1 : i32
    %select_n3A = arith.select %eq3A_1, %jit3A_2, %jit3A : i32
    %rem3A = arith.remsi %add3A, %select_n3A : i32
    %ne3A = arith.constant 0 : i32
    %ne3A_3 = arith.cmpi ne, %rem3A, %ne3A : i32
    %lt3A = arith.constant 0 : i32
    %lt3A_4 = arith.cmpi slt, %rem3A, %lt3A : i32
    %lt3A_5 = arith.constant 0 : i32
    %lt3A_6 = arith.cmpi slt, %select_n3A, %lt3A_5 : i32
    %ne3A_7 = arith.xori %lt3A_4, %lt3A_6 : i1
    %and3A = arith.andi %ne3A_7, %ne3A_3 : i1
    %add3A_8 = arith.addi %rem3A, %select_n3A : i32
    %select_n3A_9 = arith.select %and3A, %add3A_8, %rem3A : i32
    %jit3A_10 = arith.constant 8 : i32
    %div3A = arith.divsi %add3A, %jit3A_10 : i32
    %sign3A = arith.constant 0 : i32
    %sign3A_11 = arith.cmpi sgt, %add3A, %sign3A : i32
    %sign3A_12 = arith.extui %sign3A_11 : i1 to i32
    %sign3A_13 = arith.constant 0 : i32
    %sign3A_14 = arith.cmpi slt, %add3A, %sign3A_13 : i32
    %sign3A_15 = arith.extui %sign3A_14 : i1 to i32
    %sign3A_16 = arith.subi %sign3A_12, %sign3A_15 : i32
    %sign3A_17 = arith.constant 0 : i32
    %sign3A_18 = arith.cmpi sgt, %jit3A_10, %sign3A_17 : i32
    %sign3A_19 = arith.extui %sign3A_18 : i1 to i32
    %sign3A_20 = arith.constant 0 : i32
    %sign3A_21 = arith.cmpi slt, %jit3A_10, %sign3A_20 : i32
    %sign3A_22 = arith.extui %sign3A_21 : i1 to i32
    %sign3A_23 = arith.subi %sign3A_19, %sign3A_22 : i32
    %ne3A_24 = arith.cmpi ne, %sign3A_16, %sign3A_23 : i32
    %rem3A_25 = arith.remsi %add3A, %jit3A_10 : i32
    %ne3A_26 = arith.constant 0 : i32
    %ne3A_27 = arith.cmpi ne, %rem3A_25, %ne3A_26 : i32
    %and3A_28 = arith.andi %ne3A_24, %ne3A_27 : i1
    %sub3A = arith.constant 1 : i32
    %sub3A_29 = arith.subi %div3A, %sub3A : i32
    %select_n3A_30 = arith.select %and3A_28, %sub3A_29, %div3A : i32
    %mul3A_31 = arith.constant 400000 : i32
    %mul3A_32 = arith.muli %select_n3A_30, %mul3A_31 : i32
    %add3A_33 = arith.constant 0 : i32
    %add3A_34 = arith.addi %mul3A_32, %add3A_33 : i32
    %mul3A_35 = arith.constant 2 : i32
    %mul3A_36 = arith.muli %add3A_34, %mul3A_35 : i32
    %dma_start3A = tpu.memref_slice %arg3[%mul3A_36] : memref<3200000xi32, #tpu.memory_space<hbm>> -> memref<6400xi32, #tpu.memory_space<hbm>>
    %dma_start3A_37 = tpu.memref_slice %arg3[%mul3A_36] : memref<3200000xi32, #tpu.memory_space<hbm>> -> memref<6400xi32, #tpu.memory_space<hbm>>
    tpu.enqueue_dma source(%dma_start3A_37 : memref<6400xi32, #tpu.memory_space<hbm>>) target(%arg7 : memref<6400xi32, #tpu.memory_space<vmem>>) target_semaphore(%arg11 : memref<!tpu.dma_semaphore, #tpu.memory_space<semaphore_mem>>)
    %add3A_38 = arith.constant 3200 : i32
    %add3A_39 = arith.addi %mul3A_32, %add3A_38 : i32
    %mul3A_40 = arith.constant 2 : i32
    %mul3A_41 = arith.muli %add3A_39, %mul3A_40 : i32
    %dma_start3A_42 = tpu.memref_slice %arg3[%mul3A_41] : memref<3200000xi32, #tpu.memory_space<hbm>> -> memref<6400xi32, #tpu.memory_space<hbm>>
    %dma_start3A_43 = tpu.memref_slice %arg3[%mul3A_41] : memref<3200000xi32, #tpu.memory_space<hbm>> -> memref<6400xi32, #tpu.memory_space<hbm>>
    tpu.enqueue_dma source(%dma_start3A_43 : memref<6400xi32, #tpu.memory_space<hbm>>) target(%arg8 : memref<6400xi32, #tpu.memory_space<vmem>>) target_semaphore(%arg12 : memref<!tpu.dma_semaphore, #tpu.memory_space<semaphore_mem>>)
    %add3A_44 = arith.constant 6400 : i32
    %add3A_45 = arith.addi %mul3A_32, %add3A_44 : i32
    %mul3A_46 = arith.constant 2 : i32
    %mul3A_47 = arith.muli %add3A_45, %mul3A_46 : i32
    %dma_start3A_48 = tpu.memref_slice %arg3[%mul3A_47] : memref<3200000xi32, #tpu.memory_space<hbm>> -> memref<6400xi32, #tpu.memory_space<hbm>>
    %dma_start3A_49 = tpu.memref_slice %arg3[%mul3A_47] : memref<3200000xi32, #tpu.memory_space<hbm>> -> memref<6400xi32, #tpu.memory_space<hbm>>
    tpu.enqueue_dma source(%dma_start3A_49 : memref<6400xi32, #tpu.memory_space<hbm>>) target(%arg9 : memref<6400xi32, #tpu.memory_space<vmem>>) target_semaphore(%arg13 : memref<!tpu.dma_semaphore, #tpu.memory_space<semaphore_mem>>)
    "tpu.region"() ({
      %run_scoped3A = tpu.sem_alloc : memref<!tpu.dma_semaphore, #tpu.memory_space<semaphore_mem>>
      %dma_start3A_104 = arith.constant 0 : i32
      %dma_start3A_105 = tpu.memref_slice %arg2[%select_n3A_9, %dma_start3A_104] : memref<8x50000xf32, #tpu.memory_space<hbm>> -> memref<1x50000xf32, #tpu.memory_space<hbm>>
      %dma_start3A_106 = tpu.memref_squeeze %dma_start3A_105 : memref<1x50000xf32, #tpu.memory_space<hbm>> -> memref<50000xf32, #tpu.memory_space<hbm>>
      %dma_start3A_107 = arith.constant 0 : i32
      %dma_start3A_108 = tpu.memref_slice %arg2[%select_n3A_9, %dma_start3A_107] : memref<8x50000xf32, #tpu.memory_space<hbm>> -> memref<1x50000xf32, #tpu.memory_space<hbm>>
      %dma_start3A_109 = tpu.memref_squeeze %dma_start3A_108 : memref<1x50000xf32, #tpu.memory_space<hbm>> -> memref<50000xf32, #tpu.memory_space<hbm>>
      tpu.enqueue_dma source(%dma_start3A_109 : memref<50000xf32, #tpu.memory_space<hbm>>) target(%arg5 : memref<50000xf32, #tpu.memory_space<vmem>>) target_semaphore(%run_scoped3A : memref<!tpu.dma_semaphore, #tpu.memory_space<semaphore_mem>>)
      %dma_wait3A_110 = arith.constant 0 : i32
      %dma_wait3A_111 = tpu.memref_slice %arg2[%select_n3A_9, %dma_wait3A_110] : memref<8x50000xf32, #tpu.memory_space<hbm>> -> memref<1x50000xf32, #tpu.memory_space<hbm>>
      %dma_wait3A_112 = tpu.memref_squeeze %dma_wait3A_111 : memref<1x50000xf32, #tpu.memory_space<hbm>> -> memref<50000xf32, #tpu.memory_space<hbm>>
      %dma_wait3A_113 = arith.constant 0 : i32
      %dma_wait3A_114 = tpu.memref_slice %arg2[%select_n3A_9, %dma_wait3A_113] : memref<8x50000xf32, #tpu.memory_space<hbm>> -> memref<1x50000xf32, #tpu.memory_space<hbm>>
      %dma_wait3A_115 = tpu.memref_squeeze %dma_wait3A_114 : memref<1x50000xf32, #tpu.memory_space<hbm>> -> memref<50000xf32, #tpu.memory_space<hbm>>
      tpu.wait_dma2 semaphore(%run_scoped3A : memref<!tpu.dma_semaphore, #tpu.memory_space<semaphore_mem>>) src(%dma_wait3A_115 : memref<50000xf32, #tpu.memory_space<hbm>>) dst(%arg5 : memref<50000xf32, #tpu.memory_space<vmem>>)
      tpu.yield
    }) : () -> ()
    %scan3A = arith.constant 0 : i32
    %scan3A_50 = arith.constant 0 : i32
    %scan3A_51 = arith.constant 3120 : i32
    %scan3A_52 = arith.addi %scan3A_50, %scan3A_51 : i32
    %scan3A_53 = arith.constant 8 : i32
    scf.for %scan3A_104 = %scan3A_50 to %scan3A_52 step %scan3A_53  : i32 {
      %broadcast_in_dim3A_105 = arith.constant 0.000000e+00 : f32
      %broadcast_in_dim3A_106 = vector.broadcast %broadcast_in_dim3A_105 : f32 to vector<16xf32>
      %mul3A_107 = arith.constant 16 : i32
      %mul3A_108 = arith.muli %scan3A_104, %mul3A_107 : i32
      %swap3A_109 = arith.index_cast %mul3A_108 : i32 to index
      %swap3A_110 = tpu.vector_load %arg6[%swap3A_109] {strides = array<i32>} : memref<50000xf32, #tpu.memory_space<vmem>>, vector<16xf32>,
      tpu.vector_store %arg6[%swap3A_109], %broadcast_in_dim3A_106 {strides = array<i32>} : memref<50000xf32, #tpu.memory_space<vmem>>, vector<16xf32>,
      %scan3A_111 = arith.constant 1 : i32
      %scan3A_112 = arith.addi %scan3A_104, %scan3A_111 : i32
      %broadcast_in_dim3A_113 = arith.constant 0.000000e+00 : f32
      %broadcast_in_dim3A_114 = vector.broadcast %broadcast_in_dim3A_113 : f32 to vector<16xf32>
      %mul3A_115 = arith.constant 16 : i32
      %mul3A_116 = arith.muli %scan3A_112, %mul3A_115 : i32
      %swap3A_117 = arith.index_cast %mul3A_116 : i32 to index
      %swap3A_118 = tpu.vector_load %arg6[%swap3A_117] {strides = array<i32>} : memref<50000xf32, #tpu.memory_space<vmem>>, vector<16xf32>,
      tpu.vector_store %arg6[%swap3A_117], %broadcast_in_dim3A_114 {strides = array<i32>} : memref<50000xf32, #tpu.memory_space<vmem>>, vector<16xf32>,
      %scan3A_119 = arith.constant 2 : i32
      %scan3A_120 = arith.addi %scan3A_104, %scan3A_119 : i32
      %broadcast_in_dim3A_121 = arith.constant 0.000000e+00 : f32
      %broadcast_in_dim3A_122 = vector.broadcast %broadcast_in_dim3A_121 : f32 to vector<16xf32>
      %mul3A_123 = arith.constant 16 : i32
      %mul3A_124 = arith.muli %scan3A_120, %mul3A_123 : i32
      %swap3A_125 = arith.index_cast %mul3A_124 : i32 to index
      %swap3A_126 = tpu.vector_load %arg6[%swap3A_125] {strides = array<i32>} : memref<50000xf32, #tpu.memory_space<vmem>>, vector<16xf32>,
      tpu.vector_store %arg6[%swap3A_125], %broadcast_in_dim3A_122 {strides = array<i32>} : memref<50000xf32, #tpu.memory_space<vmem>>, vector<16xf32>,
      %scan3A_127 = arith.constant 3 : i32
      %scan3A_128 = arith.addi %scan3A_104, %scan3A_127 : i32
      %broadcast_in_dim3A_129 = arith.constant 0.000000e+00 : f32
      %broadcast_in_dim3A_130 = vector.broadcast %broadcast_in_dim3A_129 : f32 to vector<16xf32>
      %mul3A_131 = arith.constant 16 : i32
      %mul3A_132 = arith.muli %scan3A_128, %mul3A_131 : i32
      %swap3A_133 = arith.index_cast %mul3A_132 : i32 to index
      %swap3A_134 = tpu.vector_load %arg6[%swap3A_133] {strides = array<i32>} : memref<50000xf32, #tpu.memory_space<vmem>>, vector<16xf32>,
      tpu.vector_store %arg6[%swap3A_133], %broadcast_in_dim3A_130 {strides = array<i32>} : memref<50000xf32, #tpu.memory_space<vmem>>, vector<16xf32>,
      %scan3A_135 = arith.constant 4 : i32
      %scan3A_136 = arith.addi %scan3A_104, %scan3A_135 : i32
      %broadcast_in_dim3A_137 = arith.constant 0.000000e+00 : f32
      %broadcast_in_dim3A_138 = vector.broadcast %broadcast_in_dim3A_137 : f32 to vector<16xf32>
      %mul3A_139 = arith.constant 16 : i32
      %mul3A_140 = arith.muli %scan3A_136, %mul3A_139 : i32
      %swap3A_141 = arith.index_cast %mul3A_140 : i32 to index
      %swap3A_142 = tpu.vector_load %arg6[%swap3A_141] {strides = array<i32>} : memref<50000xf32, #tpu.memory_space<vmem>>, vector<16xf32>,
      tpu.vector_store %arg6[%swap3A_141], %broadcast_in_dim3A_138 {strides = array<i32>} : memref<50000xf32, #tpu.memory_space<vmem>>, vector<16xf32>,
      %scan3A_143 = arith.constant 5 : i32
      %scan3A_144 = arith.addi %scan3A_104, %scan3A_143 : i32
      %broadcast_in_dim3A_145 = arith.constant 0.000000e+00 : f32
      %broadcast_in_dim3A_146 = vector.broadcast %broadcast_in_dim3A_145 : f32 to vector<16xf32>
      %mul3A_147 = arith.constant 16 : i32
      %mul3A_148 = arith.muli %scan3A_144, %mul3A_147 : i32
      %swap3A_149 = arith.index_cast %mul3A_148 : i32 to index
      %swap3A_150 = tpu.vector_load %arg6[%swap3A_149] {strides = array<i32>} : memref<50000xf32, #tpu.memory_space<vmem>>, vector<16xf32>,
      tpu.vector_store %arg6[%swap3A_149], %broadcast_in_dim3A_146 {strides = array<i32>} : memref<50000xf32, #tpu.memory_space<vmem>>, vector<16xf32>,
      %scan3A_151 = arith.constant 6 : i32
      %scan3A_152 = arith.addi %scan3A_104, %scan3A_151 : i32
      %broadcast_in_dim3A_153 = arith.constant 0.000000e+00 : f32
      %broadcast_in_dim3A_154 = vector.broadcast %broadcast_in_dim3A_153 : f32 to vector<16xf32>
      %mul3A_155 = arith.constant 16 : i32
      %mul3A_156 = arith.muli %scan3A_152, %mul3A_155 : i32
      %swap3A_157 = arith.index_cast %mul3A_156 : i32 to index
      %swap3A_158 = tpu.vector_load %arg6[%swap3A_157] {strides = array<i32>} : memref<50000xf32, #tpu.memory_space<vmem>>, vector<16xf32>,
      tpu.vector_store %arg6[%swap3A_157], %broadcast_in_dim3A_154 {strides = array<i32>} : memref<50000xf32, #tpu.memory_space<vmem>>, vector<16xf32>,
      %scan3A_159 = arith.constant 7 : i32
      %scan3A_160 = arith.addi %scan3A_104, %scan3A_159 : i32
      %broadcast_in_dim3A_161 = arith.constant 0.000000e+00 : f32
      %broadcast_in_dim3A_162 = vector.broadcast %broadcast_in_dim3A_161 : f32 to vector<16xf32>
      %mul3A_163 = arith.constant 16 : i32
      %mul3A_164 = arith.muli %scan3A_160, %mul3A_163 : i32
      %swap3A_165 = arith.index_cast %mul3A_164 : i32 to index
      %swap3A_166 = tpu.vector_load %arg6[%swap3A_165] {strides = array<i32>} : memref<50000xf32, #tpu.memory_space<vmem>>, vector<16xf32>,
      tpu.vector_store %arg6[%swap3A_165], %broadcast_in_dim3A_162 {strides = array<i32>} : memref<50000xf32, #tpu.memory_space<vmem>>, vector<16xf32>,
    }
    %scan3A_54 = arith.constant 3120 : i32
    %scan3A_55 = arith.addi %scan3A_50, %scan3A_54 : i32
    %broadcast_in_dim3A = arith.constant 0.000000e+00 : f32
    %broadcast_in_dim3A_56 = vector.broadcast %broadcast_in_dim3A : f32 to vector<16xf32>
    %mul3A_57 = arith.constant 16 : i32
    %mul3A_58 = arith.muli %scan3A_55, %mul3A_57 : i32
    %swap3A = arith.index_cast %mul3A_58 : i32 to index
    %swap3A_59 = tpu.vector_load %arg6[%swap3A] {strides = array<i32>} : memref<50000xf32, #tpu.memory_space<vmem>>, vector<16xf32>,
    tpu.vector_store %arg6[%swap3A], %broadcast_in_dim3A_56 {strides = array<i32>} : memref<50000xf32, #tpu.memory_space<vmem>>, vector<16xf32>,
    %scan3A_60 = arith.constant 3121 : i32
    %scan3A_61 = arith.addi %scan3A_50, %scan3A_60 : i32
    %broadcast_in_dim3A_62 = arith.constant 0.000000e+00 : f32
    %broadcast_in_dim3A_63 = vector.broadcast %broadcast_in_dim3A_62 : f32 to vector<16xf32>
    %mul3A_64 = arith.constant 16 : i32
    %mul3A_65 = arith.muli %scan3A_61, %mul3A_64 : i32
    %swap3A_66 = arith.index_cast %mul3A_65 : i32 to index
    %swap3A_67 = tpu.vector_load %arg6[%swap3A_66] {strides = array<i32>} : memref<50000xf32, #tpu.memory_space<vmem>>, vector<16xf32>,
    tpu.vector_store %arg6[%swap3A_66], %broadcast_in_dim3A_63 {strides = array<i32>} : memref<50000xf32, #tpu.memory_space<vmem>>, vector<16xf32>,
    %scan3A_68 = arith.constant 3122 : i32
    %scan3A_69 = arith.addi %scan3A_50, %scan3A_68 : i32
    %broadcast_in_dim3A_70 = arith.constant 0.000000e+00 : f32
    %broadcast_in_dim3A_71 = vector.broadcast %broadcast_in_dim3A_70 : f32 to vector<16xf32>
    %mul3A_72 = arith.constant 16 : i32
    %mul3A_73 = arith.muli %scan3A_69, %mul3A_72 : i32
    %swap3A_74 = arith.index_cast %mul3A_73 : i32 to index
    %swap3A_75 = tpu.vector_load %arg6[%swap3A_74] {strides = array<i32>} : memref<50000xf32, #tpu.memory_space<vmem>>, vector<16xf32>,
    tpu.vector_store %arg6[%swap3A_74], %broadcast_in_dim3A_71 {strides = array<i32>} : memref<50000xf32, #tpu.memory_space<vmem>>, vector<16xf32>,
    %scan3A_76 = arith.constant 3123 : i32
    %scan3A_77 = arith.addi %scan3A_50, %scan3A_76 : i32
    %broadcast_in_dim3A_78 = arith.constant 0.000000e+00 : f32
    %broadcast_in_dim3A_79 = vector.broadcast %broadcast_in_dim3A_78 : f32 to vector<16xf32>
    %mul3A_80 = arith.constant 16 : i32
    %mul3A_81 = arith.muli %scan3A_77, %mul3A_80 : i32
    %swap3A_82 = arith.index_cast %mul3A_81 : i32 to index
    %swap3A_83 = tpu.vector_load %arg6[%swap3A_82] {strides = array<i32>} : memref<50000xf32, #tpu.memory_space<vmem>>, vector<16xf32>,
    tpu.vector_store %arg6[%swap3A_82], %broadcast_in_dim3A_79 {strides = array<i32>} : memref<50000xf32, #tpu.memory_space<vmem>>, vector<16xf32>,
    %scan3A_84 = arith.constant 3124 : i32
    %scan3A_85 = arith.addi %scan3A_50, %scan3A_84 : i32
    %broadcast_in_dim3A_86 = arith.constant 0.000000e+00 : f32
    %broadcast_in_dim3A_87 = vector.broadcast %broadcast_in_dim3A_86 : f32 to vector<16xf32>
    %mul3A_88 = arith.constant 16 : i32
    %mul3A_89 = arith.muli %scan3A_85, %mul3A_88 : i32
    %swap3A_90 = arith.index_cast %mul3A_89 : i32 to index
    %swap3A_91 = tpu.vector_load %arg6[%swap3A_90] {strides = array<i32>} : memref<50000xf32, #tpu.memory_space<vmem>>, vector<16xf32>,
    tpu.vector_store %arg6[%swap3A_90], %broadcast_in_dim3A_87 {strides = array<i32>} : memref<50000xf32, #tpu.memory_space<vmem>>, vector<16xf32>,
    %scan3A_92 = arith.constant 3125 : i32
    %scan3A_93 = arith.constant 0 : i32
    %scan3A_94 = arith.constant 0 : i32
    %scan3A_95 = arith.constant 31 : i32
    %scan3A_96 = arith.addi %scan3A_94, %scan3A_95 : i32
    %scan3A_97 = arith.constant 1 : i32
    scf.for %scan3A_104 = %scan3A_94 to %scan3A_96 step %scan3A_97  : i32 {
      %mul3A_105 = arith.constant 4 : i32
      %mul3A_106 = arith.muli %scan3A_104, %mul3A_105 : i32
      %add3A_107 = arith.constant 0 : i32
      %add3A_108 = arith.addi %mul3A_106, %add3A_107 : i32
      %add3A_109 = arith.constant 3 : i32
      %add3A_110 = arith.addi %add3A_108, %add3A_109 : i32
      %lt3A_111 = arith.constant 125 : i32
      %lt3A_112 = arith.cmpi slt, %add3A_110, %lt3A_111 : i32
      %convert_element_type3A = arith.extui %lt3A_112 : i1 to i32
      %cond3A = arith.constant 0 : i32
      %cond3A_113 = arith.cmpi ne, %convert_element_type3A, %cond3A : i32
      scf.if %cond3A_113 {
        %mul3A_169 = arith.constant 3200 : i32
        %mul3A_170 = arith.muli %add3A_110, %mul3A_169 : i32
        %add3A_171 = arith.addi %mul3A_32, %mul3A_170 : i32
        %mul3A_172 = arith.constant 2 : i32
        %mul3A_173 = arith.muli %add3A_171, %mul3A_172 : i32
        %dma_start3A_174 = tpu.memref_slice %arg3[%mul3A_173] : memref<3200000xi32, #tpu.memory_space<hbm>> -> memref<6400xi32, #tpu.memory_space<hbm>>
        %dma_start3A_175 = tpu.memref_slice %arg3[%mul3A_173] : memref<3200000xi32, #tpu.memory_space<hbm>> -> memref<6400xi32, #tpu.memory_space<hbm>>
        tpu.enqueue_dma source(%dma_start3A_175 : memref<6400xi32, #tpu.memory_space<hbm>>) target(%arg10 : memref<6400xi32, #tpu.memory_space<vmem>>) target_semaphore(%arg14 : memref<!tpu.dma_semaphore, #tpu.memory_space<semaphore_mem>>)
      } else {
      }
      %dma_wait3A_114 = arith.constant 0 : i32
      %dma_wait3A_115 = tpu.memref_slice %arg3[%dma_wait3A_114] : memref<3200000xi32, #tpu.memory_space<hbm>> -> memref<6400xi32, #tpu.memory_space<hbm>>
      %dma_wait3A_116 = arith.constant 0 : i32
      %dma_wait3A_117 = tpu.memref_slice %arg3[%dma_wait3A_116] : memref<3200000xi32, #tpu.memory_space<hbm>> -> memref<6400xi32, #tpu.memory_space<hbm>>
      tpu.wait_dma2 semaphore(%arg11 : memref<!tpu.dma_semaphore, #tpu.memory_space<semaphore_mem>>) src(%dma_wait3A_117 : memref<6400xi32, #tpu.memory_space<hbm>>) dst(%arg7 : memref<6400xi32, #tpu.memory_space<vmem>>)
      %parallel_loop3A_118 = arith.constant 0 : i32
      %parallel_loop3A_119 = arith.constant 3200 : i32
      %parallel_loop3A_120 = arith.constant 16 : i32
      scf.for %parallel_loop3A_169 = %parallel_loop3A_118 to %parallel_loop3A_119 step %parallel_loop3A_120  : i32 {
        %parallel_loop3A_170 = arith.index_cast %parallel_loop3A_169 : i32 to index
        %parallel_loop3A_171 = tpu.vector_load %arg7[%parallel_loop3A_170] {strides = array<i32>} : memref<6400xi32, #tpu.memory_space<vmem>>, vector<16xi32>,
        %parallel_loop3A_172 = arith.constant 3200 : i32
        %parallel_loop3A_173 = arith.addi %parallel_loop3A_172, %parallel_loop3A_169 : i32
        %parallel_loop3A_174 = arith.index_cast %parallel_loop3A_173 : i32 to index
        %parallel_loop3A_175 = tpu.vector_load %arg7[%parallel_loop3A_174] {strides = array<i32>} : memref<6400xi32, #tpu.memory_space<vmem>>, vector<16xi32>,
        %parallel_loop3A_176 = vector.bitcast %parallel_loop3A_175 : vector<16xi32> to vector<16xf32>
        %parallel_loop3A_177 = arith.constant 65535 : i32
        %parallel_loop3A_178 = vector.broadcast %parallel_loop3A_177 : i32 to vector<16xi32>
        %parallel_loop3A_179 = arith.andi %parallel_loop3A_171, %parallel_loop3A_178 : vector<16xi32>
        %parallel_loop3A_180 = arith.constant 16 : i32
        %parallel_loop3A_181 = vector.broadcast %parallel_loop3A_180 : i32 to vector<16xi32>
        %parallel_loop3A_182 = arith.shrui %parallel_loop3A_171, %parallel_loop3A_181 : vector<16xi32>
        %parallel_loop3A_183 = tpu.vector_load_idx %arg5[%parallel_loop3A_179] : memref<50000xf32, #tpu.memory_space<vmem>>[vector<16xi32>], vector<16xf32>,
        %parallel_loop3A_184 = arith.mulf %parallel_loop3A_183, %parallel_loop3A_176 : vector<16xf32>
        tpu.vector_store_idx %arg6[%parallel_loop3A_182], %parallel_loop3A_184 {add = true} : memref<50000xf32, #tpu.memory_space<vmem>>[vector<16xi32>], vector<16xf32>,
      } {sc.loop_unroll_factor = 8 : i64, sc.parallel_access}
      %add3A_121 = arith.constant 1 : i32
      %add3A_122 = arith.addi %mul3A_106, %add3A_121 : i32
      %add3A_123 = arith.constant 3 : i32
      %add3A_124 = arith.addi %add3A_122, %add3A_123 : i32
      %lt3A_125 = arith.constant 125 : i32
      %lt3A_126 = arith.cmpi slt, %add3A_124, %lt3A_125 : i32
      %convert_element_type3A_127 = arith.extui %lt3A_126 : i1 to i32
      %cond3A_128 = arith.constant 0 : i32
      %cond3A_129 = arith.cmpi ne, %convert_element_type3A_127, %cond3A_128 : i32
      scf.if %cond3A_129 {
        %mul3A_169 = arith.constant 3200 : i32
        %mul3A_170 = arith.muli %add3A_124, %mul3A_169 : i32
        %add3A_171 = arith.addi %mul3A_32, %mul3A_170 : i32
        %mul3A_172 = arith.constant 2 : i32
        %mul3A_173 = arith.muli %add3A_171, %mul3A_172 : i32
        %dma_start3A_174 = tpu.memref_slice %arg3[%mul3A_173] : memref<3200000xi32, #tpu.memory_space<hbm>> -> memref<6400xi32, #tpu.memory_space<hbm>>
        %dma_start3A_175 = tpu.memref_slice %arg3[%mul3A_173] : memref<3200000xi32, #tpu.memory_space<hbm>> -> memref<6400xi32, #tpu.memory_space<hbm>>
        tpu.enqueue_dma source(%dma_start3A_175 : memref<6400xi32, #tpu.memory_space<hbm>>) target(%arg7 : memref<6400xi32, #tpu.memory_space<vmem>>) target_semaphore(%arg11 : memref<!tpu.dma_semaphore, #tpu.memory_space<semaphore_mem>>)
      } else {
      }
      %dma_wait3A_130 = arith.constant 0 : i32
      %dma_wait3A_131 = tpu.memref_slice %arg3[%dma_wait3A_130] : memref<3200000xi32, #tpu.memory_space<hbm>> -> memref<6400xi32, #tpu.memory_space<hbm>>
      %dma_wait3A_132 = arith.constant 0 : i32
      %dma_wait3A_133 = tpu.memref_slice %arg3[%dma_wait3A_132] : memref<3200000xi32, #tpu.memory_space<hbm>> -> memref<6400xi32, #tpu.memory_space<hbm>>
      tpu.wait_dma2 semaphore(%arg12 : memref<!tpu.dma_semaphore, #tpu.memory_space<semaphore_mem>>) src(%dma_wait3A_133 : memref<6400xi32, #tpu.memory_space<hbm>>) dst(%arg8 : memref<6400xi32, #tpu.memory_space<vmem>>)
      %parallel_loop3A_134 = arith.constant 0 : i32
      %parallel_loop3A_135 = arith.constant 3200 : i32
      %parallel_loop3A_136 = arith.constant 16 : i32
      scf.for %parallel_loop3A_169 = %parallel_loop3A_134 to %parallel_loop3A_135 step %parallel_loop3A_136  : i32 {
        %parallel_loop3A_170 = arith.index_cast %parallel_loop3A_169 : i32 to index
        %parallel_loop3A_171 = tpu.vector_load %arg8[%parallel_loop3A_170] {strides = array<i32>} : memref<6400xi32, #tpu.memory_space<vmem>>, vector<16xi32>,
        %parallel_loop3A_172 = arith.constant 3200 : i32
        %parallel_loop3A_173 = arith.addi %parallel_loop3A_172, %parallel_loop3A_169 : i32
        %parallel_loop3A_174 = arith.index_cast %parallel_loop3A_173 : i32 to index
        %parallel_loop3A_175 = tpu.vector_load %arg8[%parallel_loop3A_174] {strides = array<i32>} : memref<6400xi32, #tpu.memory_space<vmem>>, vector<16xi32>,
        %parallel_loop3A_176 = vector.bitcast %parallel_loop3A_175 : vector<16xi32> to vector<16xf32>
        %parallel_loop3A_177 = arith.constant 65535 : i32
        %parallel_loop3A_178 = vector.broadcast %parallel_loop3A_177 : i32 to vector<16xi32>
        %parallel_loop3A_179 = arith.andi %parallel_loop3A_171, %parallel_loop3A_178 : vector<16xi32>
        %parallel_loop3A_180 = arith.constant 16 : i32
        %parallel_loop3A_181 = vector.broadcast %parallel_loop3A_180 : i32 to vector<16xi32>
        %parallel_loop3A_182 = arith.shrui %parallel_loop3A_171, %parallel_loop3A_181 : vector<16xi32>
        %parallel_loop3A_183 = tpu.vector_load_idx %arg5[%parallel_loop3A_179] : memref<50000xf32, #tpu.memory_space<vmem>>[vector<16xi32>], vector<16xf32>,
        %parallel_loop3A_184 = arith.mulf %parallel_loop3A_183, %parallel_loop3A_176 : vector<16xf32>
        tpu.vector_store_idx %arg6[%parallel_loop3A_182], %parallel_loop3A_184 {add = true} : memref<50000xf32, #tpu.memory_space<vmem>>[vector<16xi32>], vector<16xf32>,
      } {sc.loop_unroll_factor = 8 : i64, sc.parallel_access}
      %add3A_137 = arith.constant 2 : i32
      %add3A_138 = arith.addi %mul3A_106, %add3A_137 : i32
      %add3A_139 = arith.constant 3 : i32
      %add3A_140 = arith.addi %add3A_138, %add3A_139 : i32
      %lt3A_141 = arith.constant 125 : i32
      %lt3A_142 = arith.cmpi slt, %add3A_140, %lt3A_141 : i32
      %convert_element_type3A_143 = arith.extui %lt3A_142 : i1 to i32
      %cond3A_144 = arith.constant 0 : i32
      %cond3A_145 = arith.cmpi ne, %convert_element_type3A_143, %cond3A_144 : i32
      scf.if %cond3A_145 {
        %mul3A_169 = arith.constant 3200 : i32
        %mul3A_170 = arith.muli %add3A_140, %mul3A_169 : i32
        %add3A_171 = arith.addi %mul3A_32, %mul3A_170 : i32
        %mul3A_172 = arith.constant 2 : i32
        %mul3A_173 = arith.muli %add3A_171, %mul3A_172 : i32
        %dma_start3A_174 = tpu.memref_slice %arg3[%mul3A_173] : memref<3200000xi32, #tpu.memory_space<hbm>> -> memref<6400xi32, #tpu.memory_space<hbm>>
        %dma_start3A_175 = tpu.memref_slice %arg3[%mul3A_173] : memref<3200000xi32, #tpu.memory_space<hbm>> -> memref<6400xi32, #tpu.memory_space<hbm>>
        tpu.enqueue_dma source(%dma_start3A_175 : memref<6400xi32, #tpu.memory_space<hbm>>) target(%arg8 : memref<6400xi32, #tpu.memory_space<vmem>>) target_semaphore(%arg12 : memref<!tpu.dma_semaphore, #tpu.memory_space<semaphore_mem>>)
      } else {
      }
      %dma_wait3A_146 = arith.constant 0 : i32
      %dma_wait3A_147 = tpu.memref_slice %arg3[%dma_wait3A_146] : memref<3200000xi32, #tpu.memory_space<hbm>> -> memref<6400xi32, #tpu.memory_space<hbm>>
      %dma_wait3A_148 = arith.constant 0 : i32
      %dma_wait3A_149 = tpu.memref_slice %arg3[%dma_wait3A_148] : memref<3200000xi32, #tpu.memory_space<hbm>> -> memref<6400xi32, #tpu.memory_space<hbm>>
      tpu.wait_dma2 semaphore(%arg13 : memref<!tpu.dma_semaphore, #tpu.memory_space<semaphore_mem>>) src(%dma_wait3A_149 : memref<6400xi32, #tpu.memory_space<hbm>>) dst(%arg9 : memref<6400xi32, #tpu.memory_space<vmem>>)
      %parallel_loop3A_150 = arith.constant 0 : i32
      %parallel_loop3A_151 = arith.constant 3200 : i32
      %parallel_loop3A_152 = arith.constant 16 : i32
      scf.for %parallel_loop3A_169 = %parallel_loop3A_150 to %parallel_loop3A_151 step %parallel_loop3A_152  : i32 {
        %parallel_loop3A_170 = arith.index_cast %parallel_loop3A_169 : i32 to index
        %parallel_loop3A_171 = tpu.vector_load %arg9[%parallel_loop3A_170] {strides = array<i32>} : memref<6400xi32, #tpu.memory_space<vmem>>, vector<16xi32>,
        %parallel_loop3A_172 = arith.constant 3200 : i32
        %parallel_loop3A_173 = arith.addi %parallel_loop3A_172, %parallel_loop3A_169 : i32
        %parallel_loop3A_174 = arith.index_cast %parallel_loop3A_173 : i32 to index
        %parallel_loop3A_175 = tpu.vector_load %arg9[%parallel_loop3A_174] {strides = array<i32>} : memref<6400xi32, #tpu.memory_space<vmem>>, vector<16xi32>,
        %parallel_loop3A_176 = vector.bitcast %parallel_loop3A_175 : vector<16xi32> to vector<16xf32>
        %parallel_loop3A_177 = arith.constant 65535 : i32
        %parallel_loop3A_178 = vector.broadcast %parallel_loop3A_177 : i32 to vector<16xi32>
        %parallel_loop3A_179 = arith.andi %parallel_loop3A_171, %parallel_loop3A_178 : vector<16xi32>
        %parallel_loop3A_180 = arith.constant 16 : i32
        %parallel_loop3A_181 = vector.broadcast %parallel_loop3A_180 : i32 to vector<16xi32>
        %parallel_loop3A_182 = arith.shrui %parallel_loop3A_171, %parallel_loop3A_181 : vector<16xi32>
        %parallel_loop3A_183 = tpu.vector_load_idx %arg5[%parallel_loop3A_179] : memref<50000xf32, #tpu.memory_space<vmem>>[vector<16xi32>], vector<16xf32>,
        %parallel_loop3A_184 = arith.mulf %parallel_loop3A_183, %parallel_loop3A_176 : vector<16xf32>
        tpu.vector_store_idx %arg6[%parallel_loop3A_182], %parallel_loop3A_184 {add = true} : memref<50000xf32, #tpu.memory_space<vmem>>[vector<16xi32>], vector<16xf32>,
      } {sc.loop_unroll_factor = 8 : i64, sc.parallel_access}
      %add3A_153 = arith.constant 3 : i32
      %add3A_154 = arith.addi %mul3A_106, %add3A_153 : i32
      %add3A_155 = arith.constant 3 : i32
      %add3A_156 = arith.addi %add3A_154, %add3A_155 : i32
      %lt3A_157 = arith.constant 125 : i32
      %lt3A_158 = arith.cmpi slt, %add3A_156, %lt3A_157 : i32
      %convert_element_type3A_159 = arith.extui %lt3A_158 : i1 to i32
      %cond3A_160 = arith.constant 0 : i32
      %cond3A_161 = arith.cmpi ne, %convert_element_type3A_159, %cond3A_160 : i32
      scf.if %cond3A_161 {
        %mul3A_169 = arith.constant 3200 : i32
        %mul3A_170 = arith.muli %add3A_156, %mul3A_169 : i32
        %add3A_171 = arith.addi %mul3A_32, %mul3A_170 : i32
        %mul3A_172 = arith.constant 2 : i32
        %mul3A_173 = arith.muli %add3A_171, %mul3A_172 : i32
        %dma_start3A_174 = tpu.memref_slice %arg3[%mul3A_173] : memref<3200000xi32, #tpu.memory_space<hbm>> -> memref<6400xi32, #tpu.memory_space<hbm>>
        %dma_start3A_175 = tpu.memref_slice %arg3[%mul3A_173] : memref<3200000xi32, #tpu.memory_space<hbm>> -> memref<6400xi32, #tpu.memory_space<hbm>>
        tpu.enqueue_dma source(%dma_start3A_175 : memref<6400xi32, #tpu.memory_space<hbm>>) target(%arg9 : memref<6400xi32, #tpu.memory_space<vmem>>) target_semaphore(%arg13 : memref<!tpu.dma_semaphore, #tpu.memory_space<semaphore_mem>>)
      } else {
      }
      %dma_wait3A_162 = arith.constant 0 : i32
      %dma_wait3A_163 = tpu.memref_slice %arg3[%dma_wait3A_162] : memref<3200000xi32, #tpu.memory_space<hbm>> -> memref<6400xi32, #tpu.memory_space<hbm>>
      %dma_wait3A_164 = arith.constant 0 : i32
      %dma_wait3A_165 = tpu.memref_slice %arg3[%dma_wait3A_164] : memref<3200000xi32, #tpu.memory_space<hbm>> -> memref<6400xi32, #tpu.memory_space<hbm>>
      tpu.wait_dma2 semaphore(%arg14 : memref<!tpu.dma_semaphore, #tpu.memory_space<semaphore_mem>>) src(%dma_wait3A_165 : memref<6400xi32, #tpu.memory_space<hbm>>) dst(%arg10 : memref<6400xi32, #tpu.memory_space<vmem>>)
      %parallel_loop3A_166 = arith.constant 0 : i32
      %parallel_loop3A_167 = arith.constant 3200 : i32
      %parallel_loop3A_168 = arith.constant 16 : i32
      scf.for %parallel_loop3A_169 = %parallel_loop3A_166 to %parallel_loop3A_167 step %parallel_loop3A_168  : i32 {
        %parallel_loop3A_170 = arith.index_cast %parallel_loop3A_169 : i32 to index
        %parallel_loop3A_171 = tpu.vector_load %arg10[%parallel_loop3A_170] {strides = array<i32>} : memref<6400xi32, #tpu.memory_space<vmem>>, vector<16xi32>,
        %parallel_loop3A_172 = arith.constant 3200 : i32
        %parallel_loop3A_173 = arith.addi %parallel_loop3A_172, %parallel_loop3A_169 : i32
        %parallel_loop3A_174 = arith.index_cast %parallel_loop3A_173 : i32 to index
        %parallel_loop3A_175 = tpu.vector_load %arg10[%parallel_loop3A_174] {strides = array<i32>} : memref<6400xi32, #tpu.memory_space<vmem>>, vector<16xi32>,
        %parallel_loop3A_176 = vector.bitcast %parallel_loop3A_175 : vector<16xi32> to vector<16xf32>
        %parallel_loop3A_177 = arith.constant 65535 : i32
        %parallel_loop3A_178 = vector.broadcast %parallel_loop3A_177 : i32 to vector<16xi32>
        %parallel_loop3A_179 = arith.andi %parallel_loop3A_171, %parallel_loop3A_178 : vector<16xi32>
        %parallel_loop3A_180 = arith.constant 16 : i32
        %parallel_loop3A_181 = vector.broadcast %parallel_loop3A_180 : i32 to vector<16xi32>
        %parallel_loop3A_182 = arith.shrui %parallel_loop3A_171, %parallel_loop3A_181 : vector<16xi32>
        %parallel_loop3A_183 = tpu.vector_load_idx %arg5[%parallel_loop3A_179] : memref<50000xf32, #tpu.memory_space<vmem>>[vector<16xi32>], vector<16xf32>,
        %parallel_loop3A_184 = arith.mulf %parallel_loop3A_183, %parallel_loop3A_176 : vector<16xf32>
        tpu.vector_store_idx %arg6[%parallel_loop3A_182], %parallel_loop3A_184 {add = true} : memref<50000xf32, #tpu.memory_space<vmem>>[vector<16xi32>], vector<16xf32>,
      } {sc.loop_unroll_factor = 8 : i64, sc.parallel_access}
    }
    %scan3A_98 = arith.constant 31 : i32
    %dma_wait3A = arith.constant 0 : i32
    %dma_wait3A_99 = tpu.memref_slice %arg3[%dma_wait3A] : memref<3200000xi32, #tpu.memory_space<hbm>> -> memref<6400xi32, #tpu.memory_space<hbm>>
    %dma_wait3A_100 = arith.constant 0 : i32
    %dma_wait3A_101 = tpu.memref_slice %arg3[%dma_wait3A_100] : memref<3200000xi32, #tpu.memory_space<hbm>> -> memref<6400xi32, #tpu.memory_space<hbm>>
    tpu.wait_dma2 semaphore(%arg11 : memref<!tpu.dma_semaphore, #tpu.memory_space<semaphore_mem>>) src(%dma_wait3A_101 : memref<6400xi32, #tpu.memory_space<hbm>>) dst(%arg7 : memref<6400xi32, #tpu.memory_space<vmem>>)
    %parallel_loop3A = arith.constant 0 : i32
    %parallel_loop3A_102 = arith.constant 3200 : i32
    %parallel_loop3A_103 = arith.constant 16 : i32
    scf.for %parallel_loop3A_104 = %parallel_loop3A to %parallel_loop3A_102 step %parallel_loop3A_103  : i32 {
      %parallel_loop3A_105 = arith.index_cast %parallel_loop3A_104 : i32 to index
      %parallel_loop3A_106 = tpu.vector_load %arg7[%parallel_loop3A_105] {strides = array<i32>} : memref<6400xi32, #tpu.memory_space<vmem>>, vector<16xi32>,
      %parallel_loop3A_107 = arith.constant 3200 : i32
      %parallel_loop3A_108 = arith.addi %parallel_loop3A_107, %parallel_loop3A_104 : i32
      %parallel_loop3A_109 = arith.index_cast %parallel_loop3A_108 : i32 to index
      %parallel_loop3A_110 = tpu.vector_load %arg7[%parallel_loop3A_109] {strides = array<i32>} : memref<6400xi32, #tpu.memory_space<vmem>>, vector<16xi32>,
      %parallel_loop3A_111 = vector.bitcast %parallel_loop3A_110 : vector<16xi32> to vector<16xf32>
      %parallel_loop3A_112 = arith.constant 65535 : i32
      %parallel_loop3A_113 = vector.broadcast %parallel_loop3A_112 : i32 to vector<16xi32>
      %parallel_loop3A_114 = arith.andi %parallel_loop3A_106, %parallel_loop3A_113 : vector<16xi32>
      %parallel_loop3A_115 = arith.constant 16 : i32
      %parallel_loop3A_116 = vector.broadcast %parallel_loop3A_115 : i32 to vector<16xi32>
      %parallel_loop3A_117 = arith.shrui %parallel_loop3A_106, %parallel_loop3A_116 : vector<16xi32>
      %parallel_loop3A_118 = tpu.vector_load_idx %arg5[%parallel_loop3A_114] : memref<50000xf32, #tpu.memory_space<vmem>>[vector<16xi32>], vector<16xf32>,
      %parallel_loop3A_119 = arith.mulf %parallel_loop3A_118, %parallel_loop3A_111 : vector<16xf32>
      tpu.vector_store_idx %arg6[%parallel_loop3A_117], %parallel_loop3A_119 {add = true} : memref<50000xf32, #tpu.memory_space<vmem>>[vector<16xi32>], vector<16xf32>,
    } {sc.loop_unroll_factor = 8 : i64, sc.parallel_access}
    "tpu.region"() ({
      %run_scoped3A = tpu.sem_alloc : memref<!tpu.dma_semaphore, #tpu.memory_space<semaphore_mem>>
      %dma_start3A_104 = arith.constant 0 : i32
      %dma_start3A_105 = tpu.memref_slice %arg4[%add3A, %dma_start3A_104] : memref<32x50000xf32, #tpu.memory_space<hbm>> -> memref<1x50000xf32, #tpu.memory_space<hbm>>
      %dma_start3A_106 = tpu.memref_squeeze %dma_start3A_105 : memref<1x50000xf32, #tpu.memory_space<hbm>> -> memref<50000xf32, #tpu.memory_space<hbm>>
      %dma_start3A_107 = arith.constant 0 : i32
      %dma_start3A_108 = tpu.memref_slice %arg4[%add3A, %dma_start3A_107] : memref<32x50000xf32, #tpu.memory_space<hbm>> -> memref<1x50000xf32, #tpu.memory_space<hbm>>
      %dma_start3A_109 = tpu.memref_squeeze %dma_start3A_108 : memref<1x50000xf32, #tpu.memory_space<hbm>> -> memref<50000xf32, #tpu.memory_space<hbm>>
      tpu.enqueue_dma source(%arg6 : memref<50000xf32, #tpu.memory_space<vmem>>) target(%dma_start3A_109 : memref<50000xf32, #tpu.memory_space<hbm>>) target_semaphore(%run_scoped3A : memref<!tpu.dma_semaphore, #tpu.memory_space<semaphore_mem>>)
      %dma_wait3A_110 = arith.constant 0 : i32
      %dma_wait3A_111 = tpu.memref_slice %arg4[%add3A, %dma_wait3A_110] : memref<32x50000xf32, #tpu.memory_space<hbm>> -> memref<1x50000xf32, #tpu.memory_space<hbm>>
      %dma_wait3A_112 = tpu.memref_squeeze %dma_wait3A_111 : memref<1x50000xf32, #tpu.memory_space<hbm>> -> memref<50000xf32, #tpu.memory_space<hbm>>
      %dma_wait3A_113 = arith.constant 0 : i32
      %dma_wait3A_114 = tpu.memref_slice %arg4[%add3A, %dma_wait3A_113] : memref<32x50000xf32, #tpu.memory_space<hbm>> -> memref<1x50000xf32, #tpu.memory_space<hbm>>
      %dma_wait3A_115 = tpu.memref_squeeze %dma_wait3A_114 : memref<1x50000xf32, #tpu.memory_space<hbm>> -> memref<50000xf32, #tpu.memory_space<hbm>>
      tpu.wait_dma2 semaphore(%run_scoped3A : memref<!tpu.dma_semaphore, #tpu.memory_space<semaphore_mem>>) src(%arg6 : memref<50000xf32, #tpu.memory_space<vmem>>) dst(%dma_wait3A_115 : memref<50000xf32, #tpu.memory_space<hbm>>)
      tpu.yield
    }) : () -> ()
    return
  }
}

#map = affine_map<(d0, d1) -> (0, 0)>
#map1 = affine_map<(d0, d1) -> (0)>
module attributes {stable_mosaic.version = 14 : i64} {
  func.func @prop(%arg0: i32, %arg1: i32, %arg2: memref<8x50000xf32, #tpu.memory_space<hbm>>, %arg3: memref<3200000xi32, #tpu.memory_space<hbm>>, %arg4: memref<32x50000xf32, #tpu.memory_space<hbm>>, %arg5: memref<50000xf32, #tpu.memory_space<vmem>>, %arg6: memref<50000xf32, #tpu.memory_space<vmem>>, %arg7: memref<6400xi32, #tpu.memory_space<vmem>>, %arg8: memref<6400xi32, #tpu.memory_space<vmem>>, %arg9: memref<6400xi32, #tpu.memory_space<vmem>>, %arg10: memref<6400xi32, #tpu.memory_space<vmem>>, %arg11: memref<!tpu.dma_semaphore, #tpu.memory_space<semaphore_mem>>, %arg12: memref<!tpu.dma_semaphore, #tpu.memory_space<semaphore_mem>>, %arg13: memref<!tpu.dma_semaphore, #tpu.memory_space<semaphore_mem>>, %arg14: memref<!tpu.dma_semaphore, #tpu.memory_space<semaphore_mem>>) attributes {dimension_semantics = [#tpu.dimension_semantics<core_parallel>, #tpu.dimension_semantics<subcore_parallel>], iteration_bounds = array<i64: 2, 16>, scalar_prefetch = 0 : i64, scratch_operands = 10 : i64, tpu.core_type = #tpu.core_type<sc_vector_subcore>, window_params = [{transform_indices = #map}, {transform_indices = #map1}, {transform_indices = #map}]} {
    %mul3A = arith.constant 2 : i32
    %mul3A_0 = arith.muli %arg1, %mul3A : i32
    %add3A = arith.addi %mul3A_0, %arg0 : i32
    %jit3A = arith.constant 8 : i32
    %eq3A = arith.constant 0 : i32
    %eq3A_1 = arith.cmpi eq, %jit3A, %eq3A : i32
    %jit3A_2 = arith.constant 1 : i32
    %select_n3A = arith.select %eq3A_1, %jit3A_2, %jit3A : i32
    %rem3A = arith.remsi %add3A, %select_n3A : i32
    %ne3A = arith.constant 0 : i32
    %ne3A_3 = arith.cmpi ne, %rem3A, %ne3A : i32
    %lt3A = arith.constant 0 : i32
    %lt3A_4 = arith.cmpi slt, %rem3A, %lt3A : i32
    %lt3A_5 = arith.constant 0 : i32
    %lt3A_6 = arith.cmpi slt, %select_n3A, %lt3A_5 : i32
    %ne3A_7 = arith.xori %lt3A_4, %lt3A_6 : i1
    %and3A = arith.andi %ne3A_7, %ne3A_3 : i1
    %add3A_8 = arith.addi %rem3A, %select_n3A : i32
    %select_n3A_9 = arith.select %and3A, %add3A_8, %rem3A : i32
    %jit3A_10 = arith.constant 8 : i32
    %div3A = arith.divsi %add3A, %jit3A_10 : i32
    %sign3A = arith.constant 0 : i32
    %sign3A_11 = arith.cmpi sgt, %add3A, %sign3A : i32
    %sign3A_12 = arith.extui %sign3A_11 : i1 to i32
    %sign3A_13 = arith.constant 0 : i32
    %sign3A_14 = arith.cmpi slt, %add3A, %sign3A_13 : i32
    %sign3A_15 = arith.extui %sign3A_14 : i1 to i32
    %sign3A_16 = arith.subi %sign3A_12, %sign3A_15 : i32
    %sign3A_17 = arith.constant 0 : i32
    %sign3A_18 = arith.cmpi sgt, %jit3A_10, %sign3A_17 : i32
    %sign3A_19 = arith.extui %sign3A_18 : i1 to i32
    %sign3A_20 = arith.constant 0 : i32
    %sign3A_21 = arith.cmpi slt, %jit3A_10, %sign3A_20 : i32
    %sign3A_22 = arith.extui %sign3A_21 : i1 to i32
    %sign3A_23 = arith.subi %sign3A_19, %sign3A_22 : i32
    %ne3A_24 = arith.cmpi ne, %sign3A_16, %sign3A_23 : i32
    %rem3A_25 = arith.remsi %add3A, %jit3A_10 : i32
    %ne3A_26 = arith.constant 0 : i32
    %ne3A_27 = arith.cmpi ne, %rem3A_25, %ne3A_26 : i32
    %and3A_28 = arith.andi %ne3A_24, %ne3A_27 : i1
    %sub3A = arith.constant 1 : i32
    %sub3A_29 = arith.subi %div3A, %sub3A : i32
    %select_n3A_30 = arith.select %and3A_28, %sub3A_29, %div3A : i32
    %mul3A_31 = arith.constant 400000 : i32
    %mul3A_32 = arith.muli %select_n3A_30, %mul3A_31 : i32
    %add3A_33 = arith.constant 0 : i32
    %add3A_34 = arith.addi %mul3A_32, %add3A_33 : i32
    %mul3A_35 = arith.constant 2 : i32
    %mul3A_36 = arith.muli %add3A_34, %mul3A_35 : i32
    %dma_start3A = tpu.memref_slice %arg3[%mul3A_36] : memref<3200000xi32, #tpu.memory_space<hbm>> -> memref<6400xi32, #tpu.memory_space<hbm>>
    %dma_start3A_37 = tpu.memref_slice %arg3[%mul3A_36] : memref<3200000xi32, #tpu.memory_space<hbm>> -> memref<6400xi32, #tpu.memory_space<hbm>>
    tpu.enqueue_dma source(%dma_start3A_37 : memref<6400xi32, #tpu.memory_space<hbm>>) target(%arg7 : memref<6400xi32, #tpu.memory_space<vmem>>) target_semaphore(%arg11 : memref<!tpu.dma_semaphore, #tpu.memory_space<semaphore_mem>>)
    %add3A_38 = arith.constant 3200 : i32
    %add3A_39 = arith.addi %mul3A_32, %add3A_38 : i32
    %mul3A_40 = arith.constant 2 : i32
    %mul3A_41 = arith.muli %add3A_39, %mul3A_40 : i32
    %dma_start3A_42 = tpu.memref_slice %arg3[%mul3A_41] : memref<3200000xi32, #tpu.memory_space<hbm>> -> memref<6400xi32, #tpu.memory_space<hbm>>
    %dma_start3A_43 = tpu.memref_slice %arg3[%mul3A_41] : memref<3200000xi32, #tpu.memory_space<hbm>> -> memref<6400xi32, #tpu.memory_space<hbm>>
    tpu.enqueue_dma source(%dma_start3A_43 : memref<6400xi32, #tpu.memory_space<hbm>>) target(%arg8 : memref<6400xi32, #tpu.memory_space<vmem>>) target_semaphore(%arg12 : memref<!tpu.dma_semaphore, #tpu.memory_space<semaphore_mem>>)
    %add3A_44 = arith.constant 6400 : i32
    %add3A_45 = arith.addi %mul3A_32, %add3A_44 : i32
    %mul3A_46 = arith.constant 2 : i32
    %mul3A_47 = arith.muli %add3A_45, %mul3A_46 : i32
    %dma_start3A_48 = tpu.memref_slice %arg3[%mul3A_47] : memref<3200000xi32, #tpu.memory_space<hbm>> -> memref<6400xi32, #tpu.memory_space<hbm>>
    %dma_start3A_49 = tpu.memref_slice %arg3[%mul3A_47] : memref<3200000xi32, #tpu.memory_space<hbm>> -> memref<6400xi32, #tpu.memory_space<hbm>>
    tpu.enqueue_dma source(%dma_start3A_49 : memref<6400xi32, #tpu.memory_space<hbm>>) target(%arg9 : memref<6400xi32, #tpu.memory_space<vmem>>) target_semaphore(%arg13 : memref<!tpu.dma_semaphore, #tpu.memory_space<semaphore_mem>>)
    "tpu.region"() ({
      %run_scoped3A = tpu.sem_alloc : memref<!tpu.dma_semaphore, #tpu.memory_space<semaphore_mem>>
      %dma_start3A_104 = arith.constant 0 : i32
      %dma_start3A_105 = tpu.memref_slice %arg2[%select_n3A_9, %dma_start3A_104] : memref<8x50000xf32, #tpu.memory_space<hbm>> -> memref<1x50000xf32, #tpu.memory_space<hbm>>
      %dma_start3A_106 = tpu.memref_squeeze %dma_start3A_105 : memref<1x50000xf32, #tpu.memory_space<hbm>> -> memref<50000xf32, #tpu.memory_space<hbm>>
      %dma_start3A_107 = arith.constant 0 : i32
      %dma_start3A_108 = tpu.memref_slice %arg2[%select_n3A_9, %dma_start3A_107] : memref<8x50000xf32, #tpu.memory_space<hbm>> -> memref<1x50000xf32, #tpu.memory_space<hbm>>
      %dma_start3A_109 = tpu.memref_squeeze %dma_start3A_108 : memref<1x50000xf32, #tpu.memory_space<hbm>> -> memref<50000xf32, #tpu.memory_space<hbm>>
      tpu.enqueue_dma source(%dma_start3A_109 : memref<50000xf32, #tpu.memory_space<hbm>>) target(%arg5 : memref<50000xf32, #tpu.memory_space<vmem>>) target_semaphore(%run_scoped3A : memref<!tpu.dma_semaphore, #tpu.memory_space<semaphore_mem>>)
      %dma_wait3A_110 = arith.constant 0 : i32
      %dma_wait3A_111 = tpu.memref_slice %arg2[%select_n3A_9, %dma_wait3A_110] : memref<8x50000xf32, #tpu.memory_space<hbm>> -> memref<1x50000xf32, #tpu.memory_space<hbm>>
      %dma_wait3A_112 = tpu.memref_squeeze %dma_wait3A_111 : memref<1x50000xf32, #tpu.memory_space<hbm>> -> memref<50000xf32, #tpu.memory_space<hbm>>
      %dma_wait3A_113 = arith.constant 0 : i32
      %dma_wait3A_114 = tpu.memref_slice %arg2[%select_n3A_9, %dma_wait3A_113] : memref<8x50000xf32, #tpu.memory_space<hbm>> -> memref<1x50000xf32, #tpu.memory_space<hbm>>
      %dma_wait3A_115 = tpu.memref_squeeze %dma_wait3A_114 : memref<1x50000xf32, #tpu.memory_space<hbm>> -> memref<50000xf32, #tpu.memory_space<hbm>>
      tpu.wait_dma2 semaphore(%run_scoped3A : memref<!tpu.dma_semaphore, #tpu.memory_space<semaphore_mem>>) src(%dma_wait3A_115 : memref<50000xf32, #tpu.memory_space<hbm>>) dst(%arg5 : memref<50000xf32, #tpu.memory_space<vmem>>)
      tpu.yield
    }) : () -> ()
    %scan3A = arith.constant 0 : i32
    %scan3A_50 = arith.constant 0 : i32
    %scan3A_51 = arith.constant 3120 : i32
    %scan3A_52 = arith.addi %scan3A_50, %scan3A_51 : i32
    %scan3A_53 = arith.constant 8 : i32
    scf.for %scan3A_104 = %scan3A_50 to %scan3A_52 step %scan3A_53  : i32 {
      %broadcast_in_dim3A_105 = arith.constant 0.000000e+00 : f32
      %broadcast_in_dim3A_106 = vector.broadcast %broadcast_in_dim3A_105 : f32 to vector<16xf32>
      %mul3A_107 = arith.constant 16 : i32
      %mul3A_108 = arith.muli %scan3A_104, %mul3A_107 : i32
      %swap3A_109 = arith.index_cast %mul3A_108 : i32 to index
      %swap3A_110 = tpu.vector_load %arg6[%swap3A_109] {strides = array<i32>} : memref<50000xf32, #tpu.memory_space<vmem>>, vector<16xf32>,
      tpu.vector_store %arg6[%swap3A_109], %broadcast_in_dim3A_106 {strides = array<i32>} : memref<50000xf32, #tpu.memory_space<vmem>>, vector<16xf32>,
      %scan3A_111 = arith.constant 1 : i32
      %scan3A_112 = arith.addi %scan3A_104, %scan3A_111 : i32
      %broadcast_in_dim3A_113 = arith.constant 0.000000e+00 : f32
      %broadcast_in_dim3A_114 = vector.broadcast %broadcast_in_dim3A_113 : f32 to vector<16xf32>
      %mul3A_115 = arith.constant 16 : i32
      %mul3A_116 = arith.muli %scan3A_112, %mul3A_115 : i32
      %swap3A_117 = arith.index_cast %mul3A_116 : i32 to index
      %swap3A_118 = tpu.vector_load %arg6[%swap3A_117] {strides = array<i32>} : memref<50000xf32, #tpu.memory_space<vmem>>, vector<16xf32>,
      tpu.vector_store %arg6[%swap3A_117], %broadcast_in_dim3A_114 {strides = array<i32>} : memref<50000xf32, #tpu.memory_space<vmem>>, vector<16xf32>,
      %scan3A_119 = arith.constant 2 : i32
      %scan3A_120 = arith.addi %scan3A_104, %scan3A_119 : i32
      %broadcast_in_dim3A_121 = arith.constant 0.000000e+00 : f32
      %broadcast_in_dim3A_122 = vector.broadcast %broadcast_in_dim3A_121 : f32 to vector<16xf32>
      %mul3A_123 = arith.constant 16 : i32
      %mul3A_124 = arith.muli %scan3A_120, %mul3A_123 : i32
      %swap3A_125 = arith.index_cast %mul3A_124 : i32 to index
      %swap3A_126 = tpu.vector_load %arg6[%swap3A_125] {strides = array<i32>} : memref<50000xf32, #tpu.memory_space<vmem>>, vector<16xf32>,
      tpu.vector_store %arg6[%swap3A_125], %broadcast_in_dim3A_122 {strides = array<i32>} : memref<50000xf32, #tpu.memory_space<vmem>>, vector<16xf32>,
      %scan3A_127 = arith.constant 3 : i32
      %scan3A_128 = arith.addi %scan3A_104, %scan3A_127 : i32
      %broadcast_in_dim3A_129 = arith.constant 0.000000e+00 : f32
      %broadcast_in_dim3A_130 = vector.broadcast %broadcast_in_dim3A_129 : f32 to vector<16xf32>
      %mul3A_131 = arith.constant 16 : i32
      %mul3A_132 = arith.muli %scan3A_128, %mul3A_131 : i32
      %swap3A_133 = arith.index_cast %mul3A_132 : i32 to index
      %swap3A_134 = tpu.vector_load %arg6[%swap3A_133] {strides = array<i32>} : memref<50000xf32, #tpu.memory_space<vmem>>, vector<16xf32>,
      tpu.vector_store %arg6[%swap3A_133], %broadcast_in_dim3A_130 {strides = array<i32>} : memref<50000xf32, #tpu.memory_space<vmem>>, vector<16xf32>,
      %scan3A_135 = arith.constant 4 : i32
      %scan3A_136 = arith.addi %scan3A_104, %scan3A_135 : i32
      %broadcast_in_dim3A_137 = arith.constant 0.000000e+00 : f32
      %broadcast_in_dim3A_138 = vector.broadcast %broadcast_in_dim3A_137 : f32 to vector<16xf32>
      %mul3A_139 = arith.constant 16 : i32
      %mul3A_140 = arith.muli %scan3A_136, %mul3A_139 : i32
      %swap3A_141 = arith.index_cast %mul3A_140 : i32 to index
      %swap3A_142 = tpu.vector_load %arg6[%swap3A_141] {strides = array<i32>} : memref<50000xf32, #tpu.memory_space<vmem>>, vector<16xf32>,
      tpu.vector_store %arg6[%swap3A_141], %broadcast_in_dim3A_138 {strides = array<i32>} : memref<50000xf32, #tpu.memory_space<vmem>>, vector<16xf32>,
      %scan3A_143 = arith.constant 5 : i32
      %scan3A_144 = arith.addi %scan3A_104, %scan3A_143 : i32
      %broadcast_in_dim3A_145 = arith.constant 0.000000e+00 : f32
      %broadcast_in_dim3A_146 = vector.broadcast %broadcast_in_dim3A_145 : f32 to vector<16xf32>
      %mul3A_147 = arith.constant 16 : i32
      %mul3A_148 = arith.muli %scan3A_144, %mul3A_147 : i32
      %swap3A_149 = arith.index_cast %mul3A_148 : i32 to index
      %swap3A_150 = tpu.vector_load %arg6[%swap3A_149] {strides = array<i32>} : memref<50000xf32, #tpu.memory_space<vmem>>, vector<16xf32>,
      tpu.vector_store %arg6[%swap3A_149], %broadcast_in_dim3A_146 {strides = array<i32>} : memref<50000xf32, #tpu.memory_space<vmem>>, vector<16xf32>,
      %scan3A_151 = arith.constant 6 : i32
      %scan3A_152 = arith.addi %scan3A_104, %scan3A_151 : i32
      %broadcast_in_dim3A_153 = arith.constant 0.000000e+00 : f32
      %broadcast_in_dim3A_154 = vector.broadcast %broadcast_in_dim3A_153 : f32 to vector<16xf32>
      %mul3A_155 = arith.constant 16 : i32
      %mul3A_156 = arith.muli %scan3A_152, %mul3A_155 : i32
      %swap3A_157 = arith.index_cast %mul3A_156 : i32 to index
      %swap3A_158 = tpu.vector_load %arg6[%swap3A_157] {strides = array<i32>} : memref<50000xf32, #tpu.memory_space<vmem>>, vector<16xf32>,
      tpu.vector_store %arg6[%swap3A_157], %broadcast_in_dim3A_154 {strides = array<i32>} : memref<50000xf32, #tpu.memory_space<vmem>>, vector<16xf32>,
      %scan3A_159 = arith.constant 7 : i32
      %scan3A_160 = arith.addi %scan3A_104, %scan3A_159 : i32
      %broadcast_in_dim3A_161 = arith.constant 0.000000e+00 : f32
      %broadcast_in_dim3A_162 = vector.broadcast %broadcast_in_dim3A_161 : f32 to vector<16xf32>
      %mul3A_163 = arith.constant 16 : i32
      %mul3A_164 = arith.muli %scan3A_160, %mul3A_163 : i32
      %swap3A_165 = arith.index_cast %mul3A_164 : i32 to index
      %swap3A_166 = tpu.vector_load %arg6[%swap3A_165] {strides = array<i32>} : memref<50000xf32, #tpu.memory_space<vmem>>, vector<16xf32>,
      tpu.vector_store %arg6[%swap3A_165], %broadcast_in_dim3A_162 {strides = array<i32>} : memref<50000xf32, #tpu.memory_space<vmem>>, vector<16xf32>,
    }
    %scan3A_54 = arith.constant 3120 : i32
    %scan3A_55 = arith.addi %scan3A_50, %scan3A_54 : i32
    %broadcast_in_dim3A = arith.constant 0.000000e+00 : f32
    %broadcast_in_dim3A_56 = vector.broadcast %broadcast_in_dim3A : f32 to vector<16xf32>
    %mul3A_57 = arith.constant 16 : i32
    %mul3A_58 = arith.muli %scan3A_55, %mul3A_57 : i32
    %swap3A = arith.index_cast %mul3A_58 : i32 to index
    %swap3A_59 = tpu.vector_load %arg6[%swap3A] {strides = array<i32>} : memref<50000xf32, #tpu.memory_space<vmem>>, vector<16xf32>,
    tpu.vector_store %arg6[%swap3A], %broadcast_in_dim3A_56 {strides = array<i32>} : memref<50000xf32, #tpu.memory_space<vmem>>, vector<16xf32>,
    %scan3A_60 = arith.constant 3121 : i32
    %scan3A_61 = arith.addi %scan3A_50, %scan3A_60 : i32
    %broadcast_in_dim3A_62 = arith.constant 0.000000e+00 : f32
    %broadcast_in_dim3A_63 = vector.broadcast %broadcast_in_dim3A_62 : f32 to vector<16xf32>
    %mul3A_64 = arith.constant 16 : i32
    %mul3A_65 = arith.muli %scan3A_61, %mul3A_64 : i32
    %swap3A_66 = arith.index_cast %mul3A_65 : i32 to index
    %swap3A_67 = tpu.vector_load %arg6[%swap3A_66] {strides = array<i32>} : memref<50000xf32, #tpu.memory_space<vmem>>, vector<16xf32>,
    tpu.vector_store %arg6[%swap3A_66], %broadcast_in_dim3A_63 {strides = array<i32>} : memref<50000xf32, #tpu.memory_space<vmem>>, vector<16xf32>,
    %scan3A_68 = arith.constant 3122 : i32
    %scan3A_69 = arith.addi %scan3A_50, %scan3A_68 : i32
    %broadcast_in_dim3A_70 = arith.constant 0.000000e+00 : f32
    %broadcast_in_dim3A_71 = vector.broadcast %broadcast_in_dim3A_70 : f32 to vector<16xf32>
    %mul3A_72 = arith.constant 16 : i32
    %mul3A_73 = arith.muli %scan3A_69, %mul3A_72 : i32
    %swap3A_74 = arith.index_cast %mul3A_73 : i32 to index
    %swap3A_75 = tpu.vector_load %arg6[%swap3A_74] {strides = array<i32>} : memref<50000xf32, #tpu.memory_space<vmem>>, vector<16xf32>,
    tpu.vector_store %arg6[%swap3A_74], %broadcast_in_dim3A_71 {strides = array<i32>} : memref<50000xf32, #tpu.memory_space<vmem>>, vector<16xf32>,
    %scan3A_76 = arith.constant 3123 : i32
    %scan3A_77 = arith.addi %scan3A_50, %scan3A_76 : i32
    %broadcast_in_dim3A_78 = arith.constant 0.000000e+00 : f32
    %broadcast_in_dim3A_79 = vector.broadcast %broadcast_in_dim3A_78 : f32 to vector<16xf32>
    %mul3A_80 = arith.constant 16 : i32
    %mul3A_81 = arith.muli %scan3A_77, %mul3A_80 : i32
    %swap3A_82 = arith.index_cast %mul3A_81 : i32 to index
    %swap3A_83 = tpu.vector_load %arg6[%swap3A_82] {strides = array<i32>} : memref<50000xf32, #tpu.memory_space<vmem>>, vector<16xf32>,
    tpu.vector_store %arg6[%swap3A_82], %broadcast_in_dim3A_79 {strides = array<i32>} : memref<50000xf32, #tpu.memory_space<vmem>>, vector<16xf32>,
    %scan3A_84 = arith.constant 3124 : i32
    %scan3A_85 = arith.addi %scan3A_50, %scan3A_84 : i32
    %broadcast_in_dim3A_86 = arith.constant 0.000000e+00 : f32
    %broadcast_in_dim3A_87 = vector.broadcast %broadcast_in_dim3A_86 : f32 to vector<16xf32>
    %mul3A_88 = arith.constant 16 : i32
    %mul3A_89 = arith.muli %scan3A_85, %mul3A_88 : i32
    %swap3A_90 = arith.index_cast %mul3A_89 : i32 to index
    %swap3A_91 = tpu.vector_load %arg6[%swap3A_90] {strides = array<i32>} : memref<50000xf32, #tpu.memory_space<vmem>>, vector<16xf32>,
    tpu.vector_store %arg6[%swap3A_90], %broadcast_in_dim3A_87 {strides = array<i32>} : memref<50000xf32, #tpu.memory_space<vmem>>, vector<16xf32>,
    %scan3A_92 = arith.constant 3125 : i32
    %scan3A_93 = arith.constant 0 : i32
    %scan3A_94 = arith.constant 0 : i32
    %scan3A_95 = arith.constant 31 : i32
    %scan3A_96 = arith.addi %scan3A_94, %scan3A_95 : i32
    %scan3A_97 = arith.constant 1 : i32
    scf.for %scan3A_104 = %scan3A_94 to %scan3A_96 step %scan3A_97  : i32 {
      %mul3A_105 = arith.constant 4 : i32
      %mul3A_106 = arith.muli %scan3A_104, %mul3A_105 : i32
      %add3A_107 = arith.constant 0 : i32
      %add3A_108 = arith.addi %mul3A_106, %add3A_107 : i32
      %add3A_109 = arith.constant 3 : i32
      %add3A_110 = arith.addi %add3A_108, %add3A_109 : i32
      %lt3A_111 = arith.constant 125 : i32
      %lt3A_112 = arith.cmpi slt, %add3A_110, %lt3A_111 : i32
      %convert_element_type3A = arith.extui %lt3A_112 : i1 to i32
      %cond3A = arith.constant 0 : i32
      %cond3A_113 = arith.cmpi ne, %convert_element_type3A, %cond3A : i32
      scf.if %cond3A_113 {
        %mul3A_169 = arith.constant 3200 : i32
        %mul3A_170 = arith.muli %add3A_110, %mul3A_169 : i32
        %add3A_171 = arith.addi %mul3A_32, %mul3A_170 : i32
        %mul3A_172 = arith.constant 2 : i32
        %mul3A_173 = arith.muli %add3A_171, %mul3A_172 : i32
        %dma_start3A_174 = tpu.memref_slice %arg3[%mul3A_173] : memref<3200000xi32, #tpu.memory_space<hbm>> -> memref<6400xi32, #tpu.memory_space<hbm>>
        %dma_start3A_175 = tpu.memref_slice %arg3[%mul3A_173] : memref<3200000xi32, #tpu.memory_space<hbm>> -> memref<6400xi32, #tpu.memory_space<hbm>>
        tpu.enqueue_dma source(%dma_start3A_175 : memref<6400xi32, #tpu.memory_space<hbm>>) target(%arg10 : memref<6400xi32, #tpu.memory_space<vmem>>) target_semaphore(%arg14 : memref<!tpu.dma_semaphore, #tpu.memory_space<semaphore_mem>>)
      } else {
      }
      %dma_wait3A_114 = arith.constant 0 : i32
      %dma_wait3A_115 = tpu.memref_slice %arg3[%dma_wait3A_114] : memref<3200000xi32, #tpu.memory_space<hbm>> -> memref<6400xi32, #tpu.memory_space<hbm>>
      %dma_wait3A_116 = arith.constant 0 : i32
      %dma_wait3A_117 = tpu.memref_slice %arg3[%dma_wait3A_116] : memref<3200000xi32, #tpu.memory_space<hbm>> -> memref<6400xi32, #tpu.memory_space<hbm>>
      tpu.wait_dma2 semaphore(%arg11 : memref<!tpu.dma_semaphore, #tpu.memory_space<semaphore_mem>>) src(%dma_wait3A_117 : memref<6400xi32, #tpu.memory_space<hbm>>) dst(%arg7 : memref<6400xi32, #tpu.memory_space<vmem>>)
      %parallel_loop3A_118 = arith.constant 0 : i32
      %parallel_loop3A_119 = arith.constant 3200 : i32
      %parallel_loop3A_120 = arith.constant 16 : i32
      scf.for %parallel_loop3A_169 = %parallel_loop3A_118 to %parallel_loop3A_119 step %parallel_loop3A_120  : i32 {
        %parallel_loop3A_170 = arith.index_cast %parallel_loop3A_169 : i32 to index
        %parallel_loop3A_171 = tpu.vector_load %arg7[%parallel_loop3A_170] {strides = array<i32>} : memref<6400xi32, #tpu.memory_space<vmem>>, vector<16xi32>,
        %parallel_loop3A_172 = arith.constant 3200 : i32
        %parallel_loop3A_173 = arith.addi %parallel_loop3A_172, %parallel_loop3A_169 : i32
        %parallel_loop3A_174 = arith.index_cast %parallel_loop3A_173 : i32 to index
        %parallel_loop3A_175 = tpu.vector_load %arg7[%parallel_loop3A_174] {strides = array<i32>} : memref<6400xi32, #tpu.memory_space<vmem>>, vector<16xi32>,
        %parallel_loop3A_176 = vector.bitcast %parallel_loop3A_175 : vector<16xi32> to vector<16xf32>
        %parallel_loop3A_177 = arith.constant 65535 : i32
        %parallel_loop3A_178 = vector.broadcast %parallel_loop3A_177 : i32 to vector<16xi32>
        %parallel_loop3A_179 = arith.andi %parallel_loop3A_171, %parallel_loop3A_178 : vector<16xi32>
        %parallel_loop3A_180 = arith.constant 16 : i32
        %parallel_loop3A_181 = vector.broadcast %parallel_loop3A_180 : i32 to vector<16xi32>
        %parallel_loop3A_182 = arith.shrui %parallel_loop3A_171, %parallel_loop3A_181 : vector<16xi32>
        %parallel_loop3A_183 = tpu.vector_load_idx %arg5[%parallel_loop3A_179] : memref<50000xf32, #tpu.memory_space<vmem>>[vector<16xi32>], vector<16xf32>,
        %parallel_loop3A_184 = arith.mulf %parallel_loop3A_183, %parallel_loop3A_176 : vector<16xf32>
        tpu.vector_store_idx %arg6[%parallel_loop3A_182], %parallel_loop3A_184 {add = true} : memref<50000xf32, #tpu.memory_space<vmem>>[vector<16xi32>], vector<16xf32>,
      } {sc.loop_unroll_factor = 8 : i64, sc.parallel_access}
      %add3A_121 = arith.constant 1 : i32
      %add3A_122 = arith.addi %mul3A_106, %add3A_121 : i32
      %add3A_123 = arith.constant 3 : i32
      %add3A_124 = arith.addi %add3A_122, %add3A_123 : i32
      %lt3A_125 = arith.constant 125 : i32
      %lt3A_126 = arith.cmpi slt, %add3A_124, %lt3A_125 : i32
      %convert_element_type3A_127 = arith.extui %lt3A_126 : i1 to i32
      %cond3A_128 = arith.constant 0 : i32
      %cond3A_129 = arith.cmpi ne, %convert_element_type3A_127, %cond3A_128 : i32
      scf.if %cond3A_129 {
        %mul3A_169 = arith.constant 3200 : i32
        %mul3A_170 = arith.muli %add3A_124, %mul3A_169 : i32
        %add3A_171 = arith.addi %mul3A_32, %mul3A_170 : i32
        %mul3A_172 = arith.constant 2 : i32
        %mul3A_173 = arith.muli %add3A_171, %mul3A_172 : i32
        %dma_start3A_174 = tpu.memref_slice %arg3[%mul3A_173] : memref<3200000xi32, #tpu.memory_space<hbm>> -> memref<6400xi32, #tpu.memory_space<hbm>>
        %dma_start3A_175 = tpu.memref_slice %arg3[%mul3A_173] : memref<3200000xi32, #tpu.memory_space<hbm>> -> memref<6400xi32, #tpu.memory_space<hbm>>
        tpu.enqueue_dma source(%dma_start3A_175 : memref<6400xi32, #tpu.memory_space<hbm>>) target(%arg7 : memref<6400xi32, #tpu.memory_space<vmem>>) target_semaphore(%arg11 : memref<!tpu.dma_semaphore, #tpu.memory_space<semaphore_mem>>)
      } else {
      }
      %dma_wait3A_130 = arith.constant 0 : i32
      %dma_wait3A_131 = tpu.memref_slice %arg3[%dma_wait3A_130] : memref<3200000xi32, #tpu.memory_space<hbm>> -> memref<6400xi32, #tpu.memory_space<hbm>>
      %dma_wait3A_132 = arith.constant 0 : i32
      %dma_wait3A_133 = tpu.memref_slice %arg3[%dma_wait3A_132] : memref<3200000xi32, #tpu.memory_space<hbm>> -> memref<6400xi32, #tpu.memory_space<hbm>>
      tpu.wait_dma2 semaphore(%arg12 : memref<!tpu.dma_semaphore, #tpu.memory_space<semaphore_mem>>) src(%dma_wait3A_133 : memref<6400xi32, #tpu.memory_space<hbm>>) dst(%arg8 : memref<6400xi32, #tpu.memory_space<vmem>>)
      %parallel_loop3A_134 = arith.constant 0 : i32
      %parallel_loop3A_135 = arith.constant 3200 : i32
      %parallel_loop3A_136 = arith.constant 16 : i32
      scf.for %parallel_loop3A_169 = %parallel_loop3A_134 to %parallel_loop3A_135 step %parallel_loop3A_136  : i32 {
        %parallel_loop3A_170 = arith.index_cast %parallel_loop3A_169 : i32 to index
        %parallel_loop3A_171 = tpu.vector_load %arg8[%parallel_loop3A_170] {strides = array<i32>} : memref<6400xi32, #tpu.memory_space<vmem>>, vector<16xi32>,
        %parallel_loop3A_172 = arith.constant 3200 : i32
        %parallel_loop3A_173 = arith.addi %parallel_loop3A_172, %parallel_loop3A_169 : i32
        %parallel_loop3A_174 = arith.index_cast %parallel_loop3A_173 : i32 to index
        %parallel_loop3A_175 = tpu.vector_load %arg8[%parallel_loop3A_174] {strides = array<i32>} : memref<6400xi32, #tpu.memory_space<vmem>>, vector<16xi32>,
        %parallel_loop3A_176 = vector.bitcast %parallel_loop3A_175 : vector<16xi32> to vector<16xf32>
        %parallel_loop3A_177 = arith.constant 65535 : i32
        %parallel_loop3A_178 = vector.broadcast %parallel_loop3A_177 : i32 to vector<16xi32>
        %parallel_loop3A_179 = arith.andi %parallel_loop3A_171, %parallel_loop3A_178 : vector<16xi32>
        %parallel_loop3A_180 = arith.constant 16 : i32
        %parallel_loop3A_181 = vector.broadcast %parallel_loop3A_180 : i32 to vector<16xi32>
        %parallel_loop3A_182 = arith.shrui %parallel_loop3A_171, %parallel_loop3A_181 : vector<16xi32>
        %parallel_loop3A_183 = tpu.vector_load_idx %arg5[%parallel_loop3A_179] : memref<50000xf32, #tpu.memory_space<vmem>>[vector<16xi32>], vector<16xf32>,
        %parallel_loop3A_184 = arith.mulf %parallel_loop3A_183, %parallel_loop3A_176 : vector<16xf32>
        tpu.vector_store_idx %arg6[%parallel_loop3A_182], %parallel_loop3A_184 {add = true} : memref<50000xf32, #tpu.memory_space<vmem>>[vector<16xi32>], vector<16xf32>,
      } {sc.loop_unroll_factor = 8 : i64, sc.parallel_access}
      %add3A_137 = arith.constant 2 : i32
      %add3A_138 = arith.addi %mul3A_106, %add3A_137 : i32
      %add3A_139 = arith.constant 3 : i32
      %add3A_140 = arith.addi %add3A_138, %add3A_139 : i32
      %lt3A_141 = arith.constant 125 : i32
      %lt3A_142 = arith.cmpi slt, %add3A_140, %lt3A_141 : i32
      %convert_element_type3A_143 = arith.extui %lt3A_142 : i1 to i32
      %cond3A_144 = arith.constant 0 : i32
      %cond3A_145 = arith.cmpi ne, %convert_element_type3A_143, %cond3A_144 : i32
      scf.if %cond3A_145 {
        %mul3A_169 = arith.constant 3200 : i32
        %mul3A_170 = arith.muli %add3A_140, %mul3A_169 : i32
        %add3A_171 = arith.addi %mul3A_32, %mul3A_170 : i32
        %mul3A_172 = arith.constant 2 : i32
        %mul3A_173 = arith.muli %add3A_171, %mul3A_172 : i32
        %dma_start3A_174 = tpu.memref_slice %arg3[%mul3A_173] : memref<3200000xi32, #tpu.memory_space<hbm>> -> memref<6400xi32, #tpu.memory_space<hbm>>
        %dma_start3A_175 = tpu.memref_slice %arg3[%mul3A_173] : memref<3200000xi32, #tpu.memory_space<hbm>> -> memref<6400xi32, #tpu.memory_space<hbm>>
        tpu.enqueue_dma source(%dma_start3A_175 : memref<6400xi32, #tpu.memory_space<hbm>>) target(%arg8 : memref<6400xi32, #tpu.memory_space<vmem>>) target_semaphore(%arg12 : memref<!tpu.dma_semaphore, #tpu.memory_space<semaphore_mem>>)
      } else {
      }
      %dma_wait3A_146 = arith.constant 0 : i32
      %dma_wait3A_147 = tpu.memref_slice %arg3[%dma_wait3A_146] : memref<3200000xi32, #tpu.memory_space<hbm>> -> memref<6400xi32, #tpu.memory_space<hbm>>
      %dma_wait3A_148 = arith.constant 0 : i32
      %dma_wait3A_149 = tpu.memref_slice %arg3[%dma_wait3A_148] : memref<3200000xi32, #tpu.memory_space<hbm>> -> memref<6400xi32, #tpu.memory_space<hbm>>
      tpu.wait_dma2 semaphore(%arg13 : memref<!tpu.dma_semaphore, #tpu.memory_space<semaphore_mem>>) src(%dma_wait3A_149 : memref<6400xi32, #tpu.memory_space<hbm>>) dst(%arg9 : memref<6400xi32, #tpu.memory_space<vmem>>)
      %parallel_loop3A_150 = arith.constant 0 : i32
      %parallel_loop3A_151 = arith.constant 3200 : i32
      %parallel_loop3A_152 = arith.constant 16 : i32
      scf.for %parallel_loop3A_169 = %parallel_loop3A_150 to %parallel_loop3A_151 step %parallel_loop3A_152  : i32 {
        %parallel_loop3A_170 = arith.index_cast %parallel_loop3A_169 : i32 to index
        %parallel_loop3A_171 = tpu.vector_load %arg9[%parallel_loop3A_170] {strides = array<i32>} : memref<6400xi32, #tpu.memory_space<vmem>>, vector<16xi32>,
        %parallel_loop3A_172 = arith.constant 3200 : i32
        %parallel_loop3A_173 = arith.addi %parallel_loop3A_172, %parallel_loop3A_169 : i32
        %parallel_loop3A_174 = arith.index_cast %parallel_loop3A_173 : i32 to index
        %parallel_loop3A_175 = tpu.vector_load %arg9[%parallel_loop3A_174] {strides = array<i32>} : memref<6400xi32, #tpu.memory_space<vmem>>, vector<16xi32>,
        %parallel_loop3A_176 = vector.bitcast %parallel_loop3A_175 : vector<16xi32> to vector<16xf32>
        %parallel_loop3A_177 = arith.constant 65535 : i32
        %parallel_loop3A_178 = vector.broadcast %parallel_loop3A_177 : i32 to vector<16xi32>
        %parallel_loop3A_179 = arith.andi %parallel_loop3A_171, %parallel_loop3A_178 : vector<16xi32>
        %parallel_loop3A_180 = arith.constant 16 : i32
        %parallel_loop3A_181 = vector.broadcast %parallel_loop3A_180 : i32 to vector<16xi32>
        %parallel_loop3A_182 = arith.shrui %parallel_loop3A_171, %parallel_loop3A_181 : vector<16xi32>
        %parallel_loop3A_183 = tpu.vector_load_idx %arg5[%parallel_loop3A_179] : memref<50000xf32, #tpu.memory_space<vmem>>[vector<16xi32>], vector<16xf32>,
        %parallel_loop3A_184 = arith.mulf %parallel_loop3A_183, %parallel_loop3A_176 : vector<16xf32>
        tpu.vector_store_idx %arg6[%parallel_loop3A_182], %parallel_loop3A_184 {add = true} : memref<50000xf32, #tpu.memory_space<vmem>>[vector<16xi32>], vector<16xf32>,
      } {sc.loop_unroll_factor = 8 : i64, sc.parallel_access}
      %add3A_153 = arith.constant 3 : i32
      %add3A_154 = arith.addi %mul3A_106, %add3A_153 : i32
      %add3A_155 = arith.constant 3 : i32
      %add3A_156 = arith.addi %add3A_154, %add3A_155 : i32
      %lt3A_157 = arith.constant 125 : i32
      %lt3A_158 = arith.cmpi slt, %add3A_156, %lt3A_157 : i32
      %convert_element_type3A_159 = arith.extui %lt3A_158 : i1 to i32
      %cond3A_160 = arith.constant 0 : i32
      %cond3A_161 = arith.cmpi ne, %convert_element_type3A_159, %cond3A_160 : i32
      scf.if %cond3A_161 {
        %mul3A_169 = arith.constant 3200 : i32
        %mul3A_170 = arith.muli %add3A_156, %mul3A_169 : i32
        %add3A_171 = arith.addi %mul3A_32, %mul3A_170 : i32
        %mul3A_172 = arith.constant 2 : i32
        %mul3A_173 = arith.muli %add3A_171, %mul3A_172 : i32
        %dma_start3A_174 = tpu.memref_slice %arg3[%mul3A_173] : memref<3200000xi32, #tpu.memory_space<hbm>> -> memref<6400xi32, #tpu.memory_space<hbm>>
        %dma_start3A_175 = tpu.memref_slice %arg3[%mul3A_173] : memref<3200000xi32, #tpu.memory_space<hbm>> -> memref<6400xi32, #tpu.memory_space<hbm>>
        tpu.enqueue_dma source(%dma_start3A_175 : memref<6400xi32, #tpu.memory_space<hbm>>) target(%arg9 : memref<6400xi32, #tpu.memory_space<vmem>>) target_semaphore(%arg13 : memref<!tpu.dma_semaphore, #tpu.memory_space<semaphore_mem>>)
      } else {
      }
      %dma_wait3A_162 = arith.constant 0 : i32
      %dma_wait3A_163 = tpu.memref_slice %arg3[%dma_wait3A_162] : memref<3200000xi32, #tpu.memory_space<hbm>> -> memref<6400xi32, #tpu.memory_space<hbm>>
      %dma_wait3A_164 = arith.constant 0 : i32
      %dma_wait3A_165 = tpu.memref_slice %arg3[%dma_wait3A_164] : memref<3200000xi32, #tpu.memory_space<hbm>> -> memref<6400xi32, #tpu.memory_space<hbm>>
      tpu.wait_dma2 semaphore(%arg14 : memref<!tpu.dma_semaphore, #tpu.memory_space<semaphore_mem>>) src(%dma_wait3A_165 : memref<6400xi32, #tpu.memory_space<hbm>>) dst(%arg10 : memref<6400xi32, #tpu.memory_space<vmem>>)
      %parallel_loop3A_166 = arith.constant 0 : i32
      %parallel_loop3A_167 = arith.constant 3200 : i32
      %parallel_loop3A_168 = arith.constant 16 : i32
      scf.for %parallel_loop3A_169 = %parallel_loop3A_166 to %parallel_loop3A_167 step %parallel_loop3A_168  : i32 {
        %parallel_loop3A_170 = arith.index_cast %parallel_loop3A_169 : i32 to index
        %parallel_loop3A_171 = tpu.vector_load %arg10[%parallel_loop3A_170] {strides = array<i32>} : memref<6400xi32, #tpu.memory_space<vmem>>, vector<16xi32>,
        %parallel_loop3A_172 = arith.constant 3200 : i32
        %parallel_loop3A_173 = arith.addi %parallel_loop3A_172, %parallel_loop3A_169 : i32
        %parallel_loop3A_174 = arith.index_cast %parallel_loop3A_173 : i32 to index
        %parallel_loop3A_175 = tpu.vector_load %arg10[%parallel_loop3A_174] {strides = array<i32>} : memref<6400xi32, #tpu.memory_space<vmem>>, vector<16xi32>,
        %parallel_loop3A_176 = vector.bitcast %parallel_loop3A_175 : vector<16xi32> to vector<16xf32>
        %parallel_loop3A_177 = arith.constant 65535 : i32
        %parallel_loop3A_178 = vector.broadcast %parallel_loop3A_177 : i32 to vector<16xi32>
        %parallel_loop3A_179 = arith.andi %parallel_loop3A_171, %parallel_loop3A_178 : vector<16xi32>
        %parallel_loop3A_180 = arith.constant 16 : i32
        %parallel_loop3A_181 = vector.broadcast %parallel_loop3A_180 : i32 to vector<16xi32>
        %parallel_loop3A_182 = arith.shrui %parallel_loop3A_171, %parallel_loop3A_181 : vector<16xi32>
        %parallel_loop3A_183 = tpu.vector_load_idx %arg5[%parallel_loop3A_179] : memref<50000xf32, #tpu.memory_space<vmem>>[vector<16xi32>], vector<16xf32>,
        %parallel_loop3A_184 = arith.mulf %parallel_loop3A_183, %parallel_loop3A_176 : vector<16xf32>
        tpu.vector_store_idx %arg6[%parallel_loop3A_182], %parallel_loop3A_184 {add = true} : memref<50000xf32, #tpu.memory_space<vmem>>[vector<16xi32>], vector<16xf32>,
      } {sc.loop_unroll_factor = 8 : i64, sc.parallel_access}
    }
    %scan3A_98 = arith.constant 31 : i32
    %dma_wait3A = arith.constant 0 : i32
    %dma_wait3A_99 = tpu.memref_slice %arg3[%dma_wait3A] : memref<3200000xi32, #tpu.memory_space<hbm>> -> memref<6400xi32, #tpu.memory_space<hbm>>
    %dma_wait3A_100 = arith.constant 0 : i32
    %dma_wait3A_101 = tpu.memref_slice %arg3[%dma_wait3A_100] : memref<3200000xi32, #tpu.memory_space<hbm>> -> memref<6400xi32, #tpu.memory_space<hbm>>
    tpu.wait_dma2 semaphore(%arg11 : memref<!tpu.dma_semaphore, #tpu.memory_space<semaphore_mem>>) src(%dma_wait3A_101 : memref<6400xi32, #tpu.memory_space<hbm>>) dst(%arg7 : memref<6400xi32, #tpu.memory_space<vmem>>)
    %parallel_loop3A = arith.constant 0 : i32
    %parallel_loop3A_102 = arith.constant 3200 : i32
    %parallel_loop3A_103 = arith.constant 16 : i32
    scf.for %parallel_loop3A_104 = %parallel_loop3A to %parallel_loop3A_102 step %parallel_loop3A_103  : i32 {
      %parallel_loop3A_105 = arith.index_cast %parallel_loop3A_104 : i32 to index
      %parallel_loop3A_106 = tpu.vector_load %arg7[%parallel_loop3A_105] {strides = array<i32>} : memref<6400xi32, #tpu.memory_space<vmem>>, vector<16xi32>,
      %parallel_loop3A_107 = arith.constant 3200 : i32
      %parallel_loop3A_108 = arith.addi %parallel_loop3A_107, %parallel_loop3A_104 : i32
      %parallel_loop3A_109 = arith.index_cast %parallel_loop3A_108 : i32 to index
      %parallel_loop3A_110 = tpu.vector_load %arg7[%parallel_loop3A_109] {strides = array<i32>} : memref<6400xi32, #tpu.memory_space<vmem>>, vector<16xi32>,
      %parallel_loop3A_111 = vector.bitcast %parallel_loop3A_110 : vector<16xi32> to vector<16xf32>
      %parallel_loop3A_112 = arith.constant 65535 : i32
      %parallel_loop3A_113 = vector.broadcast %parallel_loop3A_112 : i32 to vector<16xi32>
      %parallel_loop3A_114 = arith.andi %parallel_loop3A_106, %parallel_loop3A_113 : vector<16xi32>
      %parallel_loop3A_115 = arith.constant 16 : i32
      %parallel_loop3A_116 = vector.broadcast %parallel_loop3A_115 : i32 to vector<16xi32>
      %parallel_loop3A_117 = arith.shrui %parallel_loop3A_106, %parallel_loop3A_116 : vector<16xi32>
      %parallel_loop3A_118 = tpu.vector_load_idx %arg5[%parallel_loop3A_114] : memref<50000xf32, #tpu.memory_space<vmem>>[vector<16xi32>], vector<16xf32>,
      %parallel_loop3A_119 = arith.mulf %parallel_loop3A_118, %parallel_loop3A_111 : vector<16xf32>
      tpu.vector_store_idx %arg6[%parallel_loop3A_117], %parallel_loop3A_119 {add = true} : memref<50000xf32, #tpu.memory_space<vmem>>[vector<16xi32>], vector<16xf32>,
    } {sc.loop_unroll_factor = 8 : i64, sc.parallel_access}
    "tpu.region"() ({
      %run_scoped3A = tpu.sem_alloc : memref<!tpu.dma_semaphore, #tpu.memory_space<semaphore_mem>>
      %dma_start3A_104 = arith.constant 0 : i32
      %dma_start3A_105 = tpu.memref_slice %arg4[%add3A, %dma_start3A_104] : memref<32x50000xf32, #tpu.memory_space<hbm>> -> memref<1x50000xf32, #tpu.memory_space<hbm>>
      %dma_start3A_106 = tpu.memref_squeeze %dma_start3A_105 : memref<1x50000xf32, #tpu.memory_space<hbm>> -> memref<50000xf32, #tpu.memory_space<hbm>>
      %dma_start3A_107 = arith.constant 0 : i32
      %dma_start3A_108 = tpu.memref_slice %arg4[%add3A, %dma_start3A_107] : memref<32x50000xf32, #tpu.memory_space<hbm>> -> memref<1x50000xf32, #tpu.memory_space<hbm>>
      %dma_start3A_109 = tpu.memref_squeeze %dma_start3A_108 : memref<1x50000xf32, #tpu.memory_space<hbm>> -> memref<50000xf32, #tpu.memory_space<hbm>>
      tpu.enqueue_dma source(%arg6 : memref<50000xf32, #tpu.memory_space<vmem>>) target(%dma_start3A_109 : memref<50000xf32, #tpu.memory_space<hbm>>) target_semaphore(%run_scoped3A : memref<!tpu.dma_semaphore, #tpu.memory_space<semaphore_mem>>)
      %dma_wait3A_110 = arith.constant 0 : i32
      %dma_wait3A_111 = tpu.memref_slice %arg4[%add3A, %dma_wait3A_110] : memref<32x50000xf32, #tpu.memory_space<hbm>> -> memref<1x50000xf32, #tpu.memory_space<hbm>>
      %dma_wait3A_112 = tpu.memref_squeeze %dma_wait3A_111 : memref<1x50000xf32, #tpu.memory_space<hbm>> -> memref<50000xf32, #tpu.memory_space<hbm>>
      %dma_wait3A_113 = arith.constant 0 : i32
      %dma_wait3A_114 = tpu.memref_slice %arg4[%add3A, %dma_wait3A_113] : memref<32x50000xf32, #tpu.memory_space<hbm>> -> memref<1x50000xf32, #tpu.memory_space<hbm>>
      %dma_wait3A_115 = tpu.memref_squeeze %dma_wait3A_114 : memref<1x50000xf32, #tpu.memory_space<hbm>> -> memref<50000xf32, #tpu.memory_space<hbm>>
      tpu.wait_dma2 semaphore(%run_scoped3A : memref<!tpu.dma_semaphore, #tpu.memory_space<semaphore_mem>>) src(%arg6 : memref<50000xf32, #tpu.memory_space<vmem>>) dst(%dma_wait3A_115 : memref<50000xf32, #tpu.memory_space<hbm>>)
      tpu.yield
    }) : () -> ()
    return
  }
}

#map = affine_map<(d0, d1) -> (0, 0)>
#map1 = affine_map<(d0, d1) -> (0)>
module attributes {stable_mosaic.version = 14 : i64} {
  func.func @prop(%arg0: i32, %arg1: i32, %arg2: memref<8x50000xf32, #tpu.memory_space<hbm>>, %arg3: memref<3200000xi32, #tpu.memory_space<hbm>>, %arg4: memref<32x50000xf32, #tpu.memory_space<hbm>>, %arg5: memref<50000xf32, #tpu.memory_space<vmem>>, %arg6: memref<50000xf32, #tpu.memory_space<vmem>>, %arg7: memref<6400xi32, #tpu.memory_space<vmem>>, %arg8: memref<6400xi32, #tpu.memory_space<vmem>>, %arg9: memref<6400xi32, #tpu.memory_space<vmem>>, %arg10: memref<6400xi32, #tpu.memory_space<vmem>>, %arg11: memref<!tpu.dma_semaphore, #tpu.memory_space<semaphore_mem>>, %arg12: memref<!tpu.dma_semaphore, #tpu.memory_space<semaphore_mem>>, %arg13: memref<!tpu.dma_semaphore, #tpu.memory_space<semaphore_mem>>, %arg14: memref<!tpu.dma_semaphore, #tpu.memory_space<semaphore_mem>>) attributes {dimension_semantics = [#tpu.dimension_semantics<core_parallel>, #tpu.dimension_semantics<subcore_parallel>], iteration_bounds = array<i64: 2, 16>, scalar_prefetch = 0 : i64, scratch_operands = 10 : i64, tpu.core_type = #tpu.core_type<sc_vector_subcore>, window_params = [{transform_indices = #map}, {transform_indices = #map1}, {transform_indices = #map}]} {
    %mul3A = arith.constant 2 : i32
    %mul3A_0 = arith.muli %arg1, %mul3A : i32
    %add3A = arith.addi %mul3A_0, %arg0 : i32
    %jit3A = arith.constant 8 : i32
    %eq3A = arith.constant 0 : i32
    %eq3A_1 = arith.cmpi eq, %jit3A, %eq3A : i32
    %jit3A_2 = arith.constant 1 : i32
    %select_n3A = arith.select %eq3A_1, %jit3A_2, %jit3A : i32
    %rem3A = arith.remsi %add3A, %select_n3A : i32
    %ne3A = arith.constant 0 : i32
    %ne3A_3 = arith.cmpi ne, %rem3A, %ne3A : i32
    %lt3A = arith.constant 0 : i32
    %lt3A_4 = arith.cmpi slt, %rem3A, %lt3A : i32
    %lt3A_5 = arith.constant 0 : i32
    %lt3A_6 = arith.cmpi slt, %select_n3A, %lt3A_5 : i32
    %ne3A_7 = arith.xori %lt3A_4, %lt3A_6 : i1
    %and3A = arith.andi %ne3A_7, %ne3A_3 : i1
    %add3A_8 = arith.addi %rem3A, %select_n3A : i32
    %select_n3A_9 = arith.select %and3A, %add3A_8, %rem3A : i32
    %jit3A_10 = arith.constant 8 : i32
    %div3A = arith.divsi %add3A, %jit3A_10 : i32
    %sign3A = arith.constant 0 : i32
    %sign3A_11 = arith.cmpi sgt, %add3A, %sign3A : i32
    %sign3A_12 = arith.extui %sign3A_11 : i1 to i32
    %sign3A_13 = arith.constant 0 : i32
    %sign3A_14 = arith.cmpi slt, %add3A, %sign3A_13 : i32
    %sign3A_15 = arith.extui %sign3A_14 : i1 to i32
    %sign3A_16 = arith.subi %sign3A_12, %sign3A_15 : i32
    %sign3A_17 = arith.constant 0 : i32
    %sign3A_18 = arith.cmpi sgt, %jit3A_10, %sign3A_17 : i32
    %sign3A_19 = arith.extui %sign3A_18 : i1 to i32
    %sign3A_20 = arith.constant 0 : i32
    %sign3A_21 = arith.cmpi slt, %jit3A_10, %sign3A_20 : i32
    %sign3A_22 = arith.extui %sign3A_21 : i1 to i32
    %sign3A_23 = arith.subi %sign3A_19, %sign3A_22 : i32
    %ne3A_24 = arith.cmpi ne, %sign3A_16, %sign3A_23 : i32
    %rem3A_25 = arith.remsi %add3A, %jit3A_10 : i32
    %ne3A_26 = arith.constant 0 : i32
    %ne3A_27 = arith.cmpi ne, %rem3A_25, %ne3A_26 : i32
    %and3A_28 = arith.andi %ne3A_24, %ne3A_27 : i1
    %sub3A = arith.constant 1 : i32
    %sub3A_29 = arith.subi %div3A, %sub3A : i32
    %select_n3A_30 = arith.select %and3A_28, %sub3A_29, %div3A : i32
    %mul3A_31 = arith.constant 400000 : i32
    %mul3A_32 = arith.muli %select_n3A_30, %mul3A_31 : i32
    %add3A_33 = arith.constant 0 : i32
    %add3A_34 = arith.addi %mul3A_32, %add3A_33 : i32
    %mul3A_35 = arith.constant 2 : i32
    %mul3A_36 = arith.muli %add3A_34, %mul3A_35 : i32
    %dma_start3A = tpu.memref_slice %arg3[%mul3A_36] : memref<3200000xi32, #tpu.memory_space<hbm>> -> memref<6400xi32, #tpu.memory_space<hbm>>
    %dma_start3A_37 = tpu.memref_slice %arg3[%mul3A_36] : memref<3200000xi32, #tpu.memory_space<hbm>> -> memref<6400xi32, #tpu.memory_space<hbm>>
    tpu.enqueue_dma source(%dma_start3A_37 : memref<6400xi32, #tpu.memory_space<hbm>>) target(%arg7 : memref<6400xi32, #tpu.memory_space<vmem>>) target_semaphore(%arg11 : memref<!tpu.dma_semaphore, #tpu.memory_space<semaphore_mem>>)
    %add3A_38 = arith.constant 3200 : i32
    %add3A_39 = arith.addi %mul3A_32, %add3A_38 : i32
    %mul3A_40 = arith.constant 2 : i32
    %mul3A_41 = arith.muli %add3A_39, %mul3A_40 : i32
    %dma_start3A_42 = tpu.memref_slice %arg3[%mul3A_41] : memref<3200000xi32, #tpu.memory_space<hbm>> -> memref<6400xi32, #tpu.memory_space<hbm>>
    %dma_start3A_43 = tpu.memref_slice %arg3[%mul3A_41] : memref<3200000xi32, #tpu.memory_space<hbm>> -> memref<6400xi32, #tpu.memory_space<hbm>>
    tpu.enqueue_dma source(%dma_start3A_43 : memref<6400xi32, #tpu.memory_space<hbm>>) target(%arg8 : memref<6400xi32, #tpu.memory_space<vmem>>) target_semaphore(%arg12 : memref<!tpu.dma_semaphore, #tpu.memory_space<semaphore_mem>>)
    %add3A_44 = arith.constant 6400 : i32
    %add3A_45 = arith.addi %mul3A_32, %add3A_44 : i32
    %mul3A_46 = arith.constant 2 : i32
    %mul3A_47 = arith.muli %add3A_45, %mul3A_46 : i32
    %dma_start3A_48 = tpu.memref_slice %arg3[%mul3A_47] : memref<3200000xi32, #tpu.memory_space<hbm>> -> memref<6400xi32, #tpu.memory_space<hbm>>
    %dma_start3A_49 = tpu.memref_slice %arg3[%mul3A_47] : memref<3200000xi32, #tpu.memory_space<hbm>> -> memref<6400xi32, #tpu.memory_space<hbm>>
    tpu.enqueue_dma source(%dma_start3A_49 : memref<6400xi32, #tpu.memory_space<hbm>>) target(%arg9 : memref<6400xi32, #tpu.memory_space<vmem>>) target_semaphore(%arg13 : memref<!tpu.dma_semaphore, #tpu.memory_space<semaphore_mem>>)
    "tpu.region"() ({
      %run_scoped3A = tpu.sem_alloc : memref<!tpu.dma_semaphore, #tpu.memory_space<semaphore_mem>>
      %dma_start3A_104 = arith.constant 0 : i32
      %dma_start3A_105 = tpu.memref_slice %arg2[%select_n3A_9, %dma_start3A_104] : memref<8x50000xf32, #tpu.memory_space<hbm>> -> memref<1x50000xf32, #tpu.memory_space<hbm>>
      %dma_start3A_106 = tpu.memref_squeeze %dma_start3A_105 : memref<1x50000xf32, #tpu.memory_space<hbm>> -> memref<50000xf32, #tpu.memory_space<hbm>>
      %dma_start3A_107 = arith.constant 0 : i32
      %dma_start3A_108 = tpu.memref_slice %arg2[%select_n3A_9, %dma_start3A_107] : memref<8x50000xf32, #tpu.memory_space<hbm>> -> memref<1x50000xf32, #tpu.memory_space<hbm>>
      %dma_start3A_109 = tpu.memref_squeeze %dma_start3A_108 : memref<1x50000xf32, #tpu.memory_space<hbm>> -> memref<50000xf32, #tpu.memory_space<hbm>>
      tpu.enqueue_dma source(%dma_start3A_109 : memref<50000xf32, #tpu.memory_space<hbm>>) target(%arg5 : memref<50000xf32, #tpu.memory_space<vmem>>) target_semaphore(%run_scoped3A : memref<!tpu.dma_semaphore, #tpu.memory_space<semaphore_mem>>)
      %dma_wait3A_110 = arith.constant 0 : i32
      %dma_wait3A_111 = tpu.memref_slice %arg2[%select_n3A_9, %dma_wait3A_110] : memref<8x50000xf32, #tpu.memory_space<hbm>> -> memref<1x50000xf32, #tpu.memory_space<hbm>>
      %dma_wait3A_112 = tpu.memref_squeeze %dma_wait3A_111 : memref<1x50000xf32, #tpu.memory_space<hbm>> -> memref<50000xf32, #tpu.memory_space<hbm>>
      %dma_wait3A_113 = arith.constant 0 : i32
      %dma_wait3A_114 = tpu.memref_slice %arg2[%select_n3A_9, %dma_wait3A_113] : memref<8x50000xf32, #tpu.memory_space<hbm>> -> memref<1x50000xf32, #tpu.memory_space<hbm>>
      %dma_wait3A_115 = tpu.memref_squeeze %dma_wait3A_114 : memref<1x50000xf32, #tpu.memory_space<hbm>> -> memref<50000xf32, #tpu.memory_space<hbm>>
      tpu.wait_dma2 semaphore(%run_scoped3A : memref<!tpu.dma_semaphore, #tpu.memory_space<semaphore_mem>>) src(%dma_wait3A_115 : memref<50000xf32, #tpu.memory_space<hbm>>) dst(%arg5 : memref<50000xf32, #tpu.memory_space<vmem>>)
      tpu.yield
    }) : () -> ()
    %scan3A = arith.constant 0 : i32
    %scan3A_50 = arith.constant 0 : i32
    %scan3A_51 = arith.constant 3120 : i32
    %scan3A_52 = arith.addi %scan3A_50, %scan3A_51 : i32
    %scan3A_53 = arith.constant 8 : i32
    scf.for %scan3A_104 = %scan3A_50 to %scan3A_52 step %scan3A_53  : i32 {
      %broadcast_in_dim3A_105 = arith.constant 0.000000e+00 : f32
      %broadcast_in_dim3A_106 = vector.broadcast %broadcast_in_dim3A_105 : f32 to vector<16xf32>
      %mul3A_107 = arith.constant 16 : i32
      %mul3A_108 = arith.muli %scan3A_104, %mul3A_107 : i32
      %swap3A_109 = arith.index_cast %mul3A_108 : i32 to index
      %swap3A_110 = tpu.vector_load %arg6[%swap3A_109] {strides = array<i32>} : memref<50000xf32, #tpu.memory_space<vmem>>, vector<16xf32>,
      tpu.vector_store %arg6[%swap3A_109], %broadcast_in_dim3A_106 {strides = array<i32>} : memref<50000xf32, #tpu.memory_space<vmem>>, vector<16xf32>,
      %scan3A_111 = arith.constant 1 : i32
      %scan3A_112 = arith.addi %scan3A_104, %scan3A_111 : i32
      %broadcast_in_dim3A_113 = arith.constant 0.000000e+00 : f32
      %broadcast_in_dim3A_114 = vector.broadcast %broadcast_in_dim3A_113 : f32 to vector<16xf32>
      %mul3A_115 = arith.constant 16 : i32
      %mul3A_116 = arith.muli %scan3A_112, %mul3A_115 : i32
      %swap3A_117 = arith.index_cast %mul3A_116 : i32 to index
      %swap3A_118 = tpu.vector_load %arg6[%swap3A_117] {strides = array<i32>} : memref<50000xf32, #tpu.memory_space<vmem>>, vector<16xf32>,
      tpu.vector_store %arg6[%swap3A_117], %broadcast_in_dim3A_114 {strides = array<i32>} : memref<50000xf32, #tpu.memory_space<vmem>>, vector<16xf32>,
      %scan3A_119 = arith.constant 2 : i32
      %scan3A_120 = arith.addi %scan3A_104, %scan3A_119 : i32
      %broadcast_in_dim3A_121 = arith.constant 0.000000e+00 : f32
      %broadcast_in_dim3A_122 = vector.broadcast %broadcast_in_dim3A_121 : f32 to vector<16xf32>
      %mul3A_123 = arith.constant 16 : i32
      %mul3A_124 = arith.muli %scan3A_120, %mul3A_123 : i32
      %swap3A_125 = arith.index_cast %mul3A_124 : i32 to index
      %swap3A_126 = tpu.vector_load %arg6[%swap3A_125] {strides = array<i32>} : memref<50000xf32, #tpu.memory_space<vmem>>, vector<16xf32>,
      tpu.vector_store %arg6[%swap3A_125], %broadcast_in_dim3A_122 {strides = array<i32>} : memref<50000xf32, #tpu.memory_space<vmem>>, vector<16xf32>,
      %scan3A_127 = arith.constant 3 : i32
      %scan3A_128 = arith.addi %scan3A_104, %scan3A_127 : i32
      %broadcast_in_dim3A_129 = arith.constant 0.000000e+00 : f32
      %broadcast_in_dim3A_130 = vector.broadcast %broadcast_in_dim3A_129 : f32 to vector<16xf32>
      %mul3A_131 = arith.constant 16 : i32
      %mul3A_132 = arith.muli %scan3A_128, %mul3A_131 : i32
      %swap3A_133 = arith.index_cast %mul3A_132 : i32 to index
      %swap3A_134 = tpu.vector_load %arg6[%swap3A_133] {strides = array<i32>} : memref<50000xf32, #tpu.memory_space<vmem>>, vector<16xf32>,
      tpu.vector_store %arg6[%swap3A_133], %broadcast_in_dim3A_130 {strides = array<i32>} : memref<50000xf32, #tpu.memory_space<vmem>>, vector<16xf32>,
      %scan3A_135 = arith.constant 4 : i32
      %scan3A_136 = arith.addi %scan3A_104, %scan3A_135 : i32
      %broadcast_in_dim3A_137 = arith.constant 0.000000e+00 : f32
      %broadcast_in_dim3A_138 = vector.broadcast %broadcast_in_dim3A_137 : f32 to vector<16xf32>
      %mul3A_139 = arith.constant 16 : i32
      %mul3A_140 = arith.muli %scan3A_136, %mul3A_139 : i32
      %swap3A_141 = arith.index_cast %mul3A_140 : i32 to index
      %swap3A_142 = tpu.vector_load %arg6[%swap3A_141] {strides = array<i32>} : memref<50000xf32, #tpu.memory_space<vmem>>, vector<16xf32>,
      tpu.vector_store %arg6[%swap3A_141], %broadcast_in_dim3A_138 {strides = array<i32>} : memref<50000xf32, #tpu.memory_space<vmem>>, vector<16xf32>,
      %scan3A_143 = arith.constant 5 : i32
      %scan3A_144 = arith.addi %scan3A_104, %scan3A_143 : i32
      %broadcast_in_dim3A_145 = arith.constant 0.000000e+00 : f32
      %broadcast_in_dim3A_146 = vector.broadcast %broadcast_in_dim3A_145 : f32 to vector<16xf32>
      %mul3A_147 = arith.constant 16 : i32
      %mul3A_148 = arith.muli %scan3A_144, %mul3A_147 : i32
      %swap3A_149 = arith.index_cast %mul3A_148 : i32 to index
      %swap3A_150 = tpu.vector_load %arg6[%swap3A_149] {strides = array<i32>} : memref<50000xf32, #tpu.memory_space<vmem>>, vector<16xf32>,
      tpu.vector_store %arg6[%swap3A_149], %broadcast_in_dim3A_146 {strides = array<i32>} : memref<50000xf32, #tpu.memory_space<vmem>>, vector<16xf32>,
      %scan3A_151 = arith.constant 6 : i32
      %scan3A_152 = arith.addi %scan3A_104, %scan3A_151 : i32
      %broadcast_in_dim3A_153 = arith.constant 0.000000e+00 : f32
      %broadcast_in_dim3A_154 = vector.broadcast %broadcast_in_dim3A_153 : f32 to vector<16xf32>
      %mul3A_155 = arith.constant 16 : i32
      %mul3A_156 = arith.muli %scan3A_152, %mul3A_155 : i32
      %swap3A_157 = arith.index_cast %mul3A_156 : i32 to index
      %swap3A_158 = tpu.vector_load %arg6[%swap3A_157] {strides = array<i32>} : memref<50000xf32, #tpu.memory_space<vmem>>, vector<16xf32>,
      tpu.vector_store %arg6[%swap3A_157], %broadcast_in_dim3A_154 {strides = array<i32>} : memref<50000xf32, #tpu.memory_space<vmem>>, vector<16xf32>,
      %scan3A_159 = arith.constant 7 : i32
      %scan3A_160 = arith.addi %scan3A_104, %scan3A_159 : i32
      %broadcast_in_dim3A_161 = arith.constant 0.000000e+00 : f32
      %broadcast_in_dim3A_162 = vector.broadcast %broadcast_in_dim3A_161 : f32 to vector<16xf32>
      %mul3A_163 = arith.constant 16 : i32
      %mul3A_164 = arith.muli %scan3A_160, %mul3A_163 : i32
      %swap3A_165 = arith.index_cast %mul3A_164 : i32 to index
      %swap3A_166 = tpu.vector_load %arg6[%swap3A_165] {strides = array<i32>} : memref<50000xf32, #tpu.memory_space<vmem>>, vector<16xf32>,
      tpu.vector_store %arg6[%swap3A_165], %broadcast_in_dim3A_162 {strides = array<i32>} : memref<50000xf32, #tpu.memory_space<vmem>>, vector<16xf32>,
    }
    %scan3A_54 = arith.constant 3120 : i32
    %scan3A_55 = arith.addi %scan3A_50, %scan3A_54 : i32
    %broadcast_in_dim3A = arith.constant 0.000000e+00 : f32
    %broadcast_in_dim3A_56 = vector.broadcast %broadcast_in_dim3A : f32 to vector<16xf32>
    %mul3A_57 = arith.constant 16 : i32
    %mul3A_58 = arith.muli %scan3A_55, %mul3A_57 : i32
    %swap3A = arith.index_cast %mul3A_58 : i32 to index
    %swap3A_59 = tpu.vector_load %arg6[%swap3A] {strides = array<i32>} : memref<50000xf32, #tpu.memory_space<vmem>>, vector<16xf32>,
    tpu.vector_store %arg6[%swap3A], %broadcast_in_dim3A_56 {strides = array<i32>} : memref<50000xf32, #tpu.memory_space<vmem>>, vector<16xf32>,
    %scan3A_60 = arith.constant 3121 : i32
    %scan3A_61 = arith.addi %scan3A_50, %scan3A_60 : i32
    %broadcast_in_dim3A_62 = arith.constant 0.000000e+00 : f32
    %broadcast_in_dim3A_63 = vector.broadcast %broadcast_in_dim3A_62 : f32 to vector<16xf32>
    %mul3A_64 = arith.constant 16 : i32
    %mul3A_65 = arith.muli %scan3A_61, %mul3A_64 : i32
    %swap3A_66 = arith.index_cast %mul3A_65 : i32 to index
    %swap3A_67 = tpu.vector_load %arg6[%swap3A_66] {strides = array<i32>} : memref<50000xf32, #tpu.memory_space<vmem>>, vector<16xf32>,
    tpu.vector_store %arg6[%swap3A_66], %broadcast_in_dim3A_63 {strides = array<i32>} : memref<50000xf32, #tpu.memory_space<vmem>>, vector<16xf32>,
    %scan3A_68 = arith.constant 3122 : i32
    %scan3A_69 = arith.addi %scan3A_50, %scan3A_68 : i32
    %broadcast_in_dim3A_70 = arith.constant 0.000000e+00 : f32
    %broadcast_in_dim3A_71 = vector.broadcast %broadcast_in_dim3A_70 : f32 to vector<16xf32>
    %mul3A_72 = arith.constant 16 : i32
    %mul3A_73 = arith.muli %scan3A_69, %mul3A_72 : i32
    %swap3A_74 = arith.index_cast %mul3A_73 : i32 to index
    %swap3A_75 = tpu.vector_load %arg6[%swap3A_74] {strides = array<i32>} : memref<50000xf32, #tpu.memory_space<vmem>>, vector<16xf32>,
    tpu.vector_store %arg6[%swap3A_74], %broadcast_in_dim3A_71 {strides = array<i32>} : memref<50000xf32, #tpu.memory_space<vmem>>, vector<16xf32>,
    %scan3A_76 = arith.constant 3123 : i32
    %scan3A_77 = arith.addi %scan3A_50, %scan3A_76 : i32
    %broadcast_in_dim3A_78 = arith.constant 0.000000e+00 : f32
    %broadcast_in_dim3A_79 = vector.broadcast %broadcast_in_dim3A_78 : f32 to vector<16xf32>
    %mul3A_80 = arith.constant 16 : i32
    %mul3A_81 = arith.muli %scan3A_77, %mul3A_80 : i32
    %swap3A_82 = arith.index_cast %mul3A_81 : i32 to index
    %swap3A_83 = tpu.vector_load %arg6[%swap3A_82] {strides = array<i32>} : memref<50000xf32, #tpu.memory_space<vmem>>, vector<16xf32>,
    tpu.vector_store %arg6[%swap3A_82], %broadcast_in_dim3A_79 {strides = array<i32>} : memref<50000xf32, #tpu.memory_space<vmem>>, vector<16xf32>,
    %scan3A_84 = arith.constant 3124 : i32
    %scan3A_85 = arith.addi %scan3A_50, %scan3A_84 : i32
    %broadcast_in_dim3A_86 = arith.constant 0.000000e+00 : f32
    %broadcast_in_dim3A_87 = vector.broadcast %broadcast_in_dim3A_86 : f32 to vector<16xf32>
    %mul3A_88 = arith.constant 16 : i32
    %mul3A_89 = arith.muli %scan3A_85, %mul3A_88 : i32
    %swap3A_90 = arith.index_cast %mul3A_89 : i32 to index
    %swap3A_91 = tpu.vector_load %arg6[%swap3A_90] {strides = array<i32>} : memref<50000xf32, #tpu.memory_space<vmem>>, vector<16xf32>,
    tpu.vector_store %arg6[%swap3A_90], %broadcast_in_dim3A_87 {strides = array<i32>} : memref<50000xf32, #tpu.memory_space<vmem>>, vector<16xf32>,
    %scan3A_92 = arith.constant 3125 : i32
    %scan3A_93 = arith.constant 0 : i32
    %scan3A_94 = arith.constant 0 : i32
    %scan3A_95 = arith.constant 31 : i32
    %scan3A_96 = arith.addi %scan3A_94, %scan3A_95 : i32
    %scan3A_97 = arith.constant 1 : i32
    scf.for %scan3A_104 = %scan3A_94 to %scan3A_96 step %scan3A_97  : i32 {
      %mul3A_105 = arith.constant 4 : i32
      %mul3A_106 = arith.muli %scan3A_104, %mul3A_105 : i32
      %add3A_107 = arith.constant 0 : i32
      %add3A_108 = arith.addi %mul3A_106, %add3A_107 : i32
      %add3A_109 = arith.constant 3 : i32
      %add3A_110 = arith.addi %add3A_108, %add3A_109 : i32
      %lt3A_111 = arith.constant 125 : i32
      %lt3A_112 = arith.cmpi slt, %add3A_110, %lt3A_111 : i32
      %convert_element_type3A = arith.extui %lt3A_112 : i1 to i32
      %cond3A = arith.constant 0 : i32
      %cond3A_113 = arith.cmpi ne, %convert_element_type3A, %cond3A : i32
      scf.if %cond3A_113 {
        %mul3A_169 = arith.constant 3200 : i32
        %mul3A_170 = arith.muli %add3A_110, %mul3A_169 : i32
        %add3A_171 = arith.addi %mul3A_32, %mul3A_170 : i32
        %mul3A_172 = arith.constant 2 : i32
        %mul3A_173 = arith.muli %add3A_171, %mul3A_172 : i32
        %dma_start3A_174 = tpu.memref_slice %arg3[%mul3A_173] : memref<3200000xi32, #tpu.memory_space<hbm>> -> memref<6400xi32, #tpu.memory_space<hbm>>
        %dma_start3A_175 = tpu.memref_slice %arg3[%mul3A_173] : memref<3200000xi32, #tpu.memory_space<hbm>> -> memref<6400xi32, #tpu.memory_space<hbm>>
        tpu.enqueue_dma source(%dma_start3A_175 : memref<6400xi32, #tpu.memory_space<hbm>>) target(%arg10 : memref<6400xi32, #tpu.memory_space<vmem>>) target_semaphore(%arg14 : memref<!tpu.dma_semaphore, #tpu.memory_space<semaphore_mem>>)
      } else {
      }
      %dma_wait3A_114 = arith.constant 0 : i32
      %dma_wait3A_115 = tpu.memref_slice %arg3[%dma_wait3A_114] : memref<3200000xi32, #tpu.memory_space<hbm>> -> memref<6400xi32, #tpu.memory_space<hbm>>
      %dma_wait3A_116 = arith.constant 0 : i32
      %dma_wait3A_117 = tpu.memref_slice %arg3[%dma_wait3A_116] : memref<3200000xi32, #tpu.memory_space<hbm>> -> memref<6400xi32, #tpu.memory_space<hbm>>
      tpu.wait_dma2 semaphore(%arg11 : memref<!tpu.dma_semaphore, #tpu.memory_space<semaphore_mem>>) src(%dma_wait3A_117 : memref<6400xi32, #tpu.memory_space<hbm>>) dst(%arg7 : memref<6400xi32, #tpu.memory_space<vmem>>)
      %parallel_loop3A_118 = arith.constant 0 : i32
      %parallel_loop3A_119 = arith.constant 3200 : i32
      %parallel_loop3A_120 = arith.constant 16 : i32
      scf.for %parallel_loop3A_169 = %parallel_loop3A_118 to %parallel_loop3A_119 step %parallel_loop3A_120  : i32 {
        %parallel_loop3A_170 = arith.index_cast %parallel_loop3A_169 : i32 to index
        %parallel_loop3A_171 = tpu.vector_load %arg7[%parallel_loop3A_170] {strides = array<i32>} : memref<6400xi32, #tpu.memory_space<vmem>>, vector<16xi32>,
        %parallel_loop3A_172 = arith.constant 3200 : i32
        %parallel_loop3A_173 = arith.addi %parallel_loop3A_172, %parallel_loop3A_169 : i32
        %parallel_loop3A_174 = arith.index_cast %parallel_loop3A_173 : i32 to index
        %parallel_loop3A_175 = tpu.vector_load %arg7[%parallel_loop3A_174] {strides = array<i32>} : memref<6400xi32, #tpu.memory_space<vmem>>, vector<16xi32>,
        %parallel_loop3A_176 = vector.bitcast %parallel_loop3A_175 : vector<16xi32> to vector<16xf32>
        %parallel_loop3A_177 = arith.constant 65535 : i32
        %parallel_loop3A_178 = vector.broadcast %parallel_loop3A_177 : i32 to vector<16xi32>
        %parallel_loop3A_179 = arith.andi %parallel_loop3A_171, %parallel_loop3A_178 : vector<16xi32>
        %parallel_loop3A_180 = arith.constant 16 : i32
        %parallel_loop3A_181 = vector.broadcast %parallel_loop3A_180 : i32 to vector<16xi32>
        %parallel_loop3A_182 = arith.shrui %parallel_loop3A_171, %parallel_loop3A_181 : vector<16xi32>
        %parallel_loop3A_183 = tpu.vector_load_idx %arg5[%parallel_loop3A_179] : memref<50000xf32, #tpu.memory_space<vmem>>[vector<16xi32>], vector<16xf32>,
        %parallel_loop3A_184 = arith.mulf %parallel_loop3A_183, %parallel_loop3A_176 : vector<16xf32>
        tpu.vector_store_idx %arg6[%parallel_loop3A_182], %parallel_loop3A_184 {add = true} : memref<50000xf32, #tpu.memory_space<vmem>>[vector<16xi32>], vector<16xf32>,
      } {sc.loop_unroll_factor = 8 : i64, sc.parallel_access}
      %add3A_121 = arith.constant 1 : i32
      %add3A_122 = arith.addi %mul3A_106, %add3A_121 : i32
      %add3A_123 = arith.constant 3 : i32
      %add3A_124 = arith.addi %add3A_122, %add3A_123 : i32
      %lt3A_125 = arith.constant 125 : i32
      %lt3A_126 = arith.cmpi slt, %add3A_124, %lt3A_125 : i32
      %convert_element_type3A_127 = arith.extui %lt3A_126 : i1 to i32
      %cond3A_128 = arith.constant 0 : i32
      %cond3A_129 = arith.cmpi ne, %convert_element_type3A_127, %cond3A_128 : i32
      scf.if %cond3A_129 {
        %mul3A_169 = arith.constant 3200 : i32
        %mul3A_170 = arith.muli %add3A_124, %mul3A_169 : i32
        %add3A_171 = arith.addi %mul3A_32, %mul3A_170 : i32
        %mul3A_172 = arith.constant 2 : i32
        %mul3A_173 = arith.muli %add3A_171, %mul3A_172 : i32
        %dma_start3A_174 = tpu.memref_slice %arg3[%mul3A_173] : memref<3200000xi32, #tpu.memory_space<hbm>> -> memref<6400xi32, #tpu.memory_space<hbm>>
        %dma_start3A_175 = tpu.memref_slice %arg3[%mul3A_173] : memref<3200000xi32, #tpu.memory_space<hbm>> -> memref<6400xi32, #tpu.memory_space<hbm>>
        tpu.enqueue_dma source(%dma_start3A_175 : memref<6400xi32, #tpu.memory_space<hbm>>) target(%arg7 : memref<6400xi32, #tpu.memory_space<vmem>>) target_semaphore(%arg11 : memref<!tpu.dma_semaphore, #tpu.memory_space<semaphore_mem>>)
      } else {
      }
      %dma_wait3A_130 = arith.constant 0 : i32
      %dma_wait3A_131 = tpu.memref_slice %arg3[%dma_wait3A_130] : memref<3200000xi32, #tpu.memory_space<hbm>> -> memref<6400xi32, #tpu.memory_space<hbm>>
      %dma_wait3A_132 = arith.constant 0 : i32
      %dma_wait3A_133 = tpu.memref_slice %arg3[%dma_wait3A_132] : memref<3200000xi32, #tpu.memory_space<hbm>> -> memref<6400xi32, #tpu.memory_space<hbm>>
      tpu.wait_dma2 semaphore(%arg12 : memref<!tpu.dma_semaphore, #tpu.memory_space<semaphore_mem>>) src(%dma_wait3A_133 : memref<6400xi32, #tpu.memory_space<hbm>>) dst(%arg8 : memref<6400xi32, #tpu.memory_space<vmem>>)
      %parallel_loop3A_134 = arith.constant 0 : i32
      %parallel_loop3A_135 = arith.constant 3200 : i32
      %parallel_loop3A_136 = arith.constant 16 : i32
      scf.for %parallel_loop3A_169 = %parallel_loop3A_134 to %parallel_loop3A_135 step %parallel_loop3A_136  : i32 {
        %parallel_loop3A_170 = arith.index_cast %parallel_loop3A_169 : i32 to index
        %parallel_loop3A_171 = tpu.vector_load %arg8[%parallel_loop3A_170] {strides = array<i32>} : memref<6400xi32, #tpu.memory_space<vmem>>, vector<16xi32>,
        %parallel_loop3A_172 = arith.constant 3200 : i32
        %parallel_loop3A_173 = arith.addi %parallel_loop3A_172, %parallel_loop3A_169 : i32
        %parallel_loop3A_174 = arith.index_cast %parallel_loop3A_173 : i32 to index
        %parallel_loop3A_175 = tpu.vector_load %arg8[%parallel_loop3A_174] {strides = array<i32>} : memref<6400xi32, #tpu.memory_space<vmem>>, vector<16xi32>,
        %parallel_loop3A_176 = vector.bitcast %parallel_loop3A_175 : vector<16xi32> to vector<16xf32>
        %parallel_loop3A_177 = arith.constant 65535 : i32
        %parallel_loop3A_178 = vector.broadcast %parallel_loop3A_177 : i32 to vector<16xi32>
        %parallel_loop3A_179 = arith.andi %parallel_loop3A_171, %parallel_loop3A_178 : vector<16xi32>
        %parallel_loop3A_180 = arith.constant 16 : i32
        %parallel_loop3A_181 = vector.broadcast %parallel_loop3A_180 : i32 to vector<16xi32>
        %parallel_loop3A_182 = arith.shrui %parallel_loop3A_171, %parallel_loop3A_181 : vector<16xi32>
        %parallel_loop3A_183 = tpu.vector_load_idx %arg5[%parallel_loop3A_179] : memref<50000xf32, #tpu.memory_space<vmem>>[vector<16xi32>], vector<16xf32>,
        %parallel_loop3A_184 = arith.mulf %parallel_loop3A_183, %parallel_loop3A_176 : vector<16xf32>
        tpu.vector_store_idx %arg6[%parallel_loop3A_182], %parallel_loop3A_184 {add = true} : memref<50000xf32, #tpu.memory_space<vmem>>[vector<16xi32>], vector<16xf32>,
      } {sc.loop_unroll_factor = 8 : i64, sc.parallel_access}
      %add3A_137 = arith.constant 2 : i32
      %add3A_138 = arith.addi %mul3A_106, %add3A_137 : i32
      %add3A_139 = arith.constant 3 : i32
      %add3A_140 = arith.addi %add3A_138, %add3A_139 : i32
      %lt3A_141 = arith.constant 125 : i32
      %lt3A_142 = arith.cmpi slt, %add3A_140, %lt3A_141 : i32
      %convert_element_type3A_143 = arith.extui %lt3A_142 : i1 to i32
      %cond3A_144 = arith.constant 0 : i32
      %cond3A_145 = arith.cmpi ne, %convert_element_type3A_143, %cond3A_144 : i32
      scf.if %cond3A_145 {
        %mul3A_169 = arith.constant 3200 : i32
        %mul3A_170 = arith.muli %add3A_140, %mul3A_169 : i32
        %add3A_171 = arith.addi %mul3A_32, %mul3A_170 : i32
        %mul3A_172 = arith.constant 2 : i32
        %mul3A_173 = arith.muli %add3A_171, %mul3A_172 : i32
        %dma_start3A_174 = tpu.memref_slice %arg3[%mul3A_173] : memref<3200000xi32, #tpu.memory_space<hbm>> -> memref<6400xi32, #tpu.memory_space<hbm>>
        %dma_start3A_175 = tpu.memref_slice %arg3[%mul3A_173] : memref<3200000xi32, #tpu.memory_space<hbm>> -> memref<6400xi32, #tpu.memory_space<hbm>>
        tpu.enqueue_dma source(%dma_start3A_175 : memref<6400xi32, #tpu.memory_space<hbm>>) target(%arg8 : memref<6400xi32, #tpu.memory_space<vmem>>) target_semaphore(%arg12 : memref<!tpu.dma_semaphore, #tpu.memory_space<semaphore_mem>>)
      } else {
      }
      %dma_wait3A_146 = arith.constant 0 : i32
      %dma_wait3A_147 = tpu.memref_slice %arg3[%dma_wait3A_146] : memref<3200000xi32, #tpu.memory_space<hbm>> -> memref<6400xi32, #tpu.memory_space<hbm>>
      %dma_wait3A_148 = arith.constant 0 : i32
      %dma_wait3A_149 = tpu.memref_slice %arg3[%dma_wait3A_148] : memref<3200000xi32, #tpu.memory_space<hbm>> -> memref<6400xi32, #tpu.memory_space<hbm>>
      tpu.wait_dma2 semaphore(%arg13 : memref<!tpu.dma_semaphore, #tpu.memory_space<semaphore_mem>>) src(%dma_wait3A_149 : memref<6400xi32, #tpu.memory_space<hbm>>) dst(%arg9 : memref<6400xi32, #tpu.memory_space<vmem>>)
      %parallel_loop3A_150 = arith.constant 0 : i32
      %parallel_loop3A_151 = arith.constant 3200 : i32
      %parallel_loop3A_152 = arith.constant 16 : i32
      scf.for %parallel_loop3A_169 = %parallel_loop3A_150 to %parallel_loop3A_151 step %parallel_loop3A_152  : i32 {
        %parallel_loop3A_170 = arith.index_cast %parallel_loop3A_169 : i32 to index
        %parallel_loop3A_171 = tpu.vector_load %arg9[%parallel_loop3A_170] {strides = array<i32>} : memref<6400xi32, #tpu.memory_space<vmem>>, vector<16xi32>,
        %parallel_loop3A_172 = arith.constant 3200 : i32
        %parallel_loop3A_173 = arith.addi %parallel_loop3A_172, %parallel_loop3A_169 : i32
        %parallel_loop3A_174 = arith.index_cast %parallel_loop3A_173 : i32 to index
        %parallel_loop3A_175 = tpu.vector_load %arg9[%parallel_loop3A_174] {strides = array<i32>} : memref<6400xi32, #tpu.memory_space<vmem>>, vector<16xi32>,
        %parallel_loop3A_176 = vector.bitcast %parallel_loop3A_175 : vector<16xi32> to vector<16xf32>
        %parallel_loop3A_177 = arith.constant 65535 : i32
        %parallel_loop3A_178 = vector.broadcast %parallel_loop3A_177 : i32 to vector<16xi32>
        %parallel_loop3A_179 = arith.andi %parallel_loop3A_171, %parallel_loop3A_178 : vector<16xi32>
        %parallel_loop3A_180 = arith.constant 16 : i32
        %parallel_loop3A_181 = vector.broadcast %parallel_loop3A_180 : i32 to vector<16xi32>
        %parallel_loop3A_182 = arith.shrui %parallel_loop3A_171, %parallel_loop3A_181 : vector<16xi32>
        %parallel_loop3A_183 = tpu.vector_load_idx %arg5[%parallel_loop3A_179] : memref<50000xf32, #tpu.memory_space<vmem>>[vector<16xi32>], vector<16xf32>,
        %parallel_loop3A_184 = arith.mulf %parallel_loop3A_183, %parallel_loop3A_176 : vector<16xf32>
        tpu.vector_store_idx %arg6[%parallel_loop3A_182], %parallel_loop3A_184 {add = true} : memref<50000xf32, #tpu.memory_space<vmem>>[vector<16xi32>], vector<16xf32>,
      } {sc.loop_unroll_factor = 8 : i64, sc.parallel_access}
      %add3A_153 = arith.constant 3 : i32
      %add3A_154 = arith.addi %mul3A_106, %add3A_153 : i32
      %add3A_155 = arith.constant 3 : i32
      %add3A_156 = arith.addi %add3A_154, %add3A_155 : i32
      %lt3A_157 = arith.constant 125 : i32
      %lt3A_158 = arith.cmpi slt, %add3A_156, %lt3A_157 : i32
      %convert_element_type3A_159 = arith.extui %lt3A_158 : i1 to i32
      %cond3A_160 = arith.constant 0 : i32
      %cond3A_161 = arith.cmpi ne, %convert_element_type3A_159, %cond3A_160 : i32
      scf.if %cond3A_161 {
        %mul3A_169 = arith.constant 3200 : i32
        %mul3A_170 = arith.muli %add3A_156, %mul3A_169 : i32
        %add3A_171 = arith.addi %mul3A_32, %mul3A_170 : i32
        %mul3A_172 = arith.constant 2 : i32
        %mul3A_173 = arith.muli %add3A_171, %mul3A_172 : i32
        %dma_start3A_174 = tpu.memref_slice %arg3[%mul3A_173] : memref<3200000xi32, #tpu.memory_space<hbm>> -> memref<6400xi32, #tpu.memory_space<hbm>>
        %dma_start3A_175 = tpu.memref_slice %arg3[%mul3A_173] : memref<3200000xi32, #tpu.memory_space<hbm>> -> memref<6400xi32, #tpu.memory_space<hbm>>
        tpu.enqueue_dma source(%dma_start3A_175 : memref<6400xi32, #tpu.memory_space<hbm>>) target(%arg9 : memref<6400xi32, #tpu.memory_space<vmem>>) target_semaphore(%arg13 : memref<!tpu.dma_semaphore, #tpu.memory_space<semaphore_mem>>)
      } else {
      }
      %dma_wait3A_162 = arith.constant 0 : i32
      %dma_wait3A_163 = tpu.memref_slice %arg3[%dma_wait3A_162] : memref<3200000xi32, #tpu.memory_space<hbm>> -> memref<6400xi32, #tpu.memory_space<hbm>>
      %dma_wait3A_164 = arith.constant 0 : i32
      %dma_wait3A_165 = tpu.memref_slice %arg3[%dma_wait3A_164] : memref<3200000xi32, #tpu.memory_space<hbm>> -> memref<6400xi32, #tpu.memory_space<hbm>>
      tpu.wait_dma2 semaphore(%arg14 : memref<!tpu.dma_semaphore, #tpu.memory_space<semaphore_mem>>) src(%dma_wait3A_165 : memref<6400xi32, #tpu.memory_space<hbm>>) dst(%arg10 : memref<6400xi32, #tpu.memory_space<vmem>>)
      %parallel_loop3A_166 = arith.constant 0 : i32
      %parallel_loop3A_167 = arith.constant 3200 : i32
      %parallel_loop3A_168 = arith.constant 16 : i32
      scf.for %parallel_loop3A_169 = %parallel_loop3A_166 to %parallel_loop3A_167 step %parallel_loop3A_168  : i32 {
        %parallel_loop3A_170 = arith.index_cast %parallel_loop3A_169 : i32 to index
        %parallel_loop3A_171 = tpu.vector_load %arg10[%parallel_loop3A_170] {strides = array<i32>} : memref<6400xi32, #tpu.memory_space<vmem>>, vector<16xi32>,
        %parallel_loop3A_172 = arith.constant 3200 : i32
        %parallel_loop3A_173 = arith.addi %parallel_loop3A_172, %parallel_loop3A_169 : i32
        %parallel_loop3A_174 = arith.index_cast %parallel_loop3A_173 : i32 to index
        %parallel_loop3A_175 = tpu.vector_load %arg10[%parallel_loop3A_174] {strides = array<i32>} : memref<6400xi32, #tpu.memory_space<vmem>>, vector<16xi32>,
        %parallel_loop3A_176 = vector.bitcast %parallel_loop3A_175 : vector<16xi32> to vector<16xf32>
        %parallel_loop3A_177 = arith.constant 65535 : i32
        %parallel_loop3A_178 = vector.broadcast %parallel_loop3A_177 : i32 to vector<16xi32>
        %parallel_loop3A_179 = arith.andi %parallel_loop3A_171, %parallel_loop3A_178 : vector<16xi32>
        %parallel_loop3A_180 = arith.constant 16 : i32
        %parallel_loop3A_181 = vector.broadcast %parallel_loop3A_180 : i32 to vector<16xi32>
        %parallel_loop3A_182 = arith.shrui %parallel_loop3A_171, %parallel_loop3A_181 : vector<16xi32>
        %parallel_loop3A_183 = tpu.vector_load_idx %arg5[%parallel_loop3A_179] : memref<50000xf32, #tpu.memory_space<vmem>>[vector<16xi32>], vector<16xf32>,
        %parallel_loop3A_184 = arith.mulf %parallel_loop3A_183, %parallel_loop3A_176 : vector<16xf32>
        tpu.vector_store_idx %arg6[%parallel_loop3A_182], %parallel_loop3A_184 {add = true} : memref<50000xf32, #tpu.memory_space<vmem>>[vector<16xi32>], vector<16xf32>,
      } {sc.loop_unroll_factor = 8 : i64, sc.parallel_access}
    }
    %scan3A_98 = arith.constant 31 : i32
    %dma_wait3A = arith.constant 0 : i32
    %dma_wait3A_99 = tpu.memref_slice %arg3[%dma_wait3A] : memref<3200000xi32, #tpu.memory_space<hbm>> -> memref<6400xi32, #tpu.memory_space<hbm>>
    %dma_wait3A_100 = arith.constant 0 : i32
    %dma_wait3A_101 = tpu.memref_slice %arg3[%dma_wait3A_100] : memref<3200000xi32, #tpu.memory_space<hbm>> -> memref<6400xi32, #tpu.memory_space<hbm>>
    tpu.wait_dma2 semaphore(%arg11 : memref<!tpu.dma_semaphore, #tpu.memory_space<semaphore_mem>>) src(%dma_wait3A_101 : memref<6400xi32, #tpu.memory_space<hbm>>) dst(%arg7 : memref<6400xi32, #tpu.memory_space<vmem>>)
    %parallel_loop3A = arith.constant 0 : i32
    %parallel_loop3A_102 = arith.constant 3200 : i32
    %parallel_loop3A_103 = arith.constant 16 : i32
    scf.for %parallel_loop3A_104 = %parallel_loop3A to %parallel_loop3A_102 step %parallel_loop3A_103  : i32 {
      %parallel_loop3A_105 = arith.index_cast %parallel_loop3A_104 : i32 to index
      %parallel_loop3A_106 = tpu.vector_load %arg7[%parallel_loop3A_105] {strides = array<i32>} : memref<6400xi32, #tpu.memory_space<vmem>>, vector<16xi32>,
      %parallel_loop3A_107 = arith.constant 3200 : i32
      %parallel_loop3A_108 = arith.addi %parallel_loop3A_107, %parallel_loop3A_104 : i32
      %parallel_loop3A_109 = arith.index_cast %parallel_loop3A_108 : i32 to index
      %parallel_loop3A_110 = tpu.vector_load %arg7[%parallel_loop3A_109] {strides = array<i32>} : memref<6400xi32, #tpu.memory_space<vmem>>, vector<16xi32>,
      %parallel_loop3A_111 = vector.bitcast %parallel_loop3A_110 : vector<16xi32> to vector<16xf32>
      %parallel_loop3A_112 = arith.constant 65535 : i32
      %parallel_loop3A_113 = vector.broadcast %parallel_loop3A_112 : i32 to vector<16xi32>
      %parallel_loop3A_114 = arith.andi %parallel_loop3A_106, %parallel_loop3A_113 : vector<16xi32>
      %parallel_loop3A_115 = arith.constant 16 : i32
      %parallel_loop3A_116 = vector.broadcast %parallel_loop3A_115 : i32 to vector<16xi32>
      %parallel_loop3A_117 = arith.shrui %parallel_loop3A_106, %parallel_loop3A_116 : vector<16xi32>
      %parallel_loop3A_118 = tpu.vector_load_idx %arg5[%parallel_loop3A_114] : memref<50000xf32, #tpu.memory_space<vmem>>[vector<16xi32>], vector<16xf32>,
      %parallel_loop3A_119 = arith.mulf %parallel_loop3A_118, %parallel_loop3A_111 : vector<16xf32>
      tpu.vector_store_idx %arg6[%parallel_loop3A_117], %parallel_loop3A_119 {add = true} : memref<50000xf32, #tpu.memory_space<vmem>>[vector<16xi32>], vector<16xf32>,
    } {sc.loop_unroll_factor = 8 : i64, sc.parallel_access}
    "tpu.region"() ({
      %run_scoped3A = tpu.sem_alloc : memref<!tpu.dma_semaphore, #tpu.memory_space<semaphore_mem>>
      %dma_start3A_104 = arith.constant 0 : i32
      %dma_start3A_105 = tpu.memref_slice %arg4[%add3A, %dma_start3A_104] : memref<32x50000xf32, #tpu.memory_space<hbm>> -> memref<1x50000xf32, #tpu.memory_space<hbm>>
      %dma_start3A_106 = tpu.memref_squeeze %dma_start3A_105 : memref<1x50000xf32, #tpu.memory_space<hbm>> -> memref<50000xf32, #tpu.memory_space<hbm>>
      %dma_start3A_107 = arith.constant 0 : i32
      %dma_start3A_108 = tpu.memref_slice %arg4[%add3A, %dma_start3A_107] : memref<32x50000xf32, #tpu.memory_space<hbm>> -> memref<1x50000xf32, #tpu.memory_space<hbm>>
      %dma_start3A_109 = tpu.memref_squeeze %dma_start3A_108 : memref<1x50000xf32, #tpu.memory_space<hbm>> -> memref<50000xf32, #tpu.memory_space<hbm>>
      tpu.enqueue_dma source(%arg6 : memref<50000xf32, #tpu.memory_space<vmem>>) target(%dma_start3A_109 : memref<50000xf32, #tpu.memory_space<hbm>>) target_semaphore(%run_scoped3A : memref<!tpu.dma_semaphore, #tpu.memory_space<semaphore_mem>>)
      %dma_wait3A_110 = arith.constant 0 : i32
      %dma_wait3A_111 = tpu.memref_slice %arg4[%add3A, %dma_wait3A_110] : memref<32x50000xf32, #tpu.memory_space<hbm>> -> memref<1x50000xf32, #tpu.memory_space<hbm>>
      %dma_wait3A_112 = tpu.memref_squeeze %dma_wait3A_111 : memref<1x50000xf32, #tpu.memory_space<hbm>> -> memref<50000xf32, #tpu.memory_space<hbm>>
      %dma_wait3A_113 = arith.constant 0 : i32
      %dma_wait3A_114 = tpu.memref_slice %arg4[%add3A, %dma_wait3A_113] : memref<32x50000xf32, #tpu.memory_space<hbm>> -> memref<1x50000xf32, #tpu.memory_space<hbm>>
      %dma_wait3A_115 = tpu.memref_squeeze %dma_wait3A_114 : memref<1x50000xf32, #tpu.memory_space<hbm>> -> memref<50000xf32, #tpu.memory_space<hbm>>
      tpu.wait_dma2 semaphore(%run_scoped3A : memref<!tpu.dma_semaphore, #tpu.memory_space<semaphore_mem>>) src(%arg6 : memref<50000xf32, #tpu.memory_space<vmem>>) dst(%dma_wait3A_115 : memref<50000xf32, #tpu.memory_space<hbm>>)
      tpu.yield
    }) : () -> ()
    return
  }
}

module attributes {stable_mosaic.version = 14 : i64} {
  func.func @body(%arg0: i32, %arg1: memref<20x1x3200xi32, #tpu.memory_space<vmem>>, %arg2: memref<20x1x3200xi32, #tpu.memory_space<vmem>>, %arg3: memref<20x1x3200xf32, #tpu.memory_space<vmem>>, %arg4: memref<20x1x3200xf32, #tpu.memory_space<vmem>>, %arg5: memref<20x2x3200xi32, #tpu.memory_space<vmem>>) attributes {dimension_semantics = [#tpu.dimension_semantics<arbitrary>], iteration_bounds = array<i64: 25>, scalar_prefetch = 0 : i64, scratch_operands = 0 : i64, tpu.core_type = #tpu.core_type<tc>, window_params = [{transform_indices = @transform_0, window_bounds = array<i64: 20, 1, 3200>}, {transform_indices = @transform_1, window_bounds = array<i64: 20, 1, 3200>}, {transform_indices = @transform_2, window_bounds = array<i64: 20, 1, 3200>}, {transform_indices = @transform_3, window_bounds = array<i64: 20, 1, 3200>}, {transform_indices = @transform_4, window_bounds = array<i64: 20, 2, 3200>}]} {
    %get3A = arith.constant 0 : index
    %get3A_0 = arith.constant 0 : index
    %get3A_1 = arith.constant 0 : index
    %get3A_2 = vector.load %arg2[%get3A, %get3A_0, %get3A_1] : memref<20x1x3200xi32, #tpu.memory_space<vmem>>, vector<20x1x3200xi32>
    %shift_left3A = arith.constant 16 : i32
    %shift_left3A_3 = vector.broadcast %shift_left3A : i32 to vector<20x1x3200xi32>
    %shift_left3A_4 = arith.shli %get3A_2, %shift_left3A_3 : vector<20x1x3200xi32>
    %get3A_5 = arith.constant 0 : index
    %get3A_6 = arith.constant 0 : index
    %get3A_7 = arith.constant 0 : index
    %get3A_8 = vector.load %arg1[%get3A_5, %get3A_6, %get3A_7] : memref<20x1x3200xi32, #tpu.memory_space<vmem>>, vector<20x1x3200xi32>
    %or3A = arith.ori %shift_left3A_4, %get3A_8 : vector<20x1x3200xi32>
    %get3A_9 = arith.constant 0 : index
    %get3A_10 = arith.constant 0 : index
    %get3A_11 = arith.constant 0 : index
    %get3A_12 = vector.load %arg3[%get3A_9, %get3A_10, %get3A_11] : memref<20x1x3200xf32, #tpu.memory_space<vmem>>, vector<20x1x3200xf32>
    %get3A_13 = arith.constant 0 : index
    %get3A_14 = arith.constant 0 : index
    %get3A_15 = arith.constant 0 : index
    %get3A_16 = vector.load %arg4[%get3A_13, %get3A_14, %get3A_15] : memref<20x1x3200xf32, #tpu.memory_space<vmem>>, vector<20x1x3200xf32>
    %logistic3A = arith.negf %get3A_16 : vector<20x1x3200xf32>
    %logistic3A_17 = math.exp %logistic3A : vector<20x1x3200xf32>
    %logistic3A_18 = arith.constant 1.000000e+00 : f32
    %logistic3A_19 = vector.broadcast %logistic3A_18 : f32 to vector<20x1x3200xf32>
    %logistic3A_20 = arith.addf %logistic3A_19, %logistic3A_17 : vector<20x1x3200xf32>
    %logistic3A_21 = arith.divf %logistic3A_19, %logistic3A_20 : vector<20x1x3200xf32>
    %mul3A = arith.mulf %get3A_12, %logistic3A_21 : vector<20x1x3200xf32>
    %swap3A = arith.constant 0 : index
    %swap3A_22 = arith.constant 0 : index
    %swap3A_23 = arith.constant 0 : index
    %swap3A_24 = vector.load %arg5[%swap3A, %swap3A_22, %swap3A_23] : memref<20x2x3200xi32, #tpu.memory_space<vmem>>, vector<20x1x3200xi32>
    tpu.vector_store %arg5[%swap3A, %swap3A_22, %swap3A_23], %or3A {strides = array<i32>} : memref<20x2x3200xi32, #tpu.memory_space<vmem>>, vector<20x1x3200xi32>,
    %bitcast_convert_type3A = tpu.bitcast %mul3A : vector<20x1x3200xf32> -> vector<20x1x3200xi32>
    %swap3A_25 = arith.constant 0 : index
    %swap3A_26 = arith.constant 1 : index
    %swap3A_27 = arith.constant 0 : index
    %swap3A_28 = vector.load %arg5[%swap3A_25, %swap3A_26, %swap3A_27] : memref<20x2x3200xi32, #tpu.memory_space<vmem>>, vector<20x1x3200xi32>
    tpu.vector_store %arg5[%swap3A_25, %swap3A_26, %swap3A_27], %bitcast_convert_type3A {strides = array<i32>} : memref<20x2x3200xi32, #tpu.memory_space<vmem>>, vector<20x1x3200xi32>,
    return
  }
  func.func @transform_0(%arg0: i32) -> (i32, i32, i32) {
    %c0_i32 = arith.constant 0 : i32
    %c0_i32_0 = arith.constant 0 : i32
    %c0_i32_1 = arith.constant 0 : i32
    return %arg0, %c0_i32, %c0_i32_0 : i32, i32, i32
  }
  func.func @transform_1(%arg0: i32) -> (i32, i32, i32) {
    %c0_i32 = arith.constant 0 : i32
    %c0_i32_0 = arith.constant 0 : i32
    %c0_i32_1 = arith.constant 0 : i32
    return %arg0, %c0_i32, %c0_i32_0 : i32, i32, i32
  }
  func.func @transform_2(%arg0: i32) -> (i32, i32, i32) {
    %c0_i32 = arith.constant 0 : i32
    %c0_i32_0 = arith.constant 0 : i32
    %c0_i32_1 = arith.constant 0 : i32
    return %arg0, %c0_i32, %c0_i32_0 : i32, i32, i32
  }
  func.func @transform_3(%arg0: i32) -> (i32, i32, i32) {
    %c0_i32 = arith.constant 0 : i32
    %c0_i32_0 = arith.constant 0 : i32
    %c0_i32_1 = arith.constant 0 : i32
    return %arg0, %c0_i32, %c0_i32_0 : i32, i32, i32
  }
  func.func @transform_4(%arg0: i32) -> (i32, i32, i32) {
    %c0_i32 = arith.constant 0 : i32
    %c0_i32_0 = arith.constant 0 : i32
    %c0_i32_1 = arith.constant 0 : i32
    return %arg0, %c0_i32, %c0_i32_0 : i32, i32, i32
  }
}

module attributes {stable_mosaic.version = 14 : i64} {
  func.func @body(%arg0: memref<32x50000xf32, #tpu.memory_space<vmem>>, %arg1: memref<1x50000xf32, #tpu.memory_space<vmem>>, %arg2: memref<8x50000xf32, #tpu.memory_space<vmem>>) attributes {dimension_semantics = [], scalar_prefetch = 0 : i64, scratch_operands = 0 : i64, tpu.core_type = #tpu.core_type<tc>} {
    %get3A = arith.constant 0 : index
    %get3A_0 = arith.constant 0 : index
    %get3A_1 = vector.load %arg0[%get3A, %get3A_0] : memref<32x50000xf32, #tpu.memory_space<vmem>>, vector<32x50000xf32>
    %slice3A = vector.extract_strided_slice %get3A_1 {offsets = [0, 0], sizes = [8, 50000], strides = [1, 1]} : vector<32x50000xf32> to vector<8x50000xf32>
    %slice3A_2 = vector.extract_strided_slice %get3A_1 {offsets = [8, 0], sizes = [8, 50000], strides = [1, 1]} : vector<32x50000xf32> to vector<8x50000xf32>
    %add3A = arith.addf %slice3A, %slice3A_2 : vector<8x50000xf32>
    %slice3A_3 = vector.extract_strided_slice %get3A_1 {offsets = [16, 0], sizes = [8, 50000], strides = [1, 1]} : vector<32x50000xf32> to vector<8x50000xf32>
    %add3A_4 = arith.addf %add3A, %slice3A_3 : vector<8x50000xf32>
    %slice3A_5 = vector.extract_strided_slice %get3A_1 {offsets = [24, 0], sizes = [8, 50000], strides = [1, 1]} : vector<32x50000xf32> to vector<8x50000xf32>
    %add3A_6 = arith.addf %add3A_4, %slice3A_5 : vector<8x50000xf32>
    %reduce_min3A = vector.shape_cast %add3A_6 : vector<8x50000xf32> to vector<1x8x50000xf32>
    %reduce_min3A_7 = arith.constant dense<0x7F800000> : vector<1xf32>
    %reduce_min3A_8 = vector.multi_reduction <minimumf>, %reduce_min3A, %reduce_min3A_7 [1, 2] : vector<1x8x50000xf32> to vector<1xf32>
    %reduce_min3A_9 = vector.shape_cast %reduce_min3A_8 : vector<1xf32> to vector<1x1x1xf32>
    %reduce_min3A_10 = vector.extract %reduce_min3A_9[0, 0, 0] : f32 from vector<1x1x1xf32>
    %reduce_max3A = vector.shape_cast %add3A_6 : vector<8x50000xf32> to vector<1x8x50000xf32>
    %reduce_max3A_11 = arith.constant dense<0xFF800000> : vector<1xf32>
    %reduce_max3A_12 = vector.multi_reduction <maximumf>, %reduce_max3A, %reduce_max3A_11 [1, 2] : vector<1x8x50000xf32> to vector<1xf32>
    %reduce_max3A_13 = vector.shape_cast %reduce_max3A_12 : vector<1xf32> to vector<1x1x1xf32>
    %reduce_max3A_14 = vector.extract %reduce_max3A_13[0, 0, 0] : f32 from vector<1x1x1xf32>
    %sub3A = vector.broadcast %reduce_min3A_10 : f32 to vector<8x50000xf32>
    %sub3A_15 = arith.subf %add3A_6, %sub3A : vector<8x50000xf32>
    %sub3A_16 = arith.subf %reduce_max3A_14, %reduce_min3A_10 : f32
    %div3A = vector.broadcast %sub3A_16 : f32 to vector<8x50000xf32>
    %div3A_17 = arith.divf %sub3A_15, %div3A : vector<8x50000xf32>
    %get3A_18 = arith.constant 0 : index
    %get3A_19 = arith.constant 0 : index
    %get3A_20 = vector.load %arg1[%get3A_18, %get3A_19] : memref<1x50000xf32, #tpu.memory_space<vmem>>, vector<1x50000xf32>
    %abs3A = math.absf %get3A_20 : vector<1x50000xf32>
    %sub3A_21 = vector.broadcast %abs3A : vector<1x50000xf32> to vector<8x50000xf32>
    %sub3A_22 = arith.subf %div3A_17, %sub3A_21 : vector<8x50000xf32>
    %logistic3A = arith.negf %sub3A_22 : vector<8x50000xf32>
    %logistic3A_23 = math.exp %logistic3A : vector<8x50000xf32>
    %logistic3A_24 = arith.constant 1.000000e+00 : f32
    %logistic3A_25 = vector.broadcast %logistic3A_24 : f32 to vector<8x50000xf32>
    %logistic3A_26 = arith.addf %logistic3A_25, %logistic3A_23 : vector<8x50000xf32>
    %logistic3A_27 = arith.divf %logistic3A_25, %logistic3A_26 : vector<8x50000xf32>
    %swap3A = arith.constant 0 : index
    %swap3A_28 = arith.constant 0 : index
    %swap3A_29 = vector.load %arg2[%swap3A, %swap3A_28] : memref<8x50000xf32, #tpu.memory_space<vmem>>, vector<8x50000xf32>
    tpu.vector_store %arg2[%swap3A, %swap3A_28], %logistic3A_27 {strides = array<i32>} : memref<8x50000xf32, #tpu.memory_space<vmem>>, vector<8x50000xf32>,
    return
  }
}

module attributes {stable_mosaic.version = 14 : i64} {
  func.func @body(%arg0: memref<32x50000xf32, #tpu.memory_space<vmem>>, %arg1: memref<1x50000xf32, #tpu.memory_space<vmem>>, %arg2: memref<1x50000xf32, #tpu.memory_space<vmem>>, %arg3: memref<1x10xf32, #tpu.memory_space<vmem>>, %arg4: memref<1x10xf32, #tpu.memory_space<vmem>>, %arg5: memref<8x10xf32, #tpu.memory_space<vmem>>) attributes {dimension_semantics = [], scalar_prefetch = 0 : i64, scratch_operands = 0 : i64, tpu.core_type = #tpu.core_type<tc>} {
    %get3A = arith.constant 0 : index
    %get3A_0 = arith.constant 0 : index
    %get3A_1 = vector.load %arg0[%get3A, %get3A_0] : memref<32x50000xf32, #tpu.memory_space<vmem>>, vector<32x50000xf32>
    %slice3A = vector.extract_strided_slice %get3A_1 {offsets = [0, 0], sizes = [8, 50000], strides = [1, 1]} : vector<32x50000xf32> to vector<8x50000xf32>
    %slice3A_2 = vector.extract_strided_slice %get3A_1 {offsets = [8, 0], sizes = [8, 50000], strides = [1, 1]} : vector<32x50000xf32> to vector<8x50000xf32>
    %add3A = arith.addf %slice3A, %slice3A_2 : vector<8x50000xf32>
    %slice3A_3 = vector.extract_strided_slice %get3A_1 {offsets = [16, 0], sizes = [8, 50000], strides = [1, 1]} : vector<32x50000xf32> to vector<8x50000xf32>
    %add3A_4 = arith.addf %add3A, %slice3A_3 : vector<8x50000xf32>
    %slice3A_5 = vector.extract_strided_slice %get3A_1 {offsets = [24, 0], sizes = [8, 50000], strides = [1, 1]} : vector<32x50000xf32> to vector<8x50000xf32>
    %add3A_6 = arith.addf %add3A_4, %slice3A_5 : vector<8x50000xf32>
    %reduce_min3A = vector.shape_cast %add3A_6 : vector<8x50000xf32> to vector<1x8x50000xf32>
    %reduce_min3A_7 = arith.constant dense<0x7F800000> : vector<1xf32>
    %reduce_min3A_8 = vector.multi_reduction <minimumf>, %reduce_min3A, %reduce_min3A_7 [1, 2] : vector<1x8x50000xf32> to vector<1xf32>
    %reduce_min3A_9 = vector.shape_cast %reduce_min3A_8 : vector<1xf32> to vector<1x1x1xf32>
    %reduce_min3A_10 = vector.extract %reduce_min3A_9[0, 0, 0] : f32 from vector<1x1x1xf32>
    %reduce_max3A = vector.shape_cast %add3A_6 : vector<8x50000xf32> to vector<1x8x50000xf32>
    %reduce_max3A_11 = arith.constant dense<0xFF800000> : vector<1xf32>
    %reduce_max3A_12 = vector.multi_reduction <maximumf>, %reduce_max3A, %reduce_max3A_11 [1, 2] : vector<1x8x50000xf32> to vector<1xf32>
    %reduce_max3A_13 = vector.shape_cast %reduce_max3A_12 : vector<1xf32> to vector<1x1x1xf32>
    %reduce_max3A_14 = vector.extract %reduce_max3A_13[0, 0, 0] : f32 from vector<1x1x1xf32>
    %sub3A = vector.broadcast %reduce_min3A_10 : f32 to vector<8x50000xf32>
    %sub3A_15 = arith.subf %add3A_6, %sub3A : vector<8x50000xf32>
    %sub3A_16 = arith.subf %reduce_max3A_14, %reduce_min3A_10 : f32
    %div3A = vector.broadcast %sub3A_16 : f32 to vector<8x50000xf32>
    %div3A_17 = arith.divf %sub3A_15, %div3A : vector<8x50000xf32>
    %get3A_18 = arith.constant 0 : index
    %get3A_19 = arith.constant 0 : index
    %get3A_20 = vector.load %arg1[%get3A_18, %get3A_19] : memref<1x50000xf32, #tpu.memory_space<vmem>>, vector<1x50000xf32>
    %abs3A = math.absf %get3A_20 : vector<1x50000xf32>
    %sub3A_21 = vector.broadcast %abs3A : vector<1x50000xf32> to vector<8x50000xf32>
    %sub3A_22 = arith.subf %div3A_17, %sub3A_21 : vector<8x50000xf32>
    %logistic3A = arith.negf %sub3A_22 : vector<8x50000xf32>
    %logistic3A_23 = math.exp %logistic3A : vector<8x50000xf32>
    %logistic3A_24 = arith.constant 1.000000e+00 : f32
    %logistic3A_25 = vector.broadcast %logistic3A_24 : f32 to vector<8x50000xf32>
    %logistic3A_26 = arith.addf %logistic3A_25, %logistic3A_23 : vector<8x50000xf32>
    %logistic3A_27 = arith.divf %logistic3A_25, %logistic3A_26 : vector<8x50000xf32>
    %get3A_28 = arith.constant 0 : index
    %get3A_29 = arith.constant 0 : index
    %get3A_30 = vector.load %arg2[%get3A_28, %get3A_29] : memref<1x50000xf32, #tpu.memory_space<vmem>>, vector<1x50000xf32>
    %mul3A = vector.broadcast %get3A_30 : vector<1x50000xf32> to vector<8x50000xf32>
    %mul3A_31 = arith.mulf %logistic3A_27, %mul3A : vector<8x50000xf32>
    %reduce_sum3A = arith.constant dense<0.000000e+00> : vector<8xf32>
    %reduce_sum3A_32 = vector.multi_reduction <add>, %mul3A_31, %reduce_sum3A [1] : vector<8x50000xf32> to vector<8xf32>
    %broadcast_in_dim3A = vector.shape_cast %reduce_sum3A_32 : vector<8xf32> to vector<8x1xf32>
    %get3A_33 = arith.constant 0 : index
    %get3A_34 = arith.constant 0 : index
    %get3A_35 = vector.load %arg3[%get3A_33, %get3A_34] : memref<1x10xf32, #tpu.memory_space<vmem>>, vector<1x10xf32>
    %mul3A_36 = vector.broadcast %broadcast_in_dim3A : vector<8x1xf32> to vector<8x10xf32>
    %mul3A_37 = vector.broadcast %get3A_35 : vector<1x10xf32> to vector<8x10xf32>
    %mul3A_38 = arith.mulf %mul3A_36, %mul3A_37 : vector<8x10xf32>
    %get3A_39 = arith.constant 0 : index
    %get3A_40 = arith.constant 0 : index
    %get3A_41 = vector.load %arg4[%get3A_39, %get3A_40] : memref<1x10xf32, #tpu.memory_space<vmem>>, vector<1x10xf32>
    %add3A_42 = vector.broadcast %get3A_41 : vector<1x10xf32> to vector<8x10xf32>
    %add3A_43 = arith.addf %mul3A_38, %add3A_42 : vector<8x10xf32>
    %swap3A = arith.constant 0 : index
    %swap3A_44 = arith.constant 0 : index
    %swap3A_45 = vector.load %arg5[%swap3A, %swap3A_44] : memref<8x10xf32, #tpu.memory_space<vmem>>, vector<8x10xf32>
    tpu.vector_store %arg5[%swap3A, %swap3A_44], %add3A_43 {strides = array<i32>} : memref<8x10xf32, #tpu.memory_space<vmem>>, vector<8x10xf32>,
    return
  }
}

</mosaic_0001>

<sc_bundles>
// kernel: kernel.12.cloned.1.call-start
scs
__scs_entry_jumppad:
0x0: {  	(pc) =	sbr.rel $0x88, $3  }
0x1: {  	(tag) =	ssettag $0x0;
	lr =	simm.s32 $0x1  }
0x2: {  	[smem:$0x3F99] =	sst lr;
	_ =	strace $0xD0000000  }
0x3: {  	_ = 	snop  }
0x4: {  	_ = 	snop  }
0x5: {  	_ = 	snop  }
0x6: {  	_ = 	snop  }
0x7: {  	_ = 	snop  }
__scs_overlays_trampoline_lowered:
0x8: {  	[smem:$0x3FA8] =	sst s0  }
0x9: {  	[smem:$0x3FA9] =	sst s1  }
0xa: {  	[smem:$0x3FAA] =	sst s2  }
0xb: {  	[smem:$0x3FAB] =	sst s3  }
0xc: {  	[smem:$0x3FAC] =	sst s4  }
0xd: {  	[smem:$0x3FAD] =	sst s5  }
0xe: {  	[smem:$0x3FAE] =	sst s6  }
0xf: {  	[smem:$0x3FAF] =	sst s7  }
0x10: {  	[smem:$0x3FB0] =	sst s8  }
0x11: {  	[smem:$0x3FB1] =	sst s9;
	s0 =	simm.s32 @!p0 $0x0  }
0x12: {  	s1 =	sld [smem:$0x3F97];
	s0 =	simm.s32 @p0 $0x1  }
0x13: {  	[smem:$0x3FB2] =	sst s0;
	s0 =	simm.s32 @!p1 $0x0  }
0x14: {  	s2 =	sld [smem:$0x3F96];
	s0 =	simm.s32 @p1 $0x1  }
0x15: {  	[smem:$0x3FB3] =	sst s0;
	s0 =	simm.s32 @!p2 $0x0  }
0x16: {  	s3 =	sld [smem:$0x3FDB];
	s0 =	simm.s32 @p2 $0x1  }
0x17: {  	s4 =	simm.s32 $0x1BF5;
	[smem:$0x3FB5] =	sst s0  }
0x18: {  	s0 =	sld [smem:$0x3F98];
	_ =	swait.ge [sflag:s4], $0x0  }
0x19: {  	s7 =	sld [smem:$0x3F99]  }
0x1a: {  	s8 =	sadd.s32 $0xFFFFE003, lr  }
0x1b: {  	s9 =	sadd.s32 $0xFFFFFEF7, lr;
	s5 =	simm.s32 $0xFFFFFFFF;
	p2 =	slt.u32 s8, $0xFFFFF086  }
0x1c: {  	p1 =	slt.u32 s9, $0xF7A;
	s5 =	simm.s32 @!p2 $0x0  }
0x1d: {  	s5 =	simm.s32 @p1 $0x1;
	p0 =	seq.s32 s7, s2  }
0x1e: {  	s7 =	smul.u32 @!p0 $0xF7A, s2;
	p2 =	seq.s32 @!p0 s5, $0x0  }
0x1f: {  	s9 =	smul.u32 $0xF7A, s1;
	s8 =	simm.s32 @!p0 $0x1BF5;
	p2 =	por !p2, p0  }
0x20: {  	[sflag:s8] =	ssyncset.s32 @!p0 $0xFFFFF086;
	s6 =	sadd.s32 @!p0 s3, s7;
	s7 =	simm.s32 @!p0 $0x108  }
0x21: {  	s3 =	sadd.s32 s3, s9;
	s6 =	sadd.s32 @!p0 $0x88, s6;
	s7 =	simm.s32 @p2 $0x1082  }
0x22: {  	[simem:s7], [sflag:s8] =	dma.local @!p0 [hbm:s6], $0xF7A  }
0x23: {  	s9 =	sor.u32 $0xD0000000, s2;
	s6 =	simm.s32 $0x108;
	_ =	swait.ge @!p0 [sflag:s8], $0x0  }
0x24: {  	s3 =	sadd.s32 $0x88, s3;
	s6 =	simm.s32 @!p1 $0x1082;
	[sflag:s4] =	ssyncset.s32 $0xFFFFF086  }
0x25: {  	[simem:s6], [sflag:s4] =	dma.local [hbm:s3], $0xF7A  }
0x26: {  	[smem:$0x3F99] =	sst s1;
	(tag) =	ssettag s2;
	_ =	strace s9  }
0x27: {  	s1 =	sld [smem:$0x3FA9]  }
0x28: {  	s2 =	sld [smem:$0x3FAA]  }
0x29: {  	s4 =	sld [smem:$0x3FAC]  }
0x2a: {  	p0 =	seq.s32 s5, $0x0;
	s5 =	sld [smem:$0x3FAD]  }
0x2b: {  	s6 =	sld [smem:$0x3FAE]  }
0x2c: {  	s7 =	sld [smem:$0x3FAF]  }
0x2d: {  	s3 =	simm.s32 $0x108;
	s8 =	sld [smem:$0x3FB0]  }
0x2e: {  	s3 =	simm.s32 @!p0 $0x1082;
	s9 =	sld [smem:$0x3FB1]  }
0x2f: {  	lr =	sadd.s32 s0, s3;
	s0 =	sld [smem:$0x3FA8]  }
0x30: {  	s3 =	sld [smem:$0x3FAB]  }
0x31: {  	[smem:$0x3FB4] =	sst s10  }
0x32: {  	s10 =	sld [smem:$0x3FB2];
	_ =	sdelay $0x3  }
0x33: {  	p0 =	seq.s32 s10, $0x1;
	s10 =	sld [smem:$0x3FB4];
	_ =	sdelay $0x3  }
0x34: {  	[smem:$0x3FB4] =	sst s10  }
0x35: {  	s10 =	sld [smem:$0x3FB3];
	_ =	sdelay $0x3  }
0x36: {  	p1 =	seq.s32 s10, $0x1;
	s10 =	sld [smem:$0x3FB4];
	_ =	sdelay $0x3  }
0x37: {  	[smem:$0x3FB4] =	sst s10  }
0x38: {  	s10 =	sld [smem:$0x3FB5]  }
0x39: {  	_ = 	snop;
	(pc) =	sbr.ind lr, $3  }
0x3a: {  	_ = 	snop  }
0x3b: {  	_ = 	snop  }
0x3c: {  	p2 =	seq.s32 s10, $0x1;
	s10 =	sld [smem:$0x3FB4]  }
0x3d: {  	_ =	shalt  }
0x3e: {  	_ =	shalt  }
0x3f: {  	_ =	shalt  }
0x40: {  	_ =	shalt  }
0x41: {  	_ =	shalt  }
0x42: {  	_ =	shalt  }
0x43: {  	_ =	shalt  }
0x44: {  	_ =	shalt  }
0x45: {  	_ =	shalt  }
0x46: {  	_ =	shalt  }
0x47: {  	_ =	shalt  }
0x48: {  	_ =	shalt  }
0x49: {  	_ =	shalt  }
0x4a: {  	_ =	shalt  }
0x4b: {  	_ =	shalt  }
0x4c: {  	_ =	shalt  }
0x4d: {  	_ =	shalt  }
0x4e: {  	_ =	shalt  }
0x4f: {  	_ =	shalt  }
0x50: {  	_ =	shalt  }
0x51: {  	_ =	shalt  }
0x52: {  	_ =	shalt  }
0x53: {  	_ =	shalt  }
0x54: {  	_ =	shalt  }
0x55: {  	_ =	shalt  }
0x56: {  	_ =	shalt  }
0x57: {  	_ =	shalt  }
0x58: {  	_ =	shalt  }
0x59: {  	_ =	shalt  }
0x5a: {  	_ =	shalt  }
0x5b: {  	_ =	shalt  }
0x5c: {  	_ =	shalt  }
0x5d: {  	_ =	shalt  }
0x5e: {  	_ =	shalt  }
0x5f: {  	_ =	shalt  }
0x60: {  	_ =	shalt  }
0x61: {  	_ =	shalt  }
0x62: {  	_ =	shalt  }
0x63: {  	_ =	shalt  }
0x64: {  	_ =	shalt  }
0x65: {  	_ =	shalt  }
0x66: {  	_ =	shalt  }
0x67: {  	_ =	shalt  }
0x68: {  	_ =	shalt  }
0x69: {  	_ =	shalt  }
0x6a: {  	_ =	shalt  }
0x6b: {  	_ =	shalt  }
0x6c: {  	_ =	shalt  }
0x6d: {  	_ =	shalt  }
0x6e: {  	_ =	shalt  }
0x6f: {  	_ =	shalt  }
0x70: {  	_ =	shalt  }
0x71: {  	_ =	shalt  }
0x72: {  	_ =	shalt  }
0x73: {  	_ =	shalt  }
0x74: {  	_ =	shalt  }
0x75: {  	_ =	shalt  }
0x76: {  	_ =	shalt  }
0x77: {  	_ =	shalt  }
0x78: {  	_ =	shalt  }
0x79: {  	_ =	shalt  }
0x7a: {  	_ =	shalt  }
0x7b: {  	_ =	shalt  }
0x7c: {  	_ =	shalt  }
0x7d: {  	_ =	shalt  }
0x7e: {  	_ =	shalt  }
0x7f: {  	_ =	shalt  }
0x80: {  	_ =	shalt  }
0x81: {  	_ =	shalt  }
0x82: {  	_ =	shalt  }
0x83: {  	_ =	shalt  }
0x84: {  	_ =	shalt  }
0x85: {  	_ =	shalt  }
0x86: {  	_ =	shalt  }
0x87: {  	_ =	shalt  }
.Lfunc_end0:
.L_simem_size_0:
called_computation.1_lowered:
.L_overlay_start_0:
0x88: {  	s2 =	sld [smem:$0x3FD9]  }
0x89: {  	s3 =	sld [smem:$0x3FFE];
	_ =	sdelay $0x1  }
0x8a: {  	s1 =	srdreg.scid  }
0x8b: {  	s0 =	sand.u32 $0x1, s1  }
0x8c: {  	s16 =	sshll.u32 s0, $0xA;
	s2 =	sadd.s32 s3, s2  }
0x8d: {  	s2 =	sadd.s32 s2, s16  }
0x8e: {  	[smem:$0x3FC0] =	sst s2  }
0x8f: {  	_ = 	snop  }
0x90: {  	(tm) =	ssettm $0x1  }
0x91: {  	s17 =	sld [smem:$0x3FFB];
	_ =	sdelay $0x3  }
0x92: {  	_ =	strace s17  }
0x93: {  	s2 =	sld [smem:$0x3FFC];
	_ =	sdelay $0x3  }
0x94: {  	_ =	strace s2  }
0x95: {  	s2 =	sld [smem:$0x3FFD];
	_ =	sdelay $0x3  }
0x96: {  	_ =	strace s2  }
0x97: {  	_ =	strace $0x8FFFFFFF  }
0x98: {  	s18 =	sld [smem:$0x3FDB];
	_ =	sdelay $0x1  }
0x99: {  	s19 =	simm.s32 $_scs_section_size  }
0x9a: {  	s4 =	simm.s32 $_size__tile_overlayer_lowered;
	s5 =	simm.s32 $_tile_overlayer_lowered  }
0x9b: {  	s22 =	simm.s32 $0x1BFF;
	s21 =	sshll.u32 s5, $0x1;
	s2 =	sadd.s32 s19, s18  }
0x9c: {  	s6 =	simm.s32 $0x0;
	s20 =	sshll.u32 s4, $0x1;
	s4 =	sadd.s32 s21, s2  }
0x9d: {  	[timem:s6], [sflag:s22] =	dma.local [hbm:s4], s20  }
0x9e: {  	_ =	swait.ge [sflag:s22], s20  }
0x9f: {  	s3 =	ssub.s32 $0x0, s20;
	[sflag:s22] =	ssyncset.done $0x0  }
0xa0: {  	[sflag:s22] =	ssyncadd.s32 s3;
	_ =	sdelay $0x1  }
0xa1: {  	s23 =	simm.s32 $0x1B8B  }
0xa2: {  	_ =	swait.ge [sflag:s23], $0x1  }
0xa3: {  	[sflag:s23] =	ssyncset.done $0x0  }
0xa4: {  	s25 =	simm.s32 $0x1B8E;
	s24 =	sld [smem:$0x3FFE];
	[sflag:s23] =	ssyncadd.s32 $0xFFFFFFFF  }
0xa5: {  	s26 =	simm.s32 $execute0_lowered;
	[smem:$0x3FD2] =	sst s25  }
0xa6: {  	s4 =	sshll.u32 s26, $0x1;
	_ =	strace $0x80000049;
	[dreg:$0x1] =	wrdreg $0xFFFFFFFF  }
0xa7: {  	s28 =	simm.s32 $_size_execute0_lowered;
	s2 =	sadd.s32 s2, s4;
	[dreg:$0x0] =	wrdreg $0x0  }
0xa8: {  	s4 =	sshll.u32 s28, $0x1;
	[dreg:$0x2] =	wrdreg s2  }
0xa9: {  	[dreg:$0x3] =	wrdreg s4  }
0xaa: {  	[dreg:$0x4] =	wrdreg $0xC0  }
0xab: {  	_ =	task [dreg:s6], $0x5FFFF  }
0xac: {  	[dreg:$0x1] =	wrdreg $0xFFFFFFFF  }
0xad: {  	[dreg:$0x0] =	wrdreg $0x60  }
0xae: {  	[dreg:$0x2] =	wrdreg s24  }
0xaf: {  	[dreg:$0x3] =	wrdreg $0x9  }
0xb0: {  	_ =	task.clear_ibuf [dreg:s6], $0x4FFFF;
	_ =	strace $0x90000049  }
0xb1: {  	s29 =	simm.s32 $0x9;
	_ =	strace $0x8000004B  }
0xb2: {  	_ =	swait.ge [sflag:s29], $0x1  }
0xb3: {  	[sflag:s29] =	ssyncadd.s32 $0xFFFFFFFF  }
0xb4: {  	_ =	strace $0x9000004B  }
0xb5: {  	_ =	sfence  }
0xb6: {  	s30 =	sld [smem:$0x0];
	_ =	sdelay $0x2  }
0xb7: {  	s31 =	sshll.u32 s1, $0xD;
	s1 =	sshrl.u32 s1, $0x2  }
0xb8: {  	s3 =	sand.u32 $0x4000, s31;
	s1 =	sadd.s32 s1, s30  }
0xb9: {  	s0 =	sor.u32 s3, s0;
	s1 =	sshll.u32 s1, $0x11  }
0xba: {  	s0 =	sor.u32 s1, s0  }
0xbb: {  	s0 =	sadd.s32 $0x8F2B, s0  }
0xbc: {  	[sflag:s0] =	ssyncadd.remote.s32 $0x1  }
0xbd: {  	_ =	sfence.sel $0xFFFF  }
0xbe: {  	[dreg:$0x0] =	wrdreg $0xFFFFFFFF;
	(pc) =	sbr.abs _section_cstart, $3  }
0xbf: {  	[dreg:$0x1] =	wrdreg $0xFFFFFFFF  }
0xc0: {  	_ =	task.clear_ibuf [dreg:s6], $0x2FFFF;
	_ =	strace $0x9FFFFFFF  }
0xc1: {  	(tm) =	ssettm $0x7FFFFFFF  }
tec
execute0_lowered:
.L_overlay_start_1:
0x0: {  	(tag) =	ssettag $0x1  }
0x1: {  	s1 =	srdreg.scid  }
0x2: {  	s0 =	stileid.u32;
	s4 =	rddreg [dreg:$0x0]  }
0x3: {  	s14 =	simm.s32 $0x18700;
	s15 =	simm.s32 $0x1A000;
	s16 =	simm.s32 $0x1B900  }
0x4: {  	s17 =	simm.s32 $0x80;
	s18 =	simm.s32 $0x400;
	s19 =	simm.s32 $0x5  }
0x5: {  	s20 =	simm.s32 $0x1D200;
	s21 =	simm.s32 $0x1;
	s6 =	sshrl.u32 s0, $0x2  }
0x6: {  	s22 =	simm.s32 $0xC380;
	s23 =	simm.s32 $0x2;
	s7 =	smul.u32 $0x61C00, s6  }
0x7: {  	s5 =	sand.u32 $0x1, s1;
	s2 =	sshll.u32 s0, $0x1;
	s25 =	smul.u32 $0xC3500, s6  }
0x8: {  	s24 =	simm.s32 $0x3;
	s3 =	sor.u32 s5, s2;
	s28 =	smul.u32 $0x186A0, s6  }
0x9: {  	s2 =	simm.s32 $0x0;
	s26 =	ssub.s32 $0x2, s5;
	s11 =	smul.u32 $0x61A80, s6  }
0xa: {  	s8 =	sshll.u32 s3, $0x7;
	[smem:$0x7FF] =	sst s2;
	s3 =	sshll.u32 s3, $0x4  }
0xb: {  	s30 =	sshrl.u32 s26, $0x1;
	s8 =	sand.u32 $0x380, s8;
	_ =	strace $0x8000004A  }
0xc: {  	s3 =	sand.u32 $0x70, s3;
	s29 =	sshrl.u32 s25, $0x3;
	s13 =	ssub.s32 s26, s30  }
0xd: {  	s10 =	sadd.s32 $0x3E80, s11;
	s25 =	simm.s32 $0x4;
	s26 =	simm.s32 $0x0  }
0xe: {  	s7 =	sor.u32 s7, s8;
	s9 =	sadd.s32 s3, s4;
	s3 =	sadd.s32 $0x94800, s4  }
0xf: {  	s8 =	sadd.s32 $0x2580, s11;
	s13 =	smax.u32 s13, $0x1;
	s7 =	sshrl.u32 s7, $0x3  }
0x10: {  	s31 =	sadd.s32 s3, s29;
	s12 =	sadd.s32 s7, s4;
	s4 =	sadd.s32 s3, s28  }
0x11: {  	s5 =	sadd.s32 $0x320, s31;
	s6 =	sadd.s32 $0x640, s31;
	s7 =	sadd.s32 $0x1E00, s9  }
0x12: {  	v0 =	vimm.f32 $0.0e+00;
	s9 =	sadd.s32 $0x3200, s11;
	s11 =	sadd.s32 $0x4B00, s11;
	s12 =	sadd.s32 $0xE200, s12  }
.LBB2_1:
0x13: {  	[tilespmem:s14], [sflag:$0x1] =	stream.linear.gather [hbm4b:s4+s2], $0x1900, $0x38;
	[tilespmem:$0x1EB00] =	vst v63  }
0x14: {  	_ = 	snop  }
0x15: {  	[tilespmem:s15], [sflag:$0x2] =	stream.linear.gather [hbm4b:s5+s2], $0x1900, $0x38;
	[tilespmem:$0x1EB00] =	vst v63  }
0x16: {  	_ = 	snop  }
0x17: {  	[tilespmem:s16], [sflag:$0x3] =	stream.linear.gather [hbm4b:s6+s2], $0x1900, $0x38;
	[tilespmem:$0x1EB00] =	vst v63  }
0x18: {  	_ = 	snop  }
0x19: {  	[tilespmem:s2], [sflag:$0x5] =	stream.strided.gather [hbm4b:s7+s17], $0xC380, s18, s17, $0x38;
	[tilespmem:$0x1EB00] =	vst v63  }
0x1a: {  	_ =	swait.ge [sflag:s19], $0xC380  }
0x1b: {  	[sflag:s19] =	ssyncset.done $0x0  }
0x1c: {  	s28 =	simm.s32 $0xC3C0;
	[sflag:s19] =	ssyncadd.s32 $0xFFFF3C80  }
0x1d: {  	[tilespmem:s28+$0xFFFFFFC0] =	vst v0  }
0x1e: {  	[tilespmem:s28+$0x30] =	vst v0  }
0x1f: {  	[tilespmem:s28+$0x20] =	vst v0  }
0x20: {  	[tilespmem:s28+$0x10] =	vst v0  }
0x21: {  	[tilespmem:s28+$0x0] =	vst v0  }
0x22: {  	[tilespmem:s28+$0xFFFFFFF0] =	vst v0  }
0x23: {  	s29 =	simm.s32 $0x0;
	[tilespmem:s28+$0xFFFFFFE0] =	vst v0  }
.LBB2_2:
0x24: {  	s29 =	sadd.s32 $0x8, s29;
	[tilespmem:s28+$0xFFFFFFD0] =	vst v0;
	s28 =	sadd.s32 $0x80, s28  }
0x25: {  	[tilespmem:s28+$0xFFFFFFC0] =	vst v0;
	p0 =	slt.u32 s29, $0xC28  }
0x26: {  	[tilespmem:s28+$0x30] =	vst v0  }
.Ltmp0:
0x27: {  	[tilespmem:s28+$0x20] =	vst v0;
	(pc) =	sbr.rel @p0 .LBB2_2-.Ltmp0, $4  }
0x28: {  	[tilespmem:s28+$0x10] =	vst v0  }
0x29: {  	[tilespmem:s28+$0x0] =	vst v0  }
0x2a: {  	[tilespmem:s28+$0xFFFFFFF0] =	vst v0  }
0x2b: {  	[tilespmem:s28+$0xFFFFFFE0] =	vst v0  }
0x2c: {  	[tilespmem:s28+$0xFFFFFFD0] =	vst v0  }
0x2d: {  	[tilespmem:$0x18680] =	vst v0  }
0x2e: {  	[tilespmem:$0x18690] =	vst v0  }
0x2f: {  	[tilespmem:$0x186A0] =	vst v0  }
0x30: {  	[tilespmem:$0x186B0] =	vst v0  }
0x31: {  	s28 =	simm.s32 $0x0;
	[tilespmem:$0x186C0] =	vst v0  }
.LBB2_4:
0x32: {  	s29 =	smul.u32 $0x3200, s28;
	_ =	sdelay $0x1  }
0x33: {  	s30 =	sadd.s32 s29, s8  }
0x34: {  	s30 =	sshrl.u32 s30, $0x2  }
0x35: {  	s30 =	sadd.s32 s3, s30  }
0x36: {  	[tilespmem:s20], [sflag:$0x4] =	stream.linear.gather [hbm4b:s30+s2], $0x1900, $0x38;
	[tilespmem:$0x1EB00] =	vst v63  }
0x37: {  	_ =	swait.ge [sflag:s21], $0x1900  }
0x38: {  	[sflag:s21] =	ssyncset.done $0x0  }
0x39: {  	s30 =	simm.s32 $0x193F0;
	[sflag:s21] =	ssyncadd.s32 $0xFFFFE700  }
0x3a: {  	v2 =	vld [tilespmem:s30+$0xFFFFFFA0]  }
0x3b: {  	v1 =	vld [tilespmem:s30+$0xFFFFFFB0]  }
0x3c: {  	v3 =	vld [tilespmem:s30+$0xFFFFFFC0]  }
0x3d: {  	v4 =	vld [tilespmem:s30+$0xFFFFFFD0]  }
0x3e: {  	v5 =	vld [tilespmem:s30+$0xFFFFFFE0]  }
0x3f: {  	v6 =	vld [tilespmem:s30+$0xFFFFFFF0]  }
0x40: {  	v7 =	vld [tilespmem:s30+$0xFFFFF310]  }
0x41: {  	v8 =	vld [tilespmem:s30+$0xFFFFF380]  }
0x42: {  	v9 =	vld [tilespmem:s30+$0xFFFFF370]  }
0x43: {  	v10 =	vld [tilespmem:s30+$0xFFFFF360]  }
0x44: {  	v11 =	vld [tilespmem:s30+$0xFFFFF350]  }
0x45: {  	v14 =	vld [tilespmem:s30+$0xFFFFF330];
	v12 =	vand.u32 $0xFFFF, v7  }
0x46: {  	v13 =	vld [tilespmem:s30+$0xFFFFF340];
	v15 =	vand.u32 $0xFFFF, v8  }
0x47: {  	v16 =	vld [tilespmem:s30+$0xFFFFF320];
	v17 =	vand.u32 $0xFFFF, v9  }
0x48: {  	v19 =	vld [tilespmem:s30+$0x0];
	v18 =	vand.u32 $0xFFFF, v10  }
0x49: {  	v20 =	vld [tilespmem:s30+$0xFFFFFF90];
	v21 =	vand.u32 $0xFFFF, v11  }
0x4a: {  	v23 =	vand.u32 $0xFFFF, v14;
	v12 =	vld.idx.msk [tilespmem:v12+s2+$0x0], $0xffff  }
0x4b: {  	v22 =	vand.u32 $0xFFFF, v13;
	v15 =	vld.idx.msk [tilespmem:v15+s2+$0x0], $0xffff  }
0x4c: {  	v24 =	vand.u32 $0xFFFF, v16;
	v17 =	vld.idx.msk [tilespmem:v17+s2+$0x0], $0xffff  }
0x4d: {  	v7 =	vshrl.u32 v7, $0x10;
	v18 =	vld.idx.msk [tilespmem:v18+s2+$0x0], $0xffff  }
0x4e: {  	v8 =	vshrl.u32 v8, $0x10;
	v21 =	vld.idx.msk [tilespmem:v21+s2+$0x0], $0xffff  }
0x4f: {  	v9 =	vshrl.u32 v9, $0x10;
	v59 =	vld.idx.msk [tilespmem:v23+s2+$0x0], $0xffff  }
0x50: {  	v10 =	vshrl.u32 v10, $0x10;
	v22 =	vld.idx.msk [tilespmem:v22+s2+$0x0], $0xffff;
	v12 =	vmul.f32 v12, v20  }
0x51: {  	v11 =	vshrl.u32 v11, $0x10;
	v60 =	vld.idx.msk [tilespmem:v24+s2+$0x0], $0xffff;
	v15 =	vmul.f32 v15, v19  }
0x52: {  	v61 =	vshrl.u32 v13, $0x10;
	v6 =	vmul.f32 v17, v6;
	[tilespmem:v7+s22+$0x0] =	vst.idx.add.f32.msk $0xffff, v12  }
0x53: {  	v62 =	vshrl.u32 v14, $0x10;
	v5 =	vmul.f32 v18, v5;
	[tilespmem:v8+s22+$0x0] =	vst.idx.add.f32.msk $0xffff, v15  }
0x54: {  	v4 =	vmul.f32 v21, v4;
	v63 =	vmul.f32 v59, v1;
	v1 =	vshrl.u32 v16, $0x10;
	[tilespmem:v9+s22+$0x0] =	vst.idx.add.f32.msk $0xffff, v6  }
0x55: {  	v3 =	vmul.f32 v22, v3;
	[tilespmem:v10+s22+$0x0] =	vst.idx.add.f32.msk $0xffff, v5  }
0x56: {  	[tilespmem:v11+s22+$0x0] =	vst.idx.add.f32.msk $0xffff, v4  }
0x57: {  	v2 =	vmul.f32 v60, v2;
	[tilespmem:v61+s22+$0x0] =	vst.idx.add.f32.msk $0xffff, v3  }
0x58: {  	s31 =	simm.s32 $0x0;
	[tilespmem:v62+s22+$0x0] =	vst.idx.add.f32.msk $0xffff, v63  }
.LBB2_5:
0x59: {  	s31 =	sadd.s32 $0x80, s31;
	[tilespmem:v1+s22+$0x0] =	vst.idx.add.f32.msk $0xffff, v2;
	s30 =	sadd.s32 $0x80, s30  }
0x5a: {  	v2 =	vld [tilespmem:s30+$0xFFFFFFA0];
	p0 =	slt.u32 s31, $0xC00  }
0x5b: {  	v3 =	vld [tilespmem:s30+$0xFFFFFFB0]  }
0x5c: {  	v4 =	vld [tilespmem:s30+$0xFFFFFFC0]  }
0x5d: {  	v5 =	vld [tilespmem:s30+$0xFFFFFFD0]  }
0x5e: {  	v1 =	vld [tilespmem:s30+$0xFFFFFFE0]  }
0x5f: {  	v6 =	vld [tilespmem:s30+$0xFFFFFFF0]  }
0x60: {  	v7 =	vld [tilespmem:s30+$0xFFFFF310]  }
0x61: {  	v8 =	vld [tilespmem:s30+$0xFFFFF380]  }
0x62: {  	v9 =	vld [tilespmem:s30+$0xFFFFF370]  }
0x63: {  	v10 =	vld [tilespmem:s30+$0xFFFFF360]  }
0x64: {  	v11 =	vld [tilespmem:s30+$0xFFFFF350]  }
0x65: {  	v12 =	vand.u32 $0xFFFF, v7;
	v13 =	vld [tilespmem:s30+$0xFFFFF340]  }
0x66: {  	v14 =	vld [tilespmem:s30+$0xFFFFF330];
	v15 =	vand.u32 $0xFFFF, v8  }
0x67: {  	v16 =	vld [tilespmem:s30+$0xFFFFF320];
	v17 =	vand.u32 $0xFFFF, v9  }
0x68: {  	v18 =	vand.u32 $0xFFFF, v10;
	v19 =	vld [tilespmem:s30+$0x0]  }
0x69: {  	v20 =	vld [tilespmem:s30+$0xFFFFFF90];
	v21 =	vand.u32 $0xFFFF, v11  }
0x6a: {  	v12 =	vld.idx.msk [tilespmem:v12+s2+$0x0], $0xffff;
	v22 =	vand.u32 $0xFFFF, v13  }
0x6b: {  	v23 =	vand.u32 $0xFFFF, v14;
	v15 =	vld.idx.msk [tilespmem:v15+s2+$0x0], $0xffff  }
0x6c: {  	v24 =	vand.u32 $0xFFFF, v16;
	v17 =	vld.idx.msk [tilespmem:v17+s2+$0x0], $0xffff  }
0x6d: {  	v7 =	vshrl.u32 v7, $0x10;
	v18 =	vld.idx.msk [tilespmem:v18+s2+$0x0], $0xffff  }
0x6e: {  	v8 =	vshrl.u32 v8, $0x10;
	v21 =	vld.idx.msk [tilespmem:v21+s2+$0x0], $0xffff  }
0x6f: {  	v9 =	vshrl.u32 v9, $0x10;
	v22 =	vld.idx.msk [tilespmem:v22+s2+$0x0], $0xffff  }
0x70: {  	v10 =	vshrl.u32 v10, $0x10;
	v12 =	vmul.f32 v12, v20;
	v20 =	vld.idx.msk [tilespmem:v23+s2+$0x0], $0xffff  }
0x71: {  	v11 =	vshrl.u32 v11, $0x10;
	v15 =	vmul.f32 v15, v19;
	v23 =	vld.idx.msk [tilespmem:v24+s2+$0x0], $0xffff  }
0x72: {  	v6 =	vmul.f32 v17, v6;
	[tilespmem:v7+s22+$0x0] =	vst.idx.add.f32.msk $0xffff, v12;
	v7 =	vshrl.u32 v13, $0x10  }
0x73: {  	v12 =	vshrl.u32 v14, $0x10;
	v13 =	vmul.f32 v18, v1;
	[tilespmem:v8+s22+$0x0] =	vst.idx.add.f32.msk $0xffff, v15  }
.Ltmp1:
0x74: {  	v1 =	vshrl.u32 v16, $0x10;
	v5 =	vmul.f32 v21, v5;
	[tilespmem:v9+s22+$0x0] =	vst.idx.add.f32.msk $0xffff, v6;
	(pc) =	sbr.rel @p0 .LBB2_5-.Ltmp1, $4  }
0x75: {  	v4 =	vmul.f32 v22, v4;
	[tilespmem:v10+s22+$0x0] =	vst.idx.add.f32.msk $0xffff, v13  }
0x76: {  	v3 =	vmul.f32 v20, v3;
	[tilespmem:v11+s22+$0x0] =	vst.idx.add.f32.msk $0xffff, v5  }
0x77: {  	v2 =	vmul.f32 v23, v2;
	[tilespmem:v7+s22+$0x0] =	vst.idx.add.f32.msk $0xffff, v4  }
0x78: {  	[tilespmem:v12+s22+$0x0] =	vst.idx.add.f32.msk $0xffff, v3  }
0x79: {  	_ =	sdelay $0x1  }
0x7a: {  	s30 =	sadd.s32 s29, s9  }
0x7b: {  	s30 =	sshrl.u32 s30, $0x2  }
0x7c: {  	[tilespmem:v1+s22+$0x0] =	vst.idx.add.f32.msk $0xffff, v2;
	s30 =	sadd.s32 s3, s30  }
0x7d: {  	[tilespmem:s14], [sflag:$0x1] =	stream.linear.gather [hbm4b:s30+s2], $0x1900, $0x38;
	[tilespmem:$0x1EB00] =	vst v63  }
0x7e: {  	_ =	swait.ge [sflag:s23], $0x1900  }
0x7f: {  	[sflag:s23] =	ssyncset.done $0x0  }
0x80: {  	s30 =	simm.s32 $0x1ACF0;
	[sflag:s23] =	ssyncadd.s32 $0xFFFFE700  }
0x81: {  	v2 =	vld [tilespmem:s30+$0xFFFFFFA0]  }
0x82: {  	v1 =	vld [tilespmem:s30+$0xFFFFFFB0]  }
0x83: {  	v3 =	vld [tilespmem:s30+$0xFFFFFFC0]  }
0x84: {  	v4 =	vld [tilespmem:s30+$0xFFFFFFD0]  }
0x85: {  	v5 =	vld [tilespmem:s30+$0xFFFFFFE0]  }
0x86: {  	v6 =	vld [tilespmem:s30+$0xFFFFFFF0]  }
0x87: {  	v7 =	vld [tilespmem:s30+$0xFFFFF310]  }
0x88: {  	v8 =	vld [tilespmem:s30+$0xFFFFF380]  }
0x89: {  	v9 =	vld [tilespmem:s30+$0xFFFFF370]  }
0x8a: {  	v10 =	vld [tilespmem:s30+$0xFFFFF360]  }
0x8b: {  	v11 =	vld [tilespmem:s30+$0xFFFFF350]  }
0x8c: {  	v14 =	vld [tilespmem:s30+$0xFFFFF330];
	v12 =	vand.u32 $0xFFFF, v7  }
0x8d: {  	v13 =	vld [tilespmem:s30+$0xFFFFF340];
	v15 =	vand.u32 $0xFFFF, v8  }
0x8e: {  	v16 =	vld [tilespmem:s30+$0xFFFFF320];
	v17 =	vand.u32 $0xFFFF, v9  }
0x8f: {  	v19 =	vld [tilespmem:s30+$0x0];
	v18 =	vand.u32 $0xFFFF, v10  }
0x90: {  	v20 =	vld [tilespmem:s30+$0xFFFFFF90];
	v21 =	vand.u32 $0xFFFF, v11  }
0x91: {  	v23 =	vand.u32 $0xFFFF, v14;
	v12 =	vld.idx.msk [tilespmem:v12+s2+$0x0], $0xffff  }
0x92: {  	v22 =	vand.u32 $0xFFFF, v13;
	v15 =	vld.idx.msk [tilespmem:v15+s2+$0x0], $0xffff  }
0x93: {  	v24 =	vand.u32 $0xFFFF, v16;
	v17 =	vld.idx.msk [tilespmem:v17+s2+$0x0], $0xffff  }
0x94: {  	v7 =	vshrl.u32 v7, $0x10;
	v18 =	vld.idx.msk [tilespmem:v18+s2+$0x0], $0xffff  }
0x95: {  	v8 =	vshrl.u32 v8, $0x10;
	v21 =	vld.idx.msk [tilespmem:v21+s2+$0x0], $0xffff  }
0x96: {  	v9 =	vshrl.u32 v9, $0x10;
	v59 =	vld.idx.msk [tilespmem:v23+s2+$0x0], $0xffff  }
0x97: {  	v10 =	vshrl.u32 v10, $0x10;
	v22 =	vld.idx.msk [tilespmem:v22+s2+$0x0], $0xffff;
	v12 =	vmul.f32 v12, v20  }
0x98: {  	v11 =	vshrl.u32 v11, $0x10;
	v60 =	vld.idx.msk [tilespmem:v24+s2+$0x0], $0xffff;
	v15 =	vmul.f32 v15, v19  }
0x99: {  	v61 =	vshrl.u32 v13, $0x10;
	v6 =	vmul.f32 v17, v6;
	[tilespmem:v7+s22+$0x0] =	vst.idx.add.f32.msk $0xffff, v12  }
0x9a: {  	v62 =	vshrl.u32 v14, $0x10;
	v5 =	vmul.f32 v18, v5;
	[tilespmem:v8+s22+$0x0] =	vst.idx.add.f32.msk $0xffff, v15  }
0x9b: {  	v4 =	vmul.f32 v21, v4;
	v63 =	vmul.f32 v59, v1;
	v1 =	vshrl.u32 v16, $0x10;
	[tilespmem:v9+s22+$0x0] =	vst.idx.add.f32.msk $0xffff, v6  }
0x9c: {  	v3 =	vmul.f32 v22, v3;
	[tilespmem:v10+s22+$0x0] =	vst.idx.add.f32.msk $0xffff, v5  }
0x9d: {  	[tilespmem:v11+s22+$0x0] =	vst.idx.add.f32.msk $0xffff, v4  }
0x9e: {  	v2 =	vmul.f32 v60, v2;
	[tilespmem:v61+s22+$0x0] =	vst.idx.add.f32.msk $0xffff, v3  }
0x9f: {  	s31 =	simm.s32 $0x0;
	[tilespmem:v62+s22+$0x0] =	vst.idx.add.f32.msk $0xffff, v63  }
.LBB2_7:
0xa0: {  	s31 =	sadd.s32 $0x80, s31;
	[tilespmem:v1+s22+$0x0] =	vst.idx.add.f32.msk $0xffff, v2;
	s30 =	sadd.s32 $0x80, s30  }
0xa1: {  	v2 =	vld [tilespmem:s30+$0xFFFFFFA0];
	p0 =	slt.u32 s31, $0xC00  }
0xa2: {  	v3 =	vld [tilespmem:s30+$0xFFFFFFB0]  }
0xa3: {  	v4 =	vld [tilespmem:s30+$0xFFFFFFC0]  }
0xa4: {  	v5 =	vld [tilespmem:s30+$0xFFFFFFD0]  }
0xa5: {  	v1 =	vld [tilespmem:s30+$0xFFFFFFE0]  }
0xa6: {  	v6 =	vld [tilespmem:s30+$0xFFFFFFF0]  }
0xa7: {  	v7 =	vld [tilespmem:s30+$0xFFFFF310]  }
0xa8: {  	v8 =	vld [tilespmem:s30+$0xFFFFF380]  }
0xa9: {  	v9 =	vld [tilespmem:s30+$0xFFFFF370]  }
0xaa: {  	v10 =	vld [tilespmem:s30+$0xFFFFF360]  }
0xab: {  	v11 =	vld [tilespmem:s30+$0xFFFFF350]  }
0xac: {  	v12 =	vand.u32 $0xFFFF, v7;
	v13 =	vld [tilespmem:s30+$0xFFFFF340]  }
0xad: {  	v14 =	vld [tilespmem:s30+$0xFFFFF330];
	v15 =	vand.u32 $0xFFFF, v8  }
0xae: {  	v16 =	vld [tilespmem:s30+$0xFFFFF320];
	v17 =	vand.u32 $0xFFFF, v9  }
0xaf: {  	v18 =	vand.u32 $0xFFFF, v10;
	v19 =	vld [tilespmem:s30+$0x0]  }
0xb0: {  	v20 =	vld [tilespmem:s30+$0xFFFFFF90];
	v21 =	vand.u32 $0xFFFF, v11  }
0xb1: {  	v12 =	vld.idx.msk [tilespmem:v12+s2+$0x0], $0xffff;
	v22 =	vand.u32 $0xFFFF, v13  }
0xb2: {  	v23 =	vand.u32 $0xFFFF, v14;
	v15 =	vld.idx.msk [tilespmem:v15+s2+$0x0], $0xffff  }
0xb3: {  	v24 =	vand.u32 $0xFFFF, v16;
	v17 =	vld.idx.msk [tilespmem:v17+s2+$0x0], $0xffff  }
0xb4: {  	v7 =	vshrl.u32 v7, $0x10;
	v18 =	vld.idx.msk [tilespmem:v18+s2+$0x0], $0xffff  }
0xb5: {  	v8 =	vshrl.u32 v8, $0x10;
	v21 =	vld.idx.msk [tilespmem:v21+s2+$0x0], $0xffff  }
0xb6: {  	v9 =	vshrl.u32 v9, $0x10;
	v22 =	vld.idx.msk [tilespmem:v22+s2+$0x0], $0xffff  }
0xb7: {  	v10 =	vshrl.u32 v10, $0x10;
	v12 =	vmul.f32 v12, v20;
	v20 =	vld.idx.msk [tilespmem:v23+s2+$0x0], $0xffff  }
0xb8: {  	v11 =	vshrl.u32 v11, $0x10;
	v15 =	vmul.f32 v15, v19;
	v23 =	vld.idx.msk [tilespmem:v24+s2+$0x0], $0xffff  }
0xb9: {  	v6 =	vmul.f32 v17, v6;
	[tilespmem:v7+s22+$0x0] =	vst.idx.add.f32.msk $0xffff, v12;
	v7 =	vshrl.u32 v13, $0x10  }
0xba: {  	v12 =	vshrl.u32 v14, $0x10;
	v13 =	vmul.f32 v18, v1;
	[tilespmem:v8+s22+$0x0] =	vst.idx.add.f32.msk $0xffff, v15  }
.Ltmp2:
0xbb: {  	v1 =	vshrl.u32 v16, $0x10;
	v5 =	vmul.f32 v21, v5;
	[tilespmem:v9+s22+$0x0] =	vst.idx.add.f32.msk $0xffff, v6;
	(pc) =	sbr.rel @p0 .LBB2_7-.Ltmp2, $4  }
0xbc: {  	v4 =	vmul.f32 v22, v4;
	[tilespmem:v10+s22+$0x0] =	vst.idx.add.f32.msk $0xffff, v13  }
0xbd: {  	v3 =	vmul.f32 v20, v3;
	[tilespmem:v11+s22+$0x0] =	vst.idx.add.f32.msk $0xffff, v5  }
0xbe: {  	v2 =	vmul.f32 v23, v2;
	[tilespmem:v7+s22+$0x0] =	vst.idx.add.f32.msk $0xffff, v4  }
0xbf: {  	[tilespmem:v12+s22+$0x0] =	vst.idx.add.f32.msk $0xffff, v3  }
0xc0: {  	_ = 	snop  }
0xc1: {  	p0 =	seq.s32 s28, $0x1E  }
0xc2: {  	s30 =	sadd.s32 @!p0 s29, s10  }
0xc3: {  	s30 =	sshrl.u32 @!p0 s30, $0x2  }
0xc4: {  	[tilespmem:v1+s22+$0x0] =	vst.idx.add.f32.msk $0xffff, v2;
	s31 =	simm.s32 @!p0 $0x0;
	s1 =	simm.s32 @!p0 $0x1A000;
	s30 =	sadd.s32 @!p0 s3, s30  }
0xc5: {  	[tilespmem:s1], [sflag:$0x2] =	stream.linear.gather @!p0 [hbm4b:s30+s31], $0x1900, $0x38;
	[tilespmem:$0x1EB00] =	vst v63  }
0xc6: {  	_ =	swait.ge [sflag:s24], $0x1900  }
0xc7: {  	[sflag:s24] =	ssyncset.done $0x0  }
0xc8: {  	s30 =	simm.s32 $0x1C5F0;
	[sflag:s24] =	ssyncadd.s32 $0xFFFFE700  }
0xc9: {  	v2 =	vld [tilespmem:s30+$0xFFFFFFA0]  }
0xca: {  	v1 =	vld [tilespmem:s30+$0xFFFFFFB0]  }
0xcb: {  	v3 =	vld [tilespmem:s30+$0xFFFFFFC0]  }
0xcc: {  	v4 =	vld [tilespmem:s30+$0xFFFFFFD0]  }
0xcd: {  	v5 =	vld [tilespmem:s30+$0xFFFFFFE0]  }
0xce: {  	v6 =	vld [tilespmem:s30+$0xFFFFFFF0]  }
0xcf: {  	v7 =	vld [tilespmem:s30+$0xFFFFF310]  }
0xd0: {  	v8 =	vld [tilespmem:s30+$0xFFFFF380]  }
0xd1: {  	v9 =	vld [tilespmem:s30+$0xFFFFF370]  }
0xd2: {  	v10 =	vld [tilespmem:s30+$0xFFFFF360]  }
0xd3: {  	v11 =	vld [tilespmem:s30+$0xFFFFF350]  }
0xd4: {  	v14 =	vld [tilespmem:s30+$0xFFFFF330];
	v12 =	vand.u32 $0xFFFF, v7  }
0xd5: {  	v13 =	vld [tilespmem:s30+$0xFFFFF340];
	v15 =	vand.u32 $0xFFFF, v8  }
0xd6: {  	v16 =	vld [tilespmem:s30+$0xFFFFF320];
	v17 =	vand.u32 $0xFFFF, v9  }
0xd7: {  	v19 =	vld [tilespmem:s30+$0x0];
	v18 =	vand.u32 $0xFFFF, v10  }
0xd8: {  	v20 =	vld [tilespmem:s30+$0xFFFFFF90];
	v21 =	vand.u32 $0xFFFF, v11  }
0xd9: {  	v23 =	vand.u32 $0xFFFF, v14;
	v12 =	vld.idx.msk [tilespmem:v12+s2+$0x0], $0xffff  }
0xda: {  	v22 =	vand.u32 $0xFFFF, v13;
	v15 =	vld.idx.msk [tilespmem:v15+s2+$0x0], $0xffff  }
0xdb: {  	v24 =	vand.u32 $0xFFFF, v16;
	v17 =	vld.idx.msk [tilespmem:v17+s2+$0x0], $0xffff  }
0xdc: {  	v7 =	vshrl.u32 v7, $0x10;
	v18 =	vld.idx.msk [tilespmem:v18+s2+$0x0], $0xffff  }
0xdd: {  	v8 =	vshrl.u32 v8, $0x10;
	v21 =	vld.idx.msk [tilespmem:v21+s2+$0x0], $0xffff  }
0xde: {  	v9 =	vshrl.u32 v9, $0x10;
	v59 =	vld.idx.msk [tilespmem:v23+s2+$0x0], $0xffff  }
0xdf: {  	v10 =	vshrl.u32 v10, $0x10;
	v22 =	vld.idx.msk [tilespmem:v22+s2+$0x0], $0xffff;
	v12 =	vmul.f32 v12, v20  }
0xe0: {  	v11 =	vshrl.u32 v11, $0x10;
	v60 =	vld.idx.msk [tilespmem:v24+s2+$0x0], $0xffff;
	v15 =	vmul.f32 v15, v19  }
0xe1: {  	v61 =	vshrl.u32 v13, $0x10;
	v6 =	vmul.f32 v17, v6;
	[tilespmem:v7+s22+$0x0] =	vst.idx.add.f32.msk $0xffff, v12  }
0xe2: {  	v62 =	vshrl.u32 v14, $0x10;
	v5 =	vmul.f32 v18, v5;
	[tilespmem:v8+s22+$0x0] =	vst.idx.add.f32.msk $0xffff, v15  }
0xe3: {  	v4 =	vmul.f32 v21, v4;
	v63 =	vmul.f32 v59, v1;
	v1 =	vshrl.u32 v16, $0x10;
	[tilespmem:v9+s22+$0x0] =	vst.idx.add.f32.msk $0xffff, v6  }
0xe4: {  	v3 =	vmul.f32 v22, v3;
	[tilespmem:v10+s22+$0x0] =	vst.idx.add.f32.msk $0xffff, v5  }
0xe5: {  	[tilespmem:v11+s22+$0x0] =	vst.idx.add.f32.msk $0xffff, v4  }
0xe6: {  	v2 =	vmul.f32 v60, v2;
	[tilespmem:v61+s22+$0x0] =	vst.idx.add.f32.msk $0xffff, v3  }
0xe7: {  	s31 =	simm.s32 $0x0;
	[tilespmem:v62+s22+$0x0] =	vst.idx.add.f32.msk $0xffff, v63  }
.LBB2_9:
0xe8: {  	s31 =	sadd.s32 $0x80, s31;
	[tilespmem:v1+s22+$0x0] =	vst.idx.add.f32.msk $0xffff, v2;
	s30 =	sadd.s32 $0x80, s30  }
0xe9: {  	v2 =	vld [tilespmem:s30+$0xFFFFFFA0];
	p1 =	slt.u32 s31, $0xC00  }
0xea: {  	v3 =	vld [tilespmem:s30+$0xFFFFFFB0]  }
0xeb: {  	v4 =	vld [tilespmem:s30+$0xFFFFFFC0]  }
0xec: {  	v5 =	vld [tilespmem:s30+$0xFFFFFFD0]  }
0xed: {  	v1 =	vld [tilespmem:s30+$0xFFFFFFE0]  }
0xee: {  	v6 =	vld [tilespmem:s30+$0xFFFFFFF0]  }
0xef: {  	v7 =	vld [tilespmem:s30+$0xFFFFF310]  }
0xf0: {  	v8 =	vld [tilespmem:s30+$0xFFFFF380]  }
0xf1: {  	v9 =	vld [tilespmem:s30+$0xFFFFF370]  }
0xf2: {  	v10 =	vld [tilespmem:s30+$0xFFFFF360]  }
0xf3: {  	v11 =	vld [tilespmem:s30+$0xFFFFF350]  }
0xf4: {  	v12 =	vand.u32 $0xFFFF, v7;
	v13 =	vld [tilespmem:s30+$0xFFFFF340]  }
0xf5: {  	v14 =	vld [tilespmem:s30+$0xFFFFF330];
	v15 =	vand.u32 $0xFFFF, v8  }
0xf6: {  	v16 =	vld [tilespmem:s30+$0xFFFFF320];
	v17 =	vand.u32 $0xFFFF, v9  }
0xf7: {  	v18 =	vand.u32 $0xFFFF, v10;
	v19 =	vld [tilespmem:s30+$0x0]  }
0xf8: {  	v20 =	vld [tilespmem:s30+$0xFFFFFF90];
	v21 =	vand.u32 $0xFFFF, v11  }
0xf9: {  	v12 =	vld.idx.msk [tilespmem:v12+s2+$0x0], $0xffff;
	v22 =	vand.u32 $0xFFFF, v13  }
0xfa: {  	v23 =	vand.u32 $0xFFFF, v14;
	v15 =	vld.idx.msk [tilespmem:v15+s2+$0x0], $0xffff  }
0xfb: {  	v24 =	vand.u32 $0xFFFF, v16;
	v17 =	vld.idx.msk [tilespmem:v17+s2+$0x0], $0xffff  }
0xfc: {  	v7 =	vshrl.u32 v7, $0x10;
	v18 =	vld.idx.msk [tilespmem:v18+s2+$0x0], $0xffff  }
0xfd: {  	v8 =	vshrl.u32 v8, $0x10;
	v21 =	vld.idx.msk [tilespmem:v21+s2+$0x0], $0xffff  }
0xfe: {  	v9 =	vshrl.u32 v9, $0x10;
	v22 =	vld.idx.msk [tilespmem:v22+s2+$0x0], $0xffff  }
0xff: {  	v10 =	vshrl.u32 v10, $0x10;
	v12 =	vmul.f32 v12, v20;
	v20 =	vld.idx.msk [tilespmem:v23+s2+$0x0], $0xffff  }
0x100: {  	v11 =	vshrl.u32 v11, $0x10;
	v15 =	vmul.f32 v15, v19;
	v23 =	vld.idx.msk [tilespmem:v24+s2+$0x0], $0xffff  }
0x101: {  	v6 =	vmul.f32 v17, v6;
	[tilespmem:v7+s22+$0x0] =	vst.idx.add.f32.msk $0xffff, v12;
	v7 =	vshrl.u32 v13, $0x10  }
0x102: {  	v12 =	vshrl.u32 v14, $0x10;
	v13 =	vmul.f32 v18, v1;
	[tilespmem:v8+s22+$0x0] =	vst.idx.add.f32.msk $0xffff, v15  }
.Ltmp3:
0x103: {  	v1 =	vshrl.u32 v16, $0x10;
	v5 =	vmul.f32 v21, v5;
	[tilespmem:v9+s22+$0x0] =	vst.idx.add.f32.msk $0xffff, v6;
	(pc) =	sbr.rel @p1 .LBB2_9-.Ltmp3, $4  }
0x104: {  	v4 =	vmul.f32 v22, v4;
	[tilespmem:v10+s22+$0x0] =	vst.idx.add.f32.msk $0xffff, v13  }
0x105: {  	v3 =	vmul.f32 v20, v3;
	[tilespmem:v11+s22+$0x0] =	vst.idx.add.f32.msk $0xffff, v5  }
0x106: {  	v2 =	vmul.f32 v23, v2;
	[tilespmem:v7+s22+$0x0] =	vst.idx.add.f32.msk $0xffff, v4  }
0x107: {  	[tilespmem:v12+s22+$0x0] =	vst.idx.add.f32.msk $0xffff, v3  }
0x108: {  	_ =	sdelay $0x1  }
0x109: {  	s1 =	sadd.s32 @!p0 s29, s11  }
0x10a: {  	s1 =	sshrl.u32 @!p0 s1, $0x2  }
0x10b: {  	[tilespmem:v1+s22+$0x0] =	vst.idx.add.f32.msk $0xffff, v2;
	s29 =	simm.s32 @!p0 $0x0;
	s30 =	simm.s32 @!p0 $0x1B900;
	s1 =	sadd.s32 @!p0 s3, s1  }
0x10c: {  	[tilespmem:s30], [sflag:$0x3] =	stream.linear.gather @!p0 [hbm4b:s1+s29], $0x1900, $0x38;
	[tilespmem:$0x1EB00] =	vst v63  }
0x10d: {  	_ =	swait.ge [sflag:s25], $0x1900  }
0x10e: {  	[sflag:s25] =	ssyncset.done $0x0  }
0x10f: {  	s29 =	simm.s32 $0x1DEF0;
	[sflag:s25] =	ssyncadd.s32 $0xFFFFE700  }
0x110: {  	v2 =	vld [tilespmem:s29+$0xFFFFFFA0]  }
0x111: {  	v1 =	vld [tilespmem:s29+$0xFFFFFFB0]  }
0x112: {  	v3 =	vld [tilespmem:s29+$0xFFFFFFC0]  }
0x113: {  	v4 =	vld [tilespmem:s29+$0xFFFFFFD0]  }
0x114: {  	v5 =	vld [tilespmem:s29+$0xFFFFFFE0]  }
0x115: {  	v6 =	vld [tilespmem:s29+$0xFFFFFFF0]  }
0x116: {  	v7 =	vld [tilespmem:s29+$0xFFFFF310]  }
0x117: {  	v8 =	vld [tilespmem:s29+$0xFFFFF380]  }
0x118: {  	v9 =	vld [tilespmem:s29+$0xFFFFF370]  }
0x119: {  	v10 =	vld [tilespmem:s29+$0xFFFFF360]  }
0x11a: {  	v11 =	vld [tilespmem:s29+$0xFFFFF350]  }
0x11b: {  	v14 =	vld [tilespmem:s29+$0xFFFFF330];
	v12 =	vand.u32 $0xFFFF, v7  }
0x11c: {  	v13 =	vld [tilespmem:s29+$0xFFFFF340];
	v15 =	vand.u32 $0xFFFF, v8  }
0x11d: {  	v16 =	vld [tilespmem:s29+$0xFFFFF320];
	v17 =	vand.u32 $0xFFFF, v9  }
0x11e: {  	v19 =	vld [tilespmem:s29+$0x0];
	v18 =	vand.u32 $0xFFFF, v10  }
0x11f: {  	v20 =	vld [tilespmem:s29+$0xFFFFFF90];
	v21 =	vand.u32 $0xFFFF, v11  }
0x120: {  	v23 =	vand.u32 $0xFFFF, v14;
	v12 =	vld.idx.msk [tilespmem:v12+s2+$0x0], $0xffff  }
0x121: {  	v22 =	vand.u32 $0xFFFF, v13;
	v15 =	vld.idx.msk [tilespmem:v15+s2+$0x0], $0xffff  }
0x122: {  	v24 =	vand.u32 $0xFFFF, v16;
	v17 =	vld.idx.msk [tilespmem:v17+s2+$0x0], $0xffff  }
0x123: {  	v7 =	vshrl.u32 v7, $0x10;
	v18 =	vld.idx.msk [tilespmem:v18+s2+$0x0], $0xffff  }
0x124: {  	v8 =	vshrl.u32 v8, $0x10;
	v21 =	vld.idx.msk [tilespmem:v21+s2+$0x0], $0xffff  }
0x125: {  	v9 =	vshrl.u32 v9, $0x10;
	v59 =	vld.idx.msk [tilespmem:v23+s2+$0x0], $0xffff  }
0x126: {  	v10 =	vshrl.u32 v10, $0x10;
	v22 =	vld.idx.msk [tilespmem:v22+s2+$0x0], $0xffff;
	v12 =	vmul.f32 v12, v20  }
0x127: {  	v11 =	vshrl.u32 v11, $0x10;
	v60 =	vld.idx.msk [tilespmem:v24+s2+$0x0], $0xffff;
	v15 =	vmul.f32 v15, v19  }
0x128: {  	v61 =	vshrl.u32 v13, $0x10;
	v6 =	vmul.f32 v17, v6;
	[tilespmem:v7+s22+$0x0] =	vst.idx.add.f32.msk $0xffff, v12  }
0x129: {  	v62 =	vshrl.u32 v14, $0x10;
	v5 =	vmul.f32 v18, v5;
	[tilespmem:v8+s22+$0x0] =	vst.idx.add.f32.msk $0xffff, v15  }
0x12a: {  	v4 =	vmul.f32 v21, v4;
	v63 =	vmul.f32 v59, v1;
	v1 =	vshrl.u32 v16, $0x10;
	[tilespmem:v9+s22+$0x0] =	vst.idx.add.f32.msk $0xffff, v6  }
0x12b: {  	v3 =	vmul.f32 v22, v3;
	[tilespmem:v10+s22+$0x0] =	vst.idx.add.f32.msk $0xffff, v5  }
0x12c: {  	[tilespmem:v11+s22+$0x0] =	vst.idx.add.f32.msk $0xffff, v4  }
0x12d: {  	v2 =	vmul.f32 v60, v2;
	[tilespmem:v61+s22+$0x0] =	vst.idx.add.f32.msk $0xffff, v3  }
0x12e: {  	s30 =	simm.s32 $0x0;
	[tilespmem:v62+s22+$0x0] =	vst.idx.add.f32.msk $0xffff, v63  }
.LBB2_11:
0x12f: {  	s30 =	sadd.s32 $0x80, s30;
	[tilespmem:v1+s22+$0x0] =	vst.idx.add.f32.msk $0xffff, v2;
	s29 =	sadd.s32 $0x80, s29  }
0x130: {  	v2 =	vld [tilespmem:s29+$0xFFFFFFA0];
	p0 =	slt.u32 s30, $0xC00  }
0x131: {  	v3 =	vld [tilespmem:s29+$0xFFFFFFB0]  }
0x132: {  	v4 =	vld [tilespmem:s29+$0xFFFFFFC0]  }
0x133: {  	v5 =	vld [tilespmem:s29+$0xFFFFFFD0]  }
0x134: {  	v1 =	vld [tilespmem:s29+$0xFFFFFFE0]  }
0x135: {  	v6 =	vld [tilespmem:s29+$0xFFFFFFF0]  }
0x136: {  	v7 =	vld [tilespmem:s29+$0xFFFFF310]  }
0x137: {  	v8 =	vld [tilespmem:s29+$0xFFFFF380]  }
0x138: {  	v9 =	vld [tilespmem:s29+$0xFFFFF370]  }
0x139: {  	v10 =	vld [tilespmem:s29+$0xFFFFF360]  }
0x13a: {  	v11 =	vld [tilespmem:s29+$0xFFFFF350]  }
0x13b: {  	v12 =	vand.u32 $0xFFFF, v7;
	v13 =	vld [tilespmem:s29+$0xFFFFF340]  }
0x13c: {  	v14 =	vld [tilespmem:s29+$0xFFFFF330];
	v15 =	vand.u32 $0xFFFF, v8  }
0x13d: {  	v16 =	vld [tilespmem:s29+$0xFFFFF320];
	v17 =	vand.u32 $0xFFFF, v9  }
0x13e: {  	v18 =	vand.u32 $0xFFFF, v10;
	v19 =	vld [tilespmem:s29+$0x0]  }
0x13f: {  	v20 =	vld [tilespmem:s29+$0xFFFFFF90];
	v21 =	vand.u32 $0xFFFF, v11  }
0x140: {  	v12 =	vld.idx.msk [tilespmem:v12+s2+$0x0], $0xffff;
	v22 =	vand.u32 $0xFFFF, v13  }
0x141: {  	v23 =	vand.u32 $0xFFFF, v14;
	v15 =	vld.idx.msk [tilespmem:v15+s2+$0x0], $0xffff  }
0x142: {  	v24 =	vand.u32 $0xFFFF, v16;
	v17 =	vld.idx.msk [tilespmem:v17+s2+$0x0], $0xffff  }
0x143: {  	v7 =	vshrl.u32 v7, $0x10;
	v18 =	vld.idx.msk [tilespmem:v18+s2+$0x0], $0xffff  }
0x144: {  	v8 =	vshrl.u32 v8, $0x10;
	v21 =	vld.idx.msk [tilespmem:v21+s2+$0x0], $0xffff  }
0x145: {  	v9 =	vshrl.u32 v9, $0x10;
	v22 =	vld.idx.msk [tilespmem:v22+s2+$0x0], $0xffff  }
0x146: {  	v10 =	vshrl.u32 v10, $0x10;
	v12 =	vmul.f32 v12, v20;
	v20 =	vld.idx.msk [tilespmem:v23+s2+$0x0], $0xffff  }
0x147: {  	v11 =	vshrl.u32 v11, $0x10;
	v15 =	vmul.f32 v15, v19;
	v23 =	vld.idx.msk [tilespmem:v24+s2+$0x0], $0xffff  }
0x148: {  	v6 =	vmul.f32 v17, v6;
	[tilespmem:v7+s22+$0x0] =	vst.idx.add.f32.msk $0xffff, v12;
	v7 =	vshrl.u32 v13, $0x10  }
0x149: {  	v12 =	vshrl.u32 v14, $0x10;
	v13 =	vmul.f32 v18, v1;
	[tilespmem:v8+s22+$0x0] =	vst.idx.add.f32.msk $0xffff, v15  }
.Ltmp4:
0x14a: {  	v1 =	vshrl.u32 v16, $0x10;
	v5 =	vmul.f32 v21, v5;
	[tilespmem:v9+s22+$0x0] =	vst.idx.add.f32.msk $0xffff, v6;
	(pc) =	sbr.rel @p0 .LBB2_11-.Ltmp4, $4  }
0x14b: {  	v4 =	vmul.f32 v22, v4;
	[tilespmem:v10+s22+$0x0] =	vst.idx.add.f32.msk $0xffff, v13  }
0x14c: {  	v3 =	vmul.f32 v20, v3;
	[tilespmem:v11+s22+$0x0] =	vst.idx.add.f32.msk $0xffff, v5  }
0x14d: {  	v2 =	vmul.f32 v23, v2;
	[tilespmem:v7+s22+$0x0] =	vst.idx.add.f32.msk $0xffff, v4  }
0x14e: {  	[tilespmem:v12+s22+$0x0] =	vst.idx.add.f32.msk $0xffff, v3  }
0x14f: {  	s28 =	sadd.s32 $0x1, s28  }
0x150: {  	p0 =	sne.s32 s28, $0x1F  }
.Ltmp5:
0x151: {  	_ = 	snop;
	(pc) =	sbr.rel @p0 .LBB2_4-.Ltmp5, $2  }
0x152: {  	_ =	sdelay $0x2  }
0x153: {  	[tilespmem:v1+s22+$0x0] =	vst.idx.add.f32.msk $0xffff, v2  }
0x154: {  	_ =	swait.ge [sflag:s21], $0x1900  }
0x155: {  	[sflag:s21] =	ssyncset.done $0x0  }
0x156: {  	s28 =	simm.s32 $0x193F0;
	[sflag:s21] =	ssyncadd.s32 $0xFFFFE700  }
0x157: {  	v2 =	vld [tilespmem:s28+$0xFFFFFFA0]  }
0x158: {  	v1 =	vld [tilespmem:s28+$0xFFFFFFB0]  }
0x159: {  	v3 =	vld [tilespmem:s28+$0xFFFFFFC0]  }
0x15a: {  	v4 =	vld [tilespmem:s28+$0xFFFFFFD0]  }
0x15b: {  	v5 =	vld [tilespmem:s28+$0xFFFFFFE0]  }
0x15c: {  	v6 =	vld [tilespmem:s28+$0xFFFFFFF0]  }
0x15d: {  	v7 =	vld [tilespmem:s28+$0xFFFFF310]  }
0x15e: {  	v8 =	vld [tilespmem:s28+$0xFFFFF380]  }
0x15f: {  	v9 =	vld [tilespmem:s28+$0xFFFFF370]  }
0x160: {  	v10 =	vld [tilespmem:s28+$0xFFFFF360]  }
0x161: {  	v11 =	vld [tilespmem:s28+$0xFFFFF350]  }
0x162: {  	v14 =	vld [tilespmem:s28+$0xFFFFF330];
	v12 =	vand.u32 $0xFFFF, v7  }
0x163: {  	v13 =	vld [tilespmem:s28+$0xFFFFF340];
	v15 =	vand.u32 $0xFFFF, v8  }
0x164: {  	v16 =	vld [tilespmem:s28+$0xFFFFF320];
	v17 =	vand.u32 $0xFFFF, v9  }
0x165: {  	v19 =	vld [tilespmem:s28+$0x0];
	v18 =	vand.u32 $0xFFFF, v10  }
0x166: {  	v20 =	vld [tilespmem:s28+$0xFFFFFF90];
	v21 =	vand.u32 $0xFFFF, v11  }
0x167: {  	v23 =	vand.u32 $0xFFFF, v14;
	v12 =	vld.idx.msk [tilespmem:v12+s2+$0x0], $0xffff  }
0x168: {  	v22 =	vand.u32 $0xFFFF, v13;
	v15 =	vld.idx.msk [tilespmem:v15+s2+$0x0], $0xffff  }
0x169: {  	v24 =	vand.u32 $0xFFFF, v16;
	v17 =	vld.idx.msk [tilespmem:v17+s2+$0x0], $0xffff  }
0x16a: {  	v7 =	vshrl.u32 v7, $0x10;
	v18 =	vld.idx.msk [tilespmem:v18+s2+$0x0], $0xffff  }
0x16b: {  	v8 =	vshrl.u32 v8, $0x10;
	v21 =	vld.idx.msk [tilespmem:v21+s2+$0x0], $0xffff  }
0x16c: {  	v9 =	vshrl.u32 v9, $0x10;
	v59 =	vld.idx.msk [tilespmem:v23+s2+$0x0], $0xffff  }
0x16d: {  	v10 =	vshrl.u32 v10, $0x10;
	v22 =	vld.idx.msk [tilespmem:v22+s2+$0x0], $0xffff;
	v12 =	vmul.f32 v12, v20  }
0x16e: {  	v11 =	vshrl.u32 v11, $0x10;
	v60 =	vld.idx.msk [tilespmem:v24+s2+$0x0], $0xffff;
	v15 =	vmul.f32 v15, v19  }
0x16f: {  	v61 =	vshrl.u32 v13, $0x10;
	v6 =	vmul.f32 v17, v6;
	[tilespmem:v7+s22+$0x0] =	vst.idx.add.f32.msk $0xffff, v12  }
0x170: {  	v62 =	vshrl.u32 v14, $0x10;
	v5 =	vmul.f32 v18, v5;
	[tilespmem:v8+s22+$0x0] =	vst.idx.add.f32.msk $0xffff, v15  }
0x171: {  	v4 =	vmul.f32 v21, v4;
	v63 =	vmul.f32 v59, v1;
	v1 =	vshrl.u32 v16, $0x10;
	[tilespmem:v9+s22+$0x0] =	vst.idx.add.f32.msk $0xffff, v6  }
0x172: {  	v3 =	vmul.f32 v22, v3;
	[tilespmem:v10+s22+$0x0] =	vst.idx.add.f32.msk $0xffff, v5  }
0x173: {  	[tilespmem:v11+s22+$0x0] =	vst.idx.add.f32.msk $0xffff, v4  }
0x174: {  	v2 =	vmul.f32 v60, v2;
	[tilespmem:v61+s22+$0x0] =	vst.idx.add.f32.msk $0xffff, v3  }
0x175: {  	s29 =	simm.s32 $0x0;
	[tilespmem:v62+s22+$0x0] =	vst.idx.add.f32.msk $0xffff, v63  }
.LBB2_14:
0x176: {  	s29 =	sadd.s32 $0x80, s29;
	[tilespmem:v1+s22+$0x0] =	vst.idx.add.f32.msk $0xffff, v2;
	s28 =	sadd.s32 $0x80, s28  }
0x177: {  	v2 =	vld [tilespmem:s28+$0xFFFFFFA0];
	p0 =	slt.u32 s29, $0xC00  }
0x178: {  	v3 =	vld [tilespmem:s28+$0xFFFFFFB0]  }
0x179: {  	v4 =	vld [tilespmem:s28+$0xFFFFFFC0]  }
0x17a: {  	v5 =	vld [tilespmem:s28+$0xFFFFFFD0]  }
0x17b: {  	v1 =	vld [tilespmem:s28+$0xFFFFFFE0]  }
0x17c: {  	v6 =	vld [tilespmem:s28+$0xFFFFFFF0]  }
0x17d: {  	v7 =	vld [tilespmem:s28+$0xFFFFF310]  }
0x17e: {  	v8 =	vld [tilespmem:s28+$0xFFFFF380]  }
0x17f: {  	v9 =	vld [tilespmem:s28+$0xFFFFF370]  }
0x180: {  	v10 =	vld [tilespmem:s28+$0xFFFFF360]  }
0x181: {  	v11 =	vld [tilespmem:s28+$0xFFFFF350]  }
0x182: {  	v12 =	vand.u32 $0xFFFF, v7;
	v13 =	vld [tilespmem:s28+$0xFFFFF340]  }
0x183: {  	v14 =	vld [tilespmem:s28+$0xFFFFF330];
	v15 =	vand.u32 $0xFFFF, v8  }
0x184: {  	v16 =	vld [tilespmem:s28+$0xFFFFF320];
	v17 =	vand.u32 $0xFFFF, v9  }
0x185: {  	v18 =	vand.u32 $0xFFFF, v10;
	v19 =	vld [tilespmem:s28+$0x0]  }
0x186: {  	v20 =	vld [tilespmem:s28+$0xFFFFFF90];
	v21 =	vand.u32 $0xFFFF, v11  }
0x187: {  	v12 =	vld.idx.msk [tilespmem:v12+s2+$0x0], $0xffff;
	v22 =	vand.u32 $0xFFFF, v13  }
0x188: {  	v23 =	vand.u32 $0xFFFF, v14;
	v15 =	vld.idx.msk [tilespmem:v15+s2+$0x0], $0xffff  }
0x189: {  	v24 =	vand.u32 $0xFFFF, v16;
	v17 =	vld.idx.msk [tilespmem:v17+s2+$0x0], $0xffff  }
0x18a: {  	v7 =	vshrl.u32 v7, $0x10;
	v18 =	vld.idx.msk [tilespmem:v18+s2+$0x0], $0xffff  }
0x18b: {  	v8 =	vshrl.u32 v8, $0x10;
	v21 =	vld.idx.msk [tilespmem:v21+s2+$0x0], $0xffff  }
0x18c: {  	v9 =	vshrl.u32 v9, $0x10;
	v22 =	vld.idx.msk [tilespmem:v22+s2+$0x0], $0xffff  }
0x18d: {  	v10 =	vshrl.u32 v10, $0x10;
	v12 =	vmul.f32 v12, v20;
	v20 =	vld.idx.msk [tilespmem:v23+s2+$0x0], $0xffff  }
0x18e: {  	v11 =	vshrl.u32 v11, $0x10;
	v15 =	vmul.f32 v15, v19;
	v23 =	vld.idx.msk [tilespmem:v24+s2+$0x0], $0xffff  }
0x18f: {  	v6 =	vmul.f32 v17, v6;
	[tilespmem:v7+s22+$0x0] =	vst.idx.add.f32.msk $0xffff, v12;
	v7 =	vshrl.u32 v13, $0x10  }
0x190: {  	v12 =	vshrl.u32 v14, $0x10;
	v13 =	vmul.f32 v18, v1;
	[tilespmem:v8+s22+$0x0] =	vst.idx.add.f32.msk $0xffff, v15  }
.Ltmp6:
0x191: {  	v1 =	vshrl.u32 v16, $0x10;
	v5 =	vmul.f32 v21, v5;
	[tilespmem:v9+s22+$0x0] =	vst.idx.add.f32.msk $0xffff, v6;
	(pc) =	sbr.rel @p0 .LBB2_14-.Ltmp6, $4  }
0x192: {  	v4 =	vmul.f32 v22, v4;
	[tilespmem:v10+s22+$0x0] =	vst.idx.add.f32.msk $0xffff, v13  }
0x193: {  	v3 =	vmul.f32 v20, v3;
	[tilespmem:v11+s22+$0x0] =	vst.idx.add.f32.msk $0xffff, v5  }
0x194: {  	v2 =	vmul.f32 v23, v2;
	[tilespmem:v7+s22+$0x0] =	vst.idx.add.f32.msk $0xffff, v4  }
0x195: {  	[tilespmem:v12+s22+$0x0] =	vst.idx.add.f32.msk $0xffff, v3  }
0x196: {  	_ =	sdelay $0x1  }
0x197: {  	s26 =	sadd.s32 $0x1, s26  }
0x198: {  	p0 =	sne.s32 s26, s13  }
.Ltmp7:
0x199: {  	[tilespmem:v1+s22+$0x0] =	vst.idx.add.f32.msk $0xffff, v2;
	(pc) =	sbr.rel @p0 .LBB2_1-.Ltmp7, $4  }
0x19a: {  	[hbm4b:s12+s17] =	stream.strided.scatter [tilespmem:s22], [sflag:$0x5], $0xC380, s18, s17, $0x38;
	[tilespmem:$0x1EB00] =	vst v63  }
0x19b: {  	_ =	swait.ge [sflag:s19], $0xC380  }
0x19c: {  	[sflag:s19] =	ssyncset.done $0x0  }
0x19d: {  	[sflag:s19] =	ssyncadd.s32 $0xFFFF3C80  }
0x19e: {  	_ =	sfence.sel $0x180000  }
0x19f: {  	[bflag:$0x0] =	sbarrier.arrive $0xFFFF  }
0x1a0: {  	_ =	strace $0x9000004A  }
0x1a1: {  	[bflag:$0x2] =	sbarrier.arrive $0xFFFF  }
0x1a2: {  	p0 =	sne.s32 s0, $0x0;
	s0 =	rddreg [dreg:$0x1]  }
0x1a3: {  	s0 =	sadd.s32 @!p0 $0x100000, s0  }
0x1a4: {  	[sflag:s0] =	ssyncadd.tile.s32 @!p0 $0x1;
	_ =	shalt  }
.Lfunc_end2:
_tile_overlayer_lowered:
.L_overlay_start_2:
0x1a5: {  	(tag) =	ssettag $0x2  }
0x1a6: {  	s0 =	rddreg [dreg:$0x0];
	s2 =	stileid.u32  }
0x1a7: {  	s1 =	rddreg [dreg:$0x1];
	p0 =	sne.s32 s2, $0x0  }
0x1a8: {  	s3 =	rddreg [dreg:$0x2];
	[bflag:$0x3] =	sbarrier.arrive $0xFFFF;
	s2 =	simm.s32 @!p0 $0x1C05  }
0x1a9: {  	[timem:s3], [sflag:s2] =	dma.local @!p0 [hbm:s0], s1  }
0x1aa: {  	s0 =	simm.s32 @!p0 $0x5  }
0x1ab: {  	_ =	swait.ge @!p0 [sflag:s0], s1  }
0x1ac: {  	s1 =	ssub.s32 @!p0 $0x0, s1;
	[sflag:s0] =	ssyncset.done @!p0 $0x0  }
0x1ad: {  	[sflag:s0] =	ssyncadd.s32 @!p0 s1  }
0x1ae: {  	[bflag:$0x3] =	sbarrier.arrive $0xFFFF  }
0x1af: {  	_ =	shalt  }

// kernel: kernel.15.cloned.1.call-start
scs
__scs_entry_jumppad:
0x0: {  	(pc) =	sbr.rel $0x88, $3  }
0x1: {  	(tag) =	ssettag $0x0;
	lr =	simm.s32 $0x1  }
0x2: {  	[smem:$0x3F99] =	sst lr;
	_ =	strace $0xD0000000  }
0x3: {  	_ = 	snop  }
0x4: {  	_ = 	snop  }
0x5: {  	_ = 	snop  }
0x6: {  	_ = 	snop  }
0x7: {  	_ = 	snop  }
__scs_overlays_trampoline_lowered:
0x8: {  	[smem:$0x3FA8] =	sst s0  }
0x9: {  	[smem:$0x3FA9] =	sst s1  }
0xa: {  	[smem:$0x3FAA] =	sst s2  }
0xb: {  	[smem:$0x3FAB] =	sst s3  }
0xc: {  	[smem:$0x3FAC] =	sst s4  }
0xd: {  	[smem:$0x3FAD] =	sst s5  }
0xe: {  	[smem:$0x3FAE] =	sst s6  }
0xf: {  	[smem:$0x3FAF] =	sst s7  }
0x10: {  	[smem:$0x3FB0] =	sst s8  }
0x11: {  	[smem:$0x3FB1] =	sst s9;
	s0 =	simm.s32 @!p0 $0x0  }
0x12: {  	s1 =	sld [smem:$0x3F97];
	s0 =	simm.s32 @p0 $0x1  }
0x13: {  	[smem:$0x3FB2] =	sst s0;
	s0 =	simm.s32 @!p1 $0x0  }
0x14: {  	s2 =	sld [smem:$0x3F96];
	s0 =	simm.s32 @p1 $0x1  }
0x15: {  	[smem:$0x3FB3] =	sst s0;
	s0 =	simm.s32 @!p2 $0x0  }
0x16: {  	s3 =	sld [smem:$0x3FDB];
	s0 =	simm.s32 @p2 $0x1  }
0x17: {  	s4 =	simm.s32 $0x1BF5;
	[smem:$0x3FB5] =	sst s0  }
0x18: {  	s0 =	sld [smem:$0x3F98];
	_ =	swait.ge [sflag:s4], $0x0  }
0x19: {  	s7 =	sld [smem:$0x3F99]  }
0x1a: {  	s8 =	sadd.s32 $0xFFFFE003, lr  }
0x1b: {  	s9 =	sadd.s32 $0xFFFFFEF7, lr;
	s5 =	simm.s32 $0xFFFFFFFF;
	p2 =	slt.u32 s8, $0xFFFFF086  }
0x1c: {  	p1 =	slt.u32 s9, $0xF7A;
	s5 =	simm.s32 @!p2 $0x0  }
0x1d: {  	s5 =	simm.s32 @p1 $0x1;
	p0 =	seq.s32 s7, s2  }
0x1e: {  	s7 =	smul.u32 @!p0 $0xF7A, s2;
	p2 =	seq.s32 @!p0 s5, $0x0  }
0x1f: {  	s9 =	smul.u32 $0xF7A, s1;
	s8 =	simm.s32 @!p0 $0x1BF5;
	p2 =	por !p2, p0  }
0x20: {  	[sflag:s8] =	ssyncset.s32 @!p0 $0xFFFFF086;
	s6 =	sadd.s32 @!p0 s3, s7;
	s7 =	simm.s32 @!p0 $0x108  }
0x21: {  	s3 =	sadd.s32 s3, s9;
	s6 =	sadd.s32 @!p0 $0x88, s6;
	s7 =	simm.s32 @p2 $0x1082  }
0x22: {  	[simem:s7], [sflag:s8] =	dma.local @!p0 [hbm:s6], $0xF7A  }
0x23: {  	s9 =	sor.u32 $0xD0000000, s2;
	s6 =	simm.s32 $0x108;
	_ =	swait.ge @!p0 [sflag:s8], $0x0  }
0x24: {  	s3 =	sadd.s32 $0x88, s3;
	s6 =	simm.s32 @!p1 $0x1082;
	[sflag:s4] =	ssyncset.s32 $0xFFFFF086  }
0x25: {  	[simem:s6], [sflag:s4] =	dma.local [hbm:s3], $0xF7A  }
0x26: {  	[smem:$0x3F99] =	sst s1;
	(tag) =	ssettag s2;
	_ =	strace s9  }
0x27: {  	s1 =	sld [smem:$0x3FA9]  }
0x28: {  	s2 =	sld [smem:$0x3FAA]  }
0x29: {  	s4 =	sld [smem:$0x3FAC]  }
0x2a: {  	p0 =	seq.s32 s5, $0x0;
	s5 =	sld [smem:$0x3FAD]  }
0x2b: {  	s6 =	sld [smem:$0x3FAE]  }
0x2c: {  	s7 =	sld [smem:$0x3FAF]  }
0x2d: {  	s3 =	simm.s32 $0x108;
	s8 =	sld [smem:$0x3FB0]  }
0x2e: {  	s3 =	simm.s32 @!p0 $0x1082;
	s9 =	sld [smem:$0x3FB1]  }
0x2f: {  	lr =	sadd.s32 s0, s3;
	s0 =	sld [smem:$0x3FA8]  }
0x30: {  	s3 =	sld [smem:$0x3FAB]  }
0x31: {  	[smem:$0x3FB4] =	sst s10  }
0x32: {  	s10 =	sld [smem:$0x3FB2];
	_ =	sdelay $0x3  }
0x33: {  	p0 =	seq.s32 s10, $0x1;
	s10 =	sld [smem:$0x3FB4];
	_ =	sdelay $0x3  }
0x34: {  	[smem:$0x3FB4] =	sst s10  }
0x35: {  	s10 =	sld [smem:$0x3FB3];
	_ =	sdelay $0x3  }
0x36: {  	p1 =	seq.s32 s10, $0x1;
	s10 =	sld [smem:$0x3FB4];
	_ =	sdelay $0x3  }
0x37: {  	[smem:$0x3FB4] =	sst s10  }
0x38: {  	s10 =	sld [smem:$0x3FB5]  }
0x39: {  	_ = 	snop;
	(pc) =	sbr.ind lr, $3  }
0x3a: {  	_ = 	snop  }
0x3b: {  	_ = 	snop  }
0x3c: {  	p2 =	seq.s32 s10, $0x1;
	s10 =	sld [smem:$0x3FB4]  }
0x3d: {  	_ =	shalt  }
0x3e: {  	_ =	shalt  }
0x3f: {  	_ =	shalt  }
0x40: {  	_ =	shalt  }
0x41: {  	_ =	shalt  }
0x42: {  	_ =	shalt  }
0x43: {  	_ =	shalt  }
0x44: {  	_ =	shalt  }
0x45: {  	_ =	shalt  }
0x46: {  	_ =	shalt  }
0x47: {  	_ =	shalt  }
0x48: {  	_ =	shalt  }
0x49: {  	_ =	shalt  }
0x4a: {  	_ =	shalt  }
0x4b: {  	_ =	shalt  }
0x4c: {  	_ =	shalt  }
0x4d: {  	_ =	shalt  }
0x4e: {  	_ =	shalt  }
0x4f: {  	_ =	shalt  }
0x50: {  	_ =	shalt  }
0x51: {  	_ =	shalt  }
0x52: {  	_ =	shalt  }
0x53: {  	_ =	shalt  }
0x54: {  	_ =	shalt  }
0x55: {  	_ =	shalt  }
0x56: {  	_ =	shalt  }
0x57: {  	_ =	shalt  }
0x58: {  	_ =	shalt  }
0x59: {  	_ =	shalt  }
0x5a: {  	_ =	shalt  }
0x5b: {  	_ =	shalt  }
0x5c: {  	_ =	shalt  }
0x5d: {  	_ =	shalt  }
0x5e: {  	_ =	shalt  }
0x5f: {  	_ =	shalt  }
0x60: {  	_ =	shalt  }
0x61: {  	_ =	shalt  }
0x62: {  	_ =	shalt  }
0x63: {  	_ =	shalt  }
0x64: {  	_ =	shalt  }
0x65: {  	_ =	shalt  }
0x66: {  	_ =	shalt  }
0x67: {  	_ =	shalt  }
0x68: {  	_ =	shalt  }
0x69: {  	_ =	shalt  }
0x6a: {  	_ =	shalt  }
0x6b: {  	_ =	shalt  }
0x6c: {  	_ =	shalt  }
0x6d: {  	_ =	shalt  }
0x6e: {  	_ =	shalt  }
0x6f: {  	_ =	shalt  }
0x70: {  	_ =	shalt  }
0x71: {  	_ =	shalt  }
0x72: {  	_ =	shalt  }
0x73: {  	_ =	shalt  }
0x74: {  	_ =	shalt  }
0x75: {  	_ =	shalt  }
0x76: {  	_ =	shalt  }
0x77: {  	_ =	shalt  }
0x78: {  	_ =	shalt  }
0x79: {  	_ =	shalt  }
0x7a: {  	_ =	shalt  }
0x7b: {  	_ =	shalt  }
0x7c: {  	_ =	shalt  }
0x7d: {  	_ =	shalt  }
0x7e: {  	_ =	shalt  }
0x7f: {  	_ =	shalt  }
0x80: {  	_ =	shalt  }
0x81: {  	_ =	shalt  }
0x82: {  	_ =	shalt  }
0x83: {  	_ =	shalt  }
0x84: {  	_ =	shalt  }
0x85: {  	_ =	shalt  }
0x86: {  	_ =	shalt  }
0x87: {  	_ =	shalt  }
.Lfunc_end0:
.L_simem_size_0:
called_computation.2_lowered:
.L_overlay_start_0:
0x88: {  	s2 =	sld [smem:$0x3FD9]  }
0x89: {  	s3 =	sld [smem:$0x3FFE];
	_ =	sdelay $0x1  }
0x8a: {  	s1 =	srdreg.scid  }
0x8b: {  	s0 =	sand.u32 $0x1, s1  }
0x8c: {  	s16 =	sshll.u32 s0, $0xA;
	s2 =	sadd.s32 s3, s2  }
0x8d: {  	s2 =	sadd.s32 s2, s16  }
0x8e: {  	[smem:$0x3FC0] =	sst s2  }
0x8f: {  	_ = 	snop  }
0x90: {  	(tm) =	ssettm $0x1  }
0x91: {  	s17 =	sld [smem:$0x3FFB];
	_ =	sdelay $0x3  }
0x92: {  	_ =	strace s17  }
0x93: {  	s2 =	sld [smem:$0x3FFC];
	_ =	sdelay $0x3  }
0x94: {  	_ =	strace s2  }
0x95: {  	s2 =	sld [smem:$0x3FFD];
	_ =	sdelay $0x3  }
0x96: {  	_ =	strace s2  }
0x97: {  	_ =	strace $0x8FFFFFFF  }
0x98: {  	s18 =	sld [smem:$0x3FDB];
	_ =	sdelay $0x1  }
0x99: {  	s19 =	simm.s32 $_scs_section_size  }
0x9a: {  	s4 =	simm.s32 $_size__tile_overlayer_lowered;
	s5 =	simm.s32 $_tile_overlayer_lowered  }
0x9b: {  	s22 =	simm.s32 $0x1BFF;
	s21 =	sshll.u32 s5, $0x1;
	s2 =	sadd.s32 s19, s18  }
0x9c: {  	s6 =	simm.s32 $0x0;
	s20 =	sshll.u32 s4, $0x1;
	s4 =	sadd.s32 s21, s2  }
0x9d: {  	[timem:s6], [sflag:s22] =	dma.local [hbm:s4], s20  }
0x9e: {  	_ =	swait.ge [sflag:s22], s20  }
0x9f: {  	s3 =	ssub.s32 $0x0, s20;
	[sflag:s22] =	ssyncset.done $0x0  }
0xa0: {  	[sflag:s22] =	ssyncadd.s32 s3;
	_ =	sdelay $0x1  }
0xa1: {  	s23 =	simm.s32 $0x1B8B  }
0xa2: {  	_ =	swait.ge [sflag:s23], $0x1  }
0xa3: {  	[sflag:s23] =	ssyncset.done $0x0  }
0xa4: {  	s25 =	simm.s32 $0x1B8E;
	s24 =	sld [smem:$0x3FFE];
	[sflag:s23] =	ssyncadd.s32 $0xFFFFFFFF  }
0xa5: {  	s26 =	simm.s32 $execute0_lowered;
	[smem:$0x3FD2] =	sst s25  }
0xa6: {  	s4 =	sshll.u32 s26, $0x1;
	_ =	strace $0x8000004C;
	[dreg:$0x1] =	wrdreg $0xFFFFFFFF  }
0xa7: {  	s28 =	simm.s32 $_size_execute0_lowered;
	s2 =	sadd.s32 s2, s4;
	[dreg:$0x0] =	wrdreg $0x0  }
0xa8: {  	s4 =	sshll.u32 s28, $0x1;
	[dreg:$0x2] =	wrdreg s2  }
0xa9: {  	[dreg:$0x3] =	wrdreg s4  }
0xaa: {  	[dreg:$0x4] =	wrdreg $0xC0  }
0xab: {  	_ =	task [dreg:s6], $0x5FFFF  }
0xac: {  	[dreg:$0x1] =	wrdreg $0xFFFFFFFF  }
0xad: {  	[dreg:$0x0] =	wrdreg $0x60  }
0xae: {  	[dreg:$0x2] =	wrdreg s24  }
0xaf: {  	[dreg:$0x3] =	wrdreg $0x9  }
0xb0: {  	_ =	task.clear_ibuf [dreg:s6], $0x4FFFF;
	_ =	strace $0x9000004C  }
0xb1: {  	s29 =	simm.s32 $0x9;
	_ =	strace $0x8000004E  }
0xb2: {  	_ =	swait.ge [sflag:s29], $0x1  }
0xb3: {  	[sflag:s29] =	ssyncadd.s32 $0xFFFFFFFF  }
0xb4: {  	_ =	strace $0x9000004E  }
0xb5: {  	_ =	sfence  }
0xb6: {  	s30 =	sld [smem:$0x0];
	_ =	sdelay $0x2  }
0xb7: {  	s31 =	sshll.u32 s1, $0xD;
	s1 =	sshrl.u32 s1, $0x2  }
0xb8: {  	s3 =	sand.u32 $0x4000, s31;
	s1 =	sadd.s32 s1, s30  }
0xb9: {  	s0 =	sor.u32 s3, s0;
	s1 =	sshll.u32 s1, $0x11  }
0xba: {  	s0 =	sor.u32 s1, s0  }
0xbb: {  	s0 =	sadd.s32 $0x8F2B, s0  }
0xbc: {  	[sflag:s0] =	ssyncadd.remote.s32 $0x1  }
0xbd: {  	_ =	sfence.sel $0xFFFF  }
0xbe: {  	[dreg:$0x0] =	wrdreg $0xFFFFFFFF;
	(pc) =	sbr.abs _section_cstart, $3  }
0xbf: {  	[dreg:$0x1] =	wrdreg $0xFFFFFFFF  }
0xc0: {  	_ =	task.clear_ibuf [dreg:s6], $0x2FFFF;
	_ =	strace $0x9FFFFFFF  }
0xc1: {  	(tm) =	ssettm $0x7FFFFFFF  }
tec
execute0_lowered:
.L_overlay_start_1:
0x0: {  	(tag) =	ssettag $0x1  }
0x1: {  	s1 =	srdreg.scid  }
0x2: {  	s0 =	stileid.u32;
	s4 =	rddreg [dreg:$0x0]  }
0x3: {  	s14 =	simm.s32 $0x18700;
	s15 =	simm.s32 $0x1A000;
	s16 =	simm.s32 $0x1B900  }
0x4: {  	s17 =	simm.s32 $0x80;
	s18 =	simm.s32 $0x400;
	s19 =	simm.s32 $0x5  }
0x5: {  	s20 =	simm.s32 $0x1D200;
	s21 =	simm.s32 $0x1;
	s6 =	sshrl.u32 s0, $0x2  }
0x6: {  	s22 =	simm.s32 $0xC380;
	s23 =	simm.s32 $0x2;
	s7 =	smul.u32 $0x61C00, s6  }
0x7: {  	s5 =	sand.u32 $0x1, s1;
	s2 =	sshll.u32 s0, $0x1;
	s25 =	smul.u32 $0xC3500, s6  }
0x8: {  	s24 =	simm.s32 $0x3;
	s3 =	sor.u32 s5, s2;
	s28 =	smul.u32 $0x186A0, s6  }
0x9: {  	s2 =	simm.s32 $0x0;
	s26 =	ssub.s32 $0x2, s5;
	s11 =	smul.u32 $0x61A80, s6  }
0xa: {  	s8 =	sshll.u32 s3, $0x7;
	[smem:$0x7FF] =	sst s2;
	s3 =	sshll.u32 s3, $0x4  }
0xb: {  	s30 =	sshrl.u32 s26, $0x1;
	s8 =	sand.u32 $0x380, s8;
	_ =	strace $0x8000004D  }
0xc: {  	s3 =	sand.u32 $0x70, s3;
	s29 =	sshrl.u32 s25, $0x3;
	s13 =	ssub.s32 s26, s30  }
0xd: {  	s10 =	sadd.s32 $0x3E80, s11;
	s25 =	simm.s32 $0x4;
	s26 =	simm.s32 $0x0  }
0xe: {  	s7 =	sor.u32 s7, s8;
	s9 =	sadd.s32 s3, s4;
	s3 =	sadd.s32 $0x94800, s4  }
0xf: {  	s8 =	sadd.s32 $0x2580, s11;
	s13 =	smax.u32 s13, $0x1;
	s7 =	sshrl.u32 s7, $0x3  }
0x10: {  	s31 =	sadd.s32 s3, s29;
	s12 =	sadd.s32 s7, s4;
	s4 =	sadd.s32 s3, s28  }
0x11: {  	s5 =	sadd.s32 $0x320, s31;
	s6 =	sadd.s32 $0x640, s31;
	s7 =	sadd.s32 $0x1E00, s9  }
0x12: {  	v0 =	vimm.f32 $0.0e+00;
	s9 =	sadd.s32 $0x3200, s11;
	s11 =	sadd.s32 $0x4B00, s11;
	s12 =	sadd.s32 $0xE200, s12  }
.LBB2_1:
0x13: {  	[tilespmem:s14], [sflag:$0x1] =	stream.linear.gather [hbm4b:s4+s2], $0x1900, $0x38;
	[tilespmem:$0x1EB00] =	vst v63  }
0x14: {  	_ = 	snop  }
0x15: {  	[tilespmem:s15], [sflag:$0x2] =	stream.linear.gather [hbm4b:s5+s2], $0x1900, $0x38;
	[tilespmem:$0x1EB00] =	vst v63  }
0x16: {  	_ = 	snop  }
0x17: {  	[tilespmem:s16], [sflag:$0x3] =	stream.linear.gather [hbm4b:s6+s2], $0x1900, $0x38;
	[tilespmem:$0x1EB00] =	vst v63  }
0x18: {  	_ = 	snop  }
0x19: {  	[tilespmem:s2], [sflag:$0x5] =	stream.strided.gather [hbm4b:s7+s17], $0xC380, s18, s17, $0x38;
	[tilespmem:$0x1EB00] =	vst v63  }
0x1a: {  	_ =	swait.ge [sflag:s19], $0xC380  }
0x1b: {  	[sflag:s19] =	ssyncset.done $0x0  }
0x1c: {  	s28 =	simm.s32 $0xC3C0;
	[sflag:s19] =	ssyncadd.s32 $0xFFFF3C80  }
0x1d: {  	[tilespmem:s28+$0xFFFFFFC0] =	vst v0  }
0x1e: {  	[tilespmem:s28+$0x30] =	vst v0  }
0x1f: {  	[tilespmem:s28+$0x20] =	vst v0  }
0x20: {  	[tilespmem:s28+$0x10] =	vst v0  }
0x21: {  	[tilespmem:s28+$0x0] =	vst v0  }
0x22: {  	[tilespmem:s28+$0xFFFFFFF0] =	vst v0  }
0x23: {  	s29 =	simm.s32 $0x0;
	[tilespmem:s28+$0xFFFFFFE0] =	vst v0  }
.LBB2_2:
0x24: {  	s29 =	sadd.s32 $0x8, s29;
	[tilespmem:s28+$0xFFFFFFD0] =	vst v0;
	s28 =	sadd.s32 $0x80, s28  }
0x25: {  	[tilespmem:s28+$0xFFFFFFC0] =	vst v0;
	p0 =	slt.u32 s29, $0xC28  }
0x26: {  	[tilespmem:s28+$0x30] =	vst v0  }
.Ltmp0:
0x27: {  	[tilespmem:s28+$0x20] =	vst v0;
	(pc) =	sbr.rel @p0 .LBB2_2-.Ltmp0, $4  }
0x28: {  	[tilespmem:s28+$0x10] =	vst v0  }
0x29: {  	[tilespmem:s28+$0x0] =	vst v0  }
0x2a: {  	[tilespmem:s28+$0xFFFFFFF0] =	vst v0  }
0x2b: {  	[tilespmem:s28+$0xFFFFFFE0] =	vst v0  }
0x2c: {  	[tilespmem:s28+$0xFFFFFFD0] =	vst v0  }
0x2d: {  	[tilespmem:$0x18680] =	vst v0  }
0x2e: {  	[tilespmem:$0x18690] =	vst v0  }
0x2f: {  	[tilespmem:$0x186A0] =	vst v0  }
0x30: {  	[tilespmem:$0x186B0] =	vst v0  }
0x31: {  	s28 =	simm.s32 $0x0;
	[tilespmem:$0x186C0] =	vst v0  }
.LBB2_4:
0x32: {  	s29 =	smul.u32 $0x3200, s28;
	_ =	sdelay $0x1  }
0x33: {  	s30 =	sadd.s32 s29, s8  }
0x34: {  	s30 =	sshrl.u32 s30, $0x2  }
0x35: {  	s30 =	sadd.s32 s3, s30  }
0x36: {  	[tilespmem:s20], [sflag:$0x4] =	stream.linear.gather [hbm4b:s30+s2], $0x1900, $0x38;
	[tilespmem:$0x1EB00] =	vst v63  }
0x37: {  	_ =	swait.ge [sflag:s21], $0x1900  }
0x38: {  	[sflag:s21] =	ssyncset.done $0x0  }
0x39: {  	s30 =	simm.s32 $0x193F0;
	[sflag:s21] =	ssyncadd.s32 $0xFFFFE700  }
0x3a: {  	v2 =	vld [tilespmem:s30+$0xFFFFFFA0]  }
0x3b: {  	v1 =	vld [tilespmem:s30+$0xFFFFFFB0]  }
0x3c: {  	v3 =	vld [tilespmem:s30+$0xFFFFFFC0]  }
0x3d: {  	v4 =	vld [tilespmem:s30+$0xFFFFFFD0]  }
0x3e: {  	v5 =	vld [tilespmem:s30+$0xFFFFFFE0]  }
0x3f: {  	v6 =	vld [tilespmem:s30+$0xFFFFFFF0]  }
0x40: {  	v7 =	vld [tilespmem:s30+$0xFFFFF310]  }
0x41: {  	v8 =	vld [tilespmem:s30+$0xFFFFF380]  }
0x42: {  	v9 =	vld [tilespmem:s30+$0xFFFFF370]  }
0x43: {  	v10 =	vld [tilespmem:s30+$0xFFFFF360]  }
0x44: {  	v11 =	vld [tilespmem:s30+$0xFFFFF350]  }
0x45: {  	v14 =	vld [tilespmem:s30+$0xFFFFF330];
	v12 =	vand.u32 $0xFFFF, v7  }
0x46: {  	v13 =	vld [tilespmem:s30+$0xFFFFF340];
	v15 =	vand.u32 $0xFFFF, v8  }
0x47: {  	v16 =	vld [tilespmem:s30+$0xFFFFF320];
	v17 =	vand.u32 $0xFFFF, v9  }
0x48: {  	v19 =	vld [tilespmem:s30+$0x0];
	v18 =	vand.u32 $0xFFFF, v10  }
0x49: {  	v20 =	vld [tilespmem:s30+$0xFFFFFF90];
	v21 =	vand.u32 $0xFFFF, v11  }
0x4a: {  	v23 =	vand.u32 $0xFFFF, v14;
	v12 =	vld.idx.msk [tilespmem:v12+s2+$0x0], $0xffff  }
0x4b: {  	v22 =	vand.u32 $0xFFFF, v13;
	v15 =	vld.idx.msk [tilespmem:v15+s2+$0x0], $0xffff  }
0x4c: {  	v24 =	vand.u32 $0xFFFF, v16;
	v17 =	vld.idx.msk [tilespmem:v17+s2+$0x0], $0xffff  }
0x4d: {  	v7 =	vshrl.u32 v7, $0x10;
	v18 =	vld.idx.msk [tilespmem:v18+s2+$0x0], $0xffff  }
0x4e: {  	v8 =	vshrl.u32 v8, $0x10;
	v21 =	vld.idx.msk [tilespmem:v21+s2+$0x0], $0xffff  }
0x4f: {  	v9 =	vshrl.u32 v9, $0x10;
	v59 =	vld.idx.msk [tilespmem:v23+s2+$0x0], $0xffff  }
0x50: {  	v10 =	vshrl.u32 v10, $0x10;
	v22 =	vld.idx.msk [tilespmem:v22+s2+$0x0], $0xffff;
	v12 =	vmul.f32 v12, v20  }
0x51: {  	v11 =	vshrl.u32 v11, $0x10;
	v60 =	vld.idx.msk [tilespmem:v24+s2+$0x0], $0xffff;
	v15 =	vmul.f32 v15, v19  }
0x52: {  	v61 =	vshrl.u32 v13, $0x10;
	v6 =	vmul.f32 v17, v6;
	[tilespmem:v7+s22+$0x0] =	vst.idx.add.f32.msk $0xffff, v12  }
0x53: {  	v62 =	vshrl.u32 v14, $0x10;
	v5 =	vmul.f32 v18, v5;
	[tilespmem:v8+s22+$0x0] =	vst.idx.add.f32.msk $0xffff, v15  }
0x54: {  	v4 =	vmul.f32 v21, v4;
	v63 =	vmul.f32 v59, v1;
	v1 =	vshrl.u32 v16, $0x10;
	[tilespmem:v9+s22+$0x0] =	vst.idx.add.f32.msk $0xffff, v6  }
0x55: {  	v3 =	vmul.f32 v22, v3;
	[tilespmem:v10+s22+$0x0] =	vst.idx.add.f32.msk $0xffff, v5  }
0x56: {  	[tilespmem:v11+s22+$0x0] =	vst.idx.add.f32.msk $0xffff, v4  }
0x57: {  	v2 =	vmul.f32 v60, v2;
	[tilespmem:v61+s22+$0x0] =	vst.idx.add.f32.msk $0xffff, v3  }
0x58: {  	s31 =	simm.s32 $0x0;
	[tilespmem:v62+s22+$0x0] =	vst.idx.add.f32.msk $0xffff, v63  }
.LBB2_5:
0x59: {  	s31 =	sadd.s32 $0x80, s31;
	[tilespmem:v1+s22+$0x0] =	vst.idx.add.f32.msk $0xffff, v2;
	s30 =	sadd.s32 $0x80, s30  }
0x5a: {  	v2 =	vld [tilespmem:s30+$0xFFFFFFA0];
	p0 =	slt.u32 s31, $0xC00  }
0x5b: {  	v3 =	vld [tilespmem:s30+$0xFFFFFFB0]  }
0x5c: {  	v4 =	vld [tilespmem:s30+$0xFFFFFFC0]  }
0x5d: {  	v5 =	vld [tilespmem:s30+$0xFFFFFFD0]  }
0x5e: {  	v1 =	vld [tilespmem:s30+$0xFFFFFFE0]  }
0x5f: {  	v6 =	vld [tilespmem:s30+$0xFFFFFFF0]  }
0x60: {  	v7 =	vld [tilespmem:s30+$0xFFFFF310]  }
0x61: {  	v8 =	vld [tilespmem:s30+$0xFFFFF380]  }
0x62: {  	v9 =	vld [tilespmem:s30+$0xFFFFF370]  }
0x63: {  	v10 =	vld [tilespmem:s30+$0xFFFFF360]  }
0x64: {  	v11 =	vld [tilespmem:s30+$0xFFFFF350]  }
0x65: {  	v12 =	vand.u32 $0xFFFF, v7;
	v13 =	vld [tilespmem:s30+$0xFFFFF340]  }
0x66: {  	v14 =	vld [tilespmem:s30+$0xFFFFF330];
	v15 =	vand.u32 $0xFFFF, v8  }
0x67: {  	v16 =	vld [tilespmem:s30+$0xFFFFF320];
	v17 =	vand.u32 $0xFFFF, v9  }
0x68: {  	v18 =	vand.u32 $0xFFFF, v10;
	v19 =	vld [tilespmem:s30+$0x0]  }
0x69: {  	v20 =	vld [tilespmem:s30+$0xFFFFFF90];
	v21 =	vand.u32 $0xFFFF, v11  }
0x6a: {  	v12 =	vld.idx.msk [tilespmem:v12+s2+$0x0], $0xffff;
	v22 =	vand.u32 $0xFFFF, v13  }
0x6b: {  	v23 =	vand.u32 $0xFFFF, v14;
	v15 =	vld.idx.msk [tilespmem:v15+s2+$0x0], $0xffff  }
0x6c: {  	v24 =	vand.u32 $0xFFFF, v16;
	v17 =	vld.idx.msk [tilespmem:v17+s2+$0x0], $0xffff  }
0x6d: {  	v7 =	vshrl.u32 v7, $0x10;
	v18 =	vld.idx.msk [tilespmem:v18+s2+$0x0], $0xffff  }
0x6e: {  	v8 =	vshrl.u32 v8, $0x10;
	v21 =	vld.idx.msk [tilespmem:v21+s2+$0x0], $0xffff  }
0x6f: {  	v9 =	vshrl.u32 v9, $0x10;
	v22 =	vld.idx.msk [tilespmem:v22+s2+$0x0], $0xffff  }
0x70: {  	v10 =	vshrl.u32 v10, $0x10;
	v12 =	vmul.f32 v12, v20;
	v20 =	vld.idx.msk [tilespmem:v23+s2+$0x0], $0xffff  }
0x71: {  	v11 =	vshrl.u32 v11, $0x10;
	v15 =	vmul.f32 v15, v19;
	v23 =	vld.idx.msk [tilespmem:v24+s2+$0x0], $0xffff  }
0x72: {  	v6 =	vmul.f32 v17, v6;
	[tilespmem:v7+s22+$0x0] =	vst.idx.add.f32.msk $0xffff, v12;
	v7 =	vshrl.u32 v13, $0x10  }
0x73: {  	v12 =	vshrl.u32 v14, $0x10;
	v13 =	vmul.f32 v18, v1;
	[tilespmem:v8+s22+$0x0] =	vst.idx.add.f32.msk $0xffff, v15  }
.Ltmp1:
0x74: {  	v1 =	vshrl.u32 v16, $0x10;
	v5 =	vmul.f32 v21, v5;
	[tilespmem:v9+s22+$0x0] =	vst.idx.add.f32.msk $0xffff, v6;
	(pc) =	sbr.rel @p0 .LBB2_5-.Ltmp1, $4  }
0x75: {  	v4 =	vmul.f32 v22, v4;
	[tilespmem:v10+s22+$0x0] =	vst.idx.add.f32.msk $0xffff, v13  }
0x76: {  	v3 =	vmul.f32 v20, v3;
	[tilespmem:v11+s22+$0x0] =	vst.idx.add.f32.msk $0xffff, v5  }
0x77: {  	v2 =	vmul.f32 v23, v2;
	[tilespmem:v7+s22+$0x0] =	vst.idx.add.f32.msk $0xffff, v4  }
0x78: {  	[tilespmem:v12+s22+$0x0] =	vst.idx.add.f32.msk $0xffff, v3  }
0x79: {  	_ =	sdelay $0x1  }
0x7a: {  	s30 =	sadd.s32 s29, s9  }
0x7b: {  	s30 =	sshrl.u32 s30, $0x2  }
0x7c: {  	[tilespmem:v1+s22+$0x0] =	vst.idx.add.f32.msk $0xffff, v2;
	s30 =	sadd.s32 s3, s30  }
0x7d: {  	[tilespmem:s14], [sflag:$0x1] =	stream.linear.gather [hbm4b:s30+s2], $0x1900, $0x38;
	[tilespmem:$0x1EB00] =	vst v63  }
0x7e: {  	_ =	swait.ge [sflag:s23], $0x1900  }
0x7f: {  	[sflag:s23] =	ssyncset.done $0x0  }
0x80: {  	s30 =	simm.s32 $0x1ACF0;
	[sflag:s23] =	ssyncadd.s32 $0xFFFFE700  }
0x81: {  	v2 =	vld [tilespmem:s30+$0xFFFFFFA0]  }
0x82: {  	v1 =	vld [tilespmem:s30+$0xFFFFFFB0]  }
0x83: {  	v3 =	vld [tilespmem:s30+$0xFFFFFFC0]  }
0x84: {  	v4 =	vld [tilespmem:s30+$0xFFFFFFD0]  }
0x85: {  	v5 =	vld [tilespmem:s30+$0xFFFFFFE0]  }
0x86: {  	v6 =	vld [tilespmem:s30+$0xFFFFFFF0]  }
0x87: {  	v7 =	vld [tilespmem:s30+$0xFFFFF310]  }
0x88: {  	v8 =	vld [tilespmem:s30+$0xFFFFF380]  }
0x89: {  	v9 =	vld [tilespmem:s30+$0xFFFFF370]  }
0x8a: {  	v10 =	vld [tilespmem:s30+$0xFFFFF360]  }
0x8b: {  	v11 =	vld [tilespmem:s30+$0xFFFFF350]  }
0x8c: {  	v14 =	vld [tilespmem:s30+$0xFFFFF330];
	v12 =	vand.u32 $0xFFFF, v7  }
0x8d: {  	v13 =	vld [tilespmem:s30+$0xFFFFF340];
	v15 =	vand.u32 $0xFFFF, v8  }
0x8e: {  	v16 =	vld [tilespmem:s30+$0xFFFFF320];
	v17 =	vand.u32 $0xFFFF, v9  }
0x8f: {  	v19 =	vld [tilespmem:s30+$0x0];
	v18 =	vand.u32 $0xFFFF, v10  }
0x90: {  	v20 =	vld [tilespmem:s30+$0xFFFFFF90];
	v21 =	vand.u32 $0xFFFF, v11  }
0x91: {  	v23 =	vand.u32 $0xFFFF, v14;
	v12 =	vld.idx.msk [tilespmem:v12+s2+$0x0], $0xffff  }
0x92: {  	v22 =	vand.u32 $0xFFFF, v13;
	v15 =	vld.idx.msk [tilespmem:v15+s2+$0x0], $0xffff  }
0x93: {  	v24 =	vand.u32 $0xFFFF, v16;
	v17 =	vld.idx.msk [tilespmem:v17+s2+$0x0], $0xffff  }
0x94: {  	v7 =	vshrl.u32 v7, $0x10;
	v18 =	vld.idx.msk [tilespmem:v18+s2+$0x0], $0xffff  }
0x95: {  	v8 =	vshrl.u32 v8, $0x10;
	v21 =	vld.idx.msk [tilespmem:v21+s2+$0x0], $0xffff  }
0x96: {  	v9 =	vshrl.u32 v9, $0x10;
	v59 =	vld.idx.msk [tilespmem:v23+s2+$0x0], $0xffff  }
0x97: {  	v10 =	vshrl.u32 v10, $0x10;
	v22 =	vld.idx.msk [tilespmem:v22+s2+$0x0], $0xffff;
	v12 =	vmul.f32 v12, v20  }
0x98: {  	v11 =	vshrl.u32 v11, $0x10;
	v60 =	vld.idx.msk [tilespmem:v24+s2+$0x0], $0xffff;
	v15 =	vmul.f32 v15, v19  }
0x99: {  	v61 =	vshrl.u32 v13, $0x10;
	v6 =	vmul.f32 v17, v6;
	[tilespmem:v7+s22+$0x0] =	vst.idx.add.f32.msk $0xffff, v12  }
0x9a: {  	v62 =	vshrl.u32 v14, $0x10;
	v5 =	vmul.f32 v18, v5;
	[tilespmem:v8+s22+$0x0] =	vst.idx.add.f32.msk $0xffff, v15  }
0x9b: {  	v4 =	vmul.f32 v21, v4;
	v63 =	vmul.f32 v59, v1;
	v1 =	vshrl.u32 v16, $0x10;
	[tilespmem:v9+s22+$0x0] =	vst.idx.add.f32.msk $0xffff, v6  }
0x9c: {  	v3 =	vmul.f32 v22, v3;
	[tilespmem:v10+s22+$0x0] =	vst.idx.add.f32.msk $0xffff, v5  }
0x9d: {  	[tilespmem:v11+s22+$0x0] =	vst.idx.add.f32.msk $0xffff, v4  }
0x9e: {  	v2 =	vmul.f32 v60, v2;
	[tilespmem:v61+s22+$0x0] =	vst.idx.add.f32.msk $0xffff, v3  }
0x9f: {  	s31 =	simm.s32 $0x0;
	[tilespmem:v62+s22+$0x0] =	vst.idx.add.f32.msk $0xffff, v63  }
.LBB2_7:
0xa0: {  	s31 =	sadd.s32 $0x80, s31;
	[tilespmem:v1+s22+$0x0] =	vst.idx.add.f32.msk $0xffff, v2;
	s30 =	sadd.s32 $0x80, s30  }
0xa1: {  	v2 =	vld [tilespmem:s30+$0xFFFFFFA0];
	p0 =	slt.u32 s31, $0xC00  }
0xa2: {  	v3 =	vld [tilespmem:s30+$0xFFFFFFB0]  }
0xa3: {  	v4 =	vld [tilespmem:s30+$0xFFFFFFC0]  }
0xa4: {  	v5 =	vld [tilespmem:s30+$0xFFFFFFD0]  }
0xa5: {  	v1 =	vld [tilespmem:s30+$0xFFFFFFE0]  }
0xa6: {  	v6 =	vld [tilespmem:s30+$0xFFFFFFF0]  }
0xa7: {  	v7 =	vld [tilespmem:s30+$0xFFFFF310]  }
0xa8: {  	v8 =	vld [tilespmem:s30+$0xFFFFF380]  }
0xa9: {  	v9 =	vld [tilespmem:s30+$0xFFFFF370]  }
0xaa: {  	v10 =	vld [tilespmem:s30+$0xFFFFF360]  }
0xab: {  	v11 =	vld [tilespmem:s30+$0xFFFFF350]  }
0xac: {  	v12 =	vand.u32 $0xFFFF, v7;
	v13 =	vld [tilespmem:s30+$0xFFFFF340]  }
0xad: {  	v14 =	vld [tilespmem:s30+$0xFFFFF330];
	v15 =	vand.u32 $0xFFFF, v8  }
0xae: {  	v16 =	vld [tilespmem:s30+$0xFFFFF320];
	v17 =	vand.u32 $0xFFFF, v9  }
0xaf: {  	v18 =	vand.u32 $0xFFFF, v10;
	v19 =	vld [tilespmem:s30+$0x0]  }
0xb0: {  	v20 =	vld [tilespmem:s30+$0xFFFFFF90];
	v21 =	vand.u32 $0xFFFF, v11  }
0xb1: {  	v12 =	vld.idx.msk [tilespmem:v12+s2+$0x0], $0xffff;
	v22 =	vand.u32 $0xFFFF, v13  }
0xb2: {  	v23 =	vand.u32 $0xFFFF, v14;
	v15 =	vld.idx.msk [tilespmem:v15+s2+$0x0], $0xffff  }
0xb3: {  	v24 =	vand.u32 $0xFFFF, v16;
	v17 =	vld.idx.msk [tilespmem:v17+s2+$0x0], $0xffff  }
0xb4: {  	v7 =	vshrl.u32 v7, $0x10;
	v18 =	vld.idx.msk [tilespmem:v18+s2+$0x0], $0xffff  }
0xb5: {  	v8 =	vshrl.u32 v8, $0x10;
	v21 =	vld.idx.msk [tilespmem:v21+s2+$0x0], $0xffff  }
0xb6: {  	v9 =	vshrl.u32 v9, $0x10;
	v22 =	vld.idx.msk [tilespmem:v22+s2+$0x0], $0xffff  }
0xb7: {  	v10 =	vshrl.u32 v10, $0x10;
	v12 =	vmul.f32 v12, v20;
	v20 =	vld.idx.msk [tilespmem:v23+s2+$0x0], $0xffff  }
0xb8: {  	v11 =	vshrl.u32 v11, $0x10;
	v15 =	vmul.f32 v15, v19;
	v23 =	vld.idx.msk [tilespmem:v24+s2+$0x0], $0xffff  }
0xb9: {  	v6 =	vmul.f32 v17, v6;
	[tilespmem:v7+s22+$0x0] =	vst.idx.add.f32.msk $0xffff, v12;
	v7 =	vshrl.u32 v13, $0x10  }
0xba: {  	v12 =	vshrl.u32 v14, $0x10;
	v13 =	vmul.f32 v18, v1;
	[tilespmem:v8+s22+$0x0] =	vst.idx.add.f32.msk $0xffff, v15  }
.Ltmp2:
0xbb: {  	v1 =	vshrl.u32 v16, $0x10;
	v5 =	vmul.f32 v21, v5;
	[tilespmem:v9+s22+$0x0] =	vst.idx.add.f32.msk $0xffff, v6;
	(pc) =	sbr.rel @p0 .LBB2_7-.Ltmp2, $4  }
0xbc: {  	v4 =	vmul.f32 v22, v4;
	[tilespmem:v10+s22+$0x0] =	vst.idx.add.f32.msk $0xffff, v13  }
0xbd: {  	v3 =	vmul.f32 v20, v3;
	[tilespmem:v11+s22+$0x0] =	vst.idx.add.f32.msk $0xffff, v5  }
0xbe: {  	v2 =	vmul.f32 v23, v2;
	[tilespmem:v7+s22+$0x0] =	vst.idx.add.f32.msk $0xffff, v4  }
0xbf: {  	[tilespmem:v12+s22+$0x0] =	vst.idx.add.f32.msk $0xffff, v3  }
0xc0: {  	_ = 	snop  }
0xc1: {  	p0 =	seq.s32 s28, $0x1E  }
0xc2: {  	s30 =	sadd.s32 @!p0 s29, s10  }
0xc3: {  	s30 =	sshrl.u32 @!p0 s30, $0x2  }
0xc4: {  	[tilespmem:v1+s22+$0x0] =	vst.idx.add.f32.msk $0xffff, v2;
	s31 =	simm.s32 @!p0 $0x0;
	s1 =	simm.s32 @!p0 $0x1A000;
	s30 =	sadd.s32 @!p0 s3, s30  }
0xc5: {  	[tilespmem:s1], [sflag:$0x2] =	stream.linear.gather @!p0 [hbm4b:s30+s31], $0x1900, $0x38;
	[tilespmem:$0x1EB00] =	vst v63  }
0xc6: {  	_ =	swait.ge [sflag:s24], $0x1900  }
0xc7: {  	[sflag:s24] =	ssyncset.done $0x0  }
0xc8: {  	s30 =	simm.s32 $0x1C5F0;
	[sflag:s24] =	ssyncadd.s32 $0xFFFFE700  }
0xc9: {  	v2 =	vld [tilespmem:s30+$0xFFFFFFA0]  }
0xca: {  	v1 =	vld [tilespmem:s30+$0xFFFFFFB0]  }
0xcb: {  	v3 =	vld [tilespmem:s30+$0xFFFFFFC0]  }
0xcc: {  	v4 =	vld [tilespmem:s30+$0xFFFFFFD0]  }
0xcd: {  	v5 =	vld [tilespmem:s30+$0xFFFFFFE0]  }
0xce: {  	v6 =	vld [tilespmem:s30+$0xFFFFFFF0]  }
0xcf: {  	v7 =	vld [tilespmem:s30+$0xFFFFF310]  }
0xd0: {  	v8 =	vld [tilespmem:s30+$0xFFFFF380]  }
0xd1: {  	v9 =	vld [tilespmem:s30+$0xFFFFF370]  }
0xd2: {  	v10 =	vld [tilespmem:s30+$0xFFFFF360]  }
0xd3: {  	v11 =	vld [tilespmem:s30+$0xFFFFF350]  }
0xd4: {  	v14 =	vld [tilespmem:s30+$0xFFFFF330];
	v12 =	vand.u32 $0xFFFF, v7  }
0xd5: {  	v13 =	vld [tilespmem:s30+$0xFFFFF340];
	v15 =	vand.u32 $0xFFFF, v8  }
0xd6: {  	v16 =	vld [tilespmem:s30+$0xFFFFF320];
	v17 =	vand.u32 $0xFFFF, v9  }
0xd7: {  	v19 =	vld [tilespmem:s30+$0x0];
	v18 =	vand.u32 $0xFFFF, v10  }
0xd8: {  	v20 =	vld [tilespmem:s30+$0xFFFFFF90];
	v21 =	vand.u32 $0xFFFF, v11  }
0xd9: {  	v23 =	vand.u32 $0xFFFF, v14;
	v12 =	vld.idx.msk [tilespmem:v12+s2+$0x0], $0xffff  }
0xda: {  	v22 =	vand.u32 $0xFFFF, v13;
	v15 =	vld.idx.msk [tilespmem:v15+s2+$0x0], $0xffff  }
0xdb: {  	v24 =	vand.u32 $0xFFFF, v16;
	v17 =	vld.idx.msk [tilespmem:v17+s2+$0x0], $0xffff  }
0xdc: {  	v7 =	vshrl.u32 v7, $0x10;
	v18 =	vld.idx.msk [tilespmem:v18+s2+$0x0], $0xffff  }
0xdd: {  	v8 =	vshrl.u32 v8, $0x10;
	v21 =	vld.idx.msk [tilespmem:v21+s2+$0x0], $0xffff  }
0xde: {  	v9 =	vshrl.u32 v9, $0x10;
	v59 =	vld.idx.msk [tilespmem:v23+s2+$0x0], $0xffff  }
0xdf: {  	v10 =	vshrl.u32 v10, $0x10;
	v22 =	vld.idx.msk [tilespmem:v22+s2+$0x0], $0xffff;
	v12 =	vmul.f32 v12, v20  }
0xe0: {  	v11 =	vshrl.u32 v11, $0x10;
	v60 =	vld.idx.msk [tilespmem:v24+s2+$0x0], $0xffff;
	v15 =	vmul.f32 v15, v19  }
0xe1: {  	v61 =	vshrl.u32 v13, $0x10;
	v6 =	vmul.f32 v17, v6;
	[tilespmem:v7+s22+$0x0] =	vst.idx.add.f32.msk $0xffff, v12  }
0xe2: {  	v62 =	vshrl.u32 v14, $0x10;
	v5 =	vmul.f32 v18, v5;
	[tilespmem:v8+s22+$0x0] =	vst.idx.add.f32.msk $0xffff, v15  }
0xe3: {  	v4 =	vmul.f32 v21, v4;
	v63 =	vmul.f32 v59, v1;
	v1 =	vshrl.u32 v16, $0x10;
	[tilespmem:v9+s22+$0x0] =	vst.idx.add.f32.msk $0xffff, v6  }
0xe4: {  	v3 =	vmul.f32 v22, v3;
	[tilespmem:v10+s22+$0x0] =	vst.idx.add.f32.msk $0xffff, v5  }
0xe5: {  	[tilespmem:v11+s22+$0x0] =	vst.idx.add.f32.msk $0xffff, v4  }
0xe6: {  	v2 =	vmul.f32 v60, v2;
	[tilespmem:v61+s22+$0x0] =	vst.idx.add.f32.msk $0xffff, v3  }
0xe7: {  	s31 =	simm.s32 $0x0;
	[tilespmem:v62+s22+$0x0] =	vst.idx.add.f32.msk $0xffff, v63  }
.LBB2_9:
0xe8: {  	s31 =	sadd.s32 $0x80, s31;
	[tilespmem:v1+s22+$0x0] =	vst.idx.add.f32.msk $0xffff, v2;
	s30 =	sadd.s32 $0x80, s30  }
0xe9: {  	v2 =	vld [tilespmem:s30+$0xFFFFFFA0];
	p1 =	slt.u32 s31, $0xC00  }
0xea: {  	v3 =	vld [tilespmem:s30+$0xFFFFFFB0]  }
0xeb: {  	v4 =	vld [tilespmem:s30+$0xFFFFFFC0]  }
0xec: {  	v5 =	vld [tilespmem:s30+$0xFFFFFFD0]  }
0xed: {  	v1 =	vld [tilespmem:s30+$0xFFFFFFE0]  }
0xee: {  	v6 =	vld [tilespmem:s30+$0xFFFFFFF0]  }
0xef: {  	v7 =	vld [tilespmem:s30+$0xFFFFF310]  }
0xf0: {  	v8 =	vld [tilespmem:s30+$0xFFFFF380]  }
0xf1: {  	v9 =	vld [tilespmem:s30+$0xFFFFF370]  }
0xf2: {  	v10 =	vld [tilespmem:s30+$0xFFFFF360]  }
0xf3: {  	v11 =	vld [tilespmem:s30+$0xFFFFF350]  }
0xf4: {  	v12 =	vand.u32 $0xFFFF, v7;
	v13 =	vld [tilespmem:s30+$0xFFFFF340]  }
0xf5: {  	v14 =	vld [tilespmem:s30+$0xFFFFF330];
	v15 =	vand.u32 $0xFFFF, v8  }
0xf6: {  	v16 =	vld [tilespmem:s30+$0xFFFFF320];
	v17 =	vand.u32 $0xFFFF, v9  }
0xf7: {  	v18 =	vand.u32 $0xFFFF, v10;
	v19 =	vld [tilespmem:s30+$0x0]  }
0xf8: {  	v20 =	vld [tilespmem:s30+$0xFFFFFF90];
	v21 =	vand.u32 $0xFFFF, v11  }
0xf9: {  	v12 =	vld.idx.msk [tilespmem:v12+s2+$0x0], $0xffff;
	v22 =	vand.u32 $0xFFFF, v13  }
0xfa: {  	v23 =	vand.u32 $0xFFFF, v14;
	v15 =	vld.idx.msk [tilespmem:v15+s2+$0x0], $0xffff  }
0xfb: {  	v24 =	vand.u32 $0xFFFF, v16;
	v17 =	vld.idx.msk [tilespmem:v17+s2+$0x0], $0xffff  }
0xfc: {  	v7 =	vshrl.u32 v7, $0x10;
	v18 =	vld.idx.msk [tilespmem:v18+s2+$0x0], $0xffff  }
0xfd: {  	v8 =	vshrl.u32 v8, $0x10;
	v21 =	vld.idx.msk [tilespmem:v21+s2+$0x0], $0xffff  }
0xfe: {  	v9 =	vshrl.u32 v9, $0x10;
	v22 =	vld.idx.msk [tilespmem:v22+s2+$0x0], $0xffff  }
0xff: {  	v10 =	vshrl.u32 v10, $0x10;
	v12 =	vmul.f32 v12, v20;
	v20 =	vld.idx.msk [tilespmem:v23+s2+$0x0], $0xffff  }
0x100: {  	v11 =	vshrl.u32 v11, $0x10;
	v15 =	vmul.f32 v15, v19;
	v23 =	vld.idx.msk [tilespmem:v24+s2+$0x0], $0xffff  }
0x101: {  	v6 =	vmul.f32 v17, v6;
	[tilespmem:v7+s22+$0x0] =	vst.idx.add.f32.msk $0xffff, v12;
	v7 =	vshrl.u32 v13, $0x10  }
0x102: {  	v12 =	vshrl.u32 v14, $0x10;
	v13 =	vmul.f32 v18, v1;
	[tilespmem:v8+s22+$0x0] =	vst.idx.add.f32.msk $0xffff, v15  }
.Ltmp3:
0x103: {  	v1 =	vshrl.u32 v16, $0x10;
	v5 =	vmul.f32 v21, v5;
	[tilespmem:v9+s22+$0x0] =	vst.idx.add.f32.msk $0xffff, v6;
	(pc) =	sbr.rel @p1 .LBB2_9-.Ltmp3, $4  }
0x104: {  	v4 =	vmul.f32 v22, v4;
	[tilespmem:v10+s22+$0x0] =	vst.idx.add.f32.msk $0xffff, v13  }
0x105: {  	v3 =	vmul.f32 v20, v3;
	[tilespmem:v11+s22+$0x0] =	vst.idx.add.f32.msk $0xffff, v5  }
0x106: {  	v2 =	vmul.f32 v23, v2;
	[tilespmem:v7+s22+$0x0] =	vst.idx.add.f32.msk $0xffff, v4  }
0x107: {  	[tilespmem:v12+s22+$0x0] =	vst.idx.add.f32.msk $0xffff, v3  }
0x108: {  	_ =	sdelay $0x1  }
0x109: {  	s1 =	sadd.s32 @!p0 s29, s11  }
0x10a: {  	s1 =	sshrl.u32 @!p0 s1, $0x2  }
0x10b: {  	[tilespmem:v1+s22+$0x0] =	vst.idx.add.f32.msk $0xffff, v2;
	s29 =	simm.s32 @!p0 $0x0;
	s30 =	simm.s32 @!p0 $0x1B900;
	s1 =	sadd.s32 @!p0 s3, s1  }
0x10c: {  	[tilespmem:s30], [sflag:$0x3] =	stream.linear.gather @!p0 [hbm4b:s1+s29], $0x1900, $0x38;
	[tilespmem:$0x1EB00] =	vst v63  }
0x10d: {  	_ =	swait.ge [sflag:s25], $0x1900  }
0x10e: {  	[sflag:s25] =	ssyncset.done $0x0  }
0x10f: {  	s29 =	simm.s32 $0x1DEF0;
	[sflag:s25] =	ssyncadd.s32 $0xFFFFE700  }
0x110: {  	v2 =	vld [tilespmem:s29+$0xFFFFFFA0]  }
0x111: {  	v1 =	vld [tilespmem:s29+$0xFFFFFFB0]  }
0x112: {  	v3 =	vld [tilespmem:s29+$0xFFFFFFC0]  }
0x113: {  	v4 =	vld [tilespmem:s29+$0xFFFFFFD0]  }
0x114: {  	v5 =	vld [tilespmem:s29+$0xFFFFFFE0]  }
0x115: {  	v6 =	vld [tilespmem:s29+$0xFFFFFFF0]  }
0x116: {  	v7 =	vld [tilespmem:s29+$0xFFFFF310]  }
0x117: {  	v8 =	vld [tilespmem:s29+$0xFFFFF380]  }
0x118: {  	v9 =	vld [tilespmem:s29+$0xFFFFF370]  }
0x119: {  	v10 =	vld [tilespmem:s29+$0xFFFFF360]  }
0x11a: {  	v11 =	vld [tilespmem:s29+$0xFFFFF350]  }
0x11b: {  	v14 =	vld [tilespmem:s29+$0xFFFFF330];
	v12 =	vand.u32 $0xFFFF, v7  }
0x11c: {  	v13 =	vld [tilespmem:s29+$0xFFFFF340];
	v15 =	vand.u32 $0xFFFF, v8  }
0x11d: {  	v16 =	vld [tilespmem:s29+$0xFFFFF320];
	v17 =	vand.u32 $0xFFFF, v9  }
0x11e: {  	v19 =	vld [tilespmem:s29+$0x0];
	v18 =	vand.u32 $0xFFFF, v10  }
0x11f: {  	v20 =	vld [tilespmem:s29+$0xFFFFFF90];
	v21 =	vand.u32 $0xFFFF, v11  }
0x120: {  	v23 =	vand.u32 $0xFFFF, v14;
	v12 =	vld.idx.msk [tilespmem:v12+s2+$0x0], $0xffff  }
0x121: {  	v22 =	vand.u32 $0xFFFF, v13;
	v15 =	vld.idx.msk [tilespmem:v15+s2+$0x0], $0xffff  }
0x122: {  	v24 =	vand.u32 $0xFFFF, v16;
	v17 =	vld.idx.msk [tilespmem:v17+s2+$0x0], $0xffff  }
0x123: {  	v7 =	vshrl.u32 v7, $0x10;
	v18 =	vld.idx.msk [tilespmem:v18+s2+$0x0], $0xffff  }
0x124: {  	v8 =	vshrl.u32 v8, $0x10;
	v21 =	vld.idx.msk [tilespmem:v21+s2+$0x0], $0xffff  }
0x125: {  	v9 =	vshrl.u32 v9, $0x10;
	v59 =	vld.idx.msk [tilespmem:v23+s2+$0x0], $0xffff  }
0x126: {  	v10 =	vshrl.u32 v10, $0x10;
	v22 =	vld.idx.msk [tilespmem:v22+s2+$0x0], $0xffff;
	v12 =	vmul.f32 v12, v20  }
0x127: {  	v11 =	vshrl.u32 v11, $0x10;
	v60 =	vld.idx.msk [tilespmem:v24+s2+$0x0], $0xffff;
	v15 =	vmul.f32 v15, v19  }
0x128: {  	v61 =	vshrl.u32 v13, $0x10;
	v6 =	vmul.f32 v17, v6;
	[tilespmem:v7+s22+$0x0] =	vst.idx.add.f32.msk $0xffff, v12  }
0x129: {  	v62 =	vshrl.u32 v14, $0x10;
	v5 =	vmul.f32 v18, v5;
	[tilespmem:v8+s22+$0x0] =	vst.idx.add.f32.msk $0xffff, v15  }
0x12a: {  	v4 =	vmul.f32 v21, v4;
	v63 =	vmul.f32 v59, v1;
	v1 =	vshrl.u32 v16, $0x10;
	[tilespmem:v9+s22+$0x0] =	vst.idx.add.f32.msk $0xffff, v6  }
0x12b: {  	v3 =	vmul.f32 v22, v3;
	[tilespmem:v10+s22+$0x0] =	vst.idx.add.f32.msk $0xffff, v5  }
0x12c: {  	[tilespmem:v11+s22+$0x0] =	vst.idx.add.f32.msk $0xffff, v4  }
0x12d: {  	v2 =	vmul.f32 v60, v2;
	[tilespmem:v61+s22+$0x0] =	vst.idx.add.f32.msk $0xffff, v3  }
0x12e: {  	s30 =	simm.s32 $0x0;
	[tilespmem:v62+s22+$0x0] =	vst.idx.add.f32.msk $0xffff, v63  }
.LBB2_11:
0x12f: {  	s30 =	sadd.s32 $0x80, s30;
	[tilespmem:v1+s22+$0x0] =	vst.idx.add.f32.msk $0xffff, v2;
	s29 =	sadd.s32 $0x80, s29  }
0x130: {  	v2 =	vld [tilespmem:s29+$0xFFFFFFA0];
	p0 =	slt.u32 s30, $0xC00  }
0x131: {  	v3 =	vld [tilespmem:s29+$0xFFFFFFB0]  }
0x132: {  	v4 =	vld [tilespmem:s29+$0xFFFFFFC0]  }
0x133: {  	v5 =	vld [tilespmem:s29+$0xFFFFFFD0]  }
0x134: {  	v1 =	vld [tilespmem:s29+$0xFFFFFFE0]  }
0x135: {  	v6 =	vld [tilespmem:s29+$0xFFFFFFF0]  }
0x136: {  	v7 =	vld [tilespmem:s29+$0xFFFFF310]  }
0x137: {  	v8 =	vld [tilespmem:s29+$0xFFFFF380]  }
0x138: {  	v9 =	vld [tilespmem:s29+$0xFFFFF370]  }
0x139: {  	v10 =	vld [tilespmem:s29+$0xFFFFF360]  }
0x13a: {  	v11 =	vld [tilespmem:s29+$0xFFFFF350]  }
0x13b: {  	v12 =	vand.u32 $0xFFFF, v7;
	v13 =	vld [tilespmem:s29+$0xFFFFF340]  }
0x13c: {  	v14 =	vld [tilespmem:s29+$0xFFFFF330];
	v15 =	vand.u32 $0xFFFF, v8  }
0x13d: {  	v16 =	vld [tilespmem:s29+$0xFFFFF320];
	v17 =	vand.u32 $0xFFFF, v9  }
0x13e: {  	v18 =	vand.u32 $0xFFFF, v10;
	v19 =	vld [tilespmem:s29+$0x0]  }
0x13f: {  	v20 =	vld [tilespmem:s29+$0xFFFFFF90];
	v21 =	vand.u32 $0xFFFF, v11  }
0x140: {  	v12 =	vld.idx.msk [tilespmem:v12+s2+$0x0], $0xffff;
	v22 =	vand.u32 $0xFFFF, v13  }
0x141: {  	v23 =	vand.u32 $0xFFFF, v14;
	v15 =	vld.idx.msk [tilespmem:v15+s2+$0x0], $0xffff  }
0x142: {  	v24 =	vand.u32 $0xFFFF, v16;
	v17 =	vld.idx.msk [tilespmem:v17+s2+$0x0], $0xffff  }
0x143: {  	v7 =	vshrl.u32 v7, $0x10;
	v18 =	vld.idx.msk [tilespmem:v18+s2+$0x0], $0xffff  }
0x144: {  	v8 =	vshrl.u32 v8, $0x10;
	v21 =	vld.idx.msk [tilespmem:v21+s2+$0x0], $0xffff  }
0x145: {  	v9 =	vshrl.u32 v9, $0x10;
	v22 =	vld.idx.msk [tilespmem:v22+s2+$0x0], $0xffff  }
0x146: {  	v10 =	vshrl.u32 v10, $0x10;
	v12 =	vmul.f32 v12, v20;
	v20 =	vld.idx.msk [tilespmem:v23+s2+$0x0], $0xffff  }
0x147: {  	v11 =	vshrl.u32 v11, $0x10;
	v15 =	vmul.f32 v15, v19;
	v23 =	vld.idx.msk [tilespmem:v24+s2+$0x0], $0xffff  }
0x148: {  	v6 =	vmul.f32 v17, v6;
	[tilespmem:v7+s22+$0x0] =	vst.idx.add.f32.msk $0xffff, v12;
	v7 =	vshrl.u32 v13, $0x10  }
0x149: {  	v12 =	vshrl.u32 v14, $0x10;
	v13 =	vmul.f32 v18, v1;
	[tilespmem:v8+s22+$0x0] =	vst.idx.add.f32.msk $0xffff, v15  }
.Ltmp4:
0x14a: {  	v1 =	vshrl.u32 v16, $0x10;
	v5 =	vmul.f32 v21, v5;
	[tilespmem:v9+s22+$0x0] =	vst.idx.add.f32.msk $0xffff, v6;
	(pc) =	sbr.rel @p0 .LBB2_11-.Ltmp4, $4  }
0x14b: {  	v4 =	vmul.f32 v22, v4;
	[tilespmem:v10+s22+$0x0] =	vst.idx.add.f32.msk $0xffff, v13  }
0x14c: {  	v3 =	vmul.f32 v20, v3;
	[tilespmem:v11+s22+$0x0] =	vst.idx.add.f32.msk $0xffff, v5  }
0x14d: {  	v2 =	vmul.f32 v23, v2;
	[tilespmem:v7+s22+$0x0] =	vst.idx.add.f32.msk $0xffff, v4  }
0x14e: {  	[tilespmem:v12+s22+$0x0] =	vst.idx.add.f32.msk $0xffff, v3  }
0x14f: {  	s28 =	sadd.s32 $0x1, s28  }
0x150: {  	p0 =	sne.s32 s28, $0x1F  }
.Ltmp5:
0x151: {  	_ = 	snop;
	(pc) =	sbr.rel @p0 .LBB2_4-.Ltmp5, $2  }
0x152: {  	_ =	sdelay $0x2  }
0x153: {  	[tilespmem:v1+s22+$0x0] =	vst.idx.add.f32.msk $0xffff, v2  }
0x154: {  	_ =	swait.ge [sflag:s21], $0x1900  }
0x155: {  	[sflag:s21] =	ssyncset.done $0x0  }
0x156: {  	s28 =	simm.s32 $0x193F0;
	[sflag:s21] =	ssyncadd.s32 $0xFFFFE700  }
0x157: {  	v2 =	vld [tilespmem:s28+$0xFFFFFFA0]  }
0x158: {  	v1 =	vld [tilespmem:s28+$0xFFFFFFB0]  }
0x159: {  	v3 =	vld [tilespmem:s28+$0xFFFFFFC0]  }
0x15a: {  	v4 =	vld [tilespmem:s28+$0xFFFFFFD0]  }
0x15b: {  	v5 =	vld [tilespmem:s28+$0xFFFFFFE0]  }
0x15c: {  	v6 =	vld [tilespmem:s28+$0xFFFFFFF0]  }
0x15d: {  	v7 =	vld [tilespmem:s28+$0xFFFFF310]  }
0x15e: {  	v8 =	vld [tilespmem:s28+$0xFFFFF380]  }
0x15f: {  	v9 =	vld [tilespmem:s28+$0xFFFFF370]  }
0x160: {  	v10 =	vld [tilespmem:s28+$0xFFFFF360]  }
0x161: {  	v11 =	vld [tilespmem:s28+$0xFFFFF350]  }
0x162: {  	v14 =	vld [tilespmem:s28+$0xFFFFF330];
	v12 =	vand.u32 $0xFFFF, v7  }
0x163: {  	v13 =	vld [tilespmem:s28+$0xFFFFF340];
	v15 =	vand.u32 $0xFFFF, v8  }
0x164: {  	v16 =	vld [tilespmem:s28+$0xFFFFF320];
	v17 =	vand.u32 $0xFFFF, v9  }
0x165: {  	v19 =	vld [tilespmem:s28+$0x0];
	v18 =	vand.u32 $0xFFFF, v10  }
0x166: {  	v20 =	vld [tilespmem:s28+$0xFFFFFF90];
	v21 =	vand.u32 $0xFFFF, v11  }
0x167: {  	v23 =	vand.u32 $0xFFFF, v14;
	v12 =	vld.idx.msk [tilespmem:v12+s2+$0x0], $0xffff  }
0x168: {  	v22 =	vand.u32 $0xFFFF, v13;
	v15 =	vld.idx.msk [tilespmem:v15+s2+$0x0], $0xffff  }
0x169: {  	v24 =	vand.u32 $0xFFFF, v16;
	v17 =	vld.idx.msk [tilespmem:v17+s2+$0x0], $0xffff  }
0x16a: {  	v7 =	vshrl.u32 v7, $0x10;
	v18 =	vld.idx.msk [tilespmem:v18+s2+$0x0], $0xffff  }
0x16b: {  	v8 =	vshrl.u32 v8, $0x10;
	v21 =	vld.idx.msk [tilespmem:v21+s2+$0x0], $0xffff  }
0x16c: {  	v9 =	vshrl.u32 v9, $0x10;
	v59 =	vld.idx.msk [tilespmem:v23+s2+$0x0], $0xffff  }
0x16d: {  	v10 =	vshrl.u32 v10, $0x10;
	v22 =	vld.idx.msk [tilespmem:v22+s2+$0x0], $0xffff;
	v12 =	vmul.f32 v12, v20  }
0x16e: {  	v11 =	vshrl.u32 v11, $0x10;
	v60 =	vld.idx.msk [tilespmem:v24+s2+$0x0], $0xffff;
	v15 =	vmul.f32 v15, v19  }
0x16f: {  	v61 =	vshrl.u32 v13, $0x10;
	v6 =	vmul.f32 v17, v6;
	[tilespmem:v7+s22+$0x0] =	vst.idx.add.f32.msk $0xffff, v12  }
0x170: {  	v62 =	vshrl.u32 v14, $0x10;
	v5 =	vmul.f32 v18, v5;
	[tilespmem:v8+s22+$0x0] =	vst.idx.add.f32.msk $0xffff, v15  }
0x171: {  	v4 =	vmul.f32 v21, v4;
	v63 =	vmul.f32 v59, v1;
	v1 =	vshrl.u32 v16, $0x10;
	[tilespmem:v9+s22+$0x0] =	vst.idx.add.f32.msk $0xffff, v6  }
0x172: {  	v3 =	vmul.f32 v22, v3;
	[tilespmem:v10+s22+$0x0] =	vst.idx.add.f32.msk $0xffff, v5  }
0x173: {  	[tilespmem:v11+s22+$0x0] =	vst.idx.add.f32.msk $0xffff, v4  }
0x174: {  	v2 =	vmul.f32 v60, v2;
	[tilespmem:v61+s22+$0x0] =	vst.idx.add.f32.msk $0xffff, v3  }
0x175: {  	s29 =	simm.s32 $0x0;
	[tilespmem:v62+s22+$0x0] =	vst.idx.add.f32.msk $0xffff, v63  }
.LBB2_14:
0x176: {  	s29 =	sadd.s32 $0x80, s29;
	[tilespmem:v1+s22+$0x0] =	vst.idx.add.f32.msk $0xffff, v2;
	s28 =	sadd.s32 $0x80, s28  }
0x177: {  	v2 =	vld [tilespmem:s28+$0xFFFFFFA0];
	p0 =	slt.u32 s29, $0xC00  }
0x178: {  	v3 =	vld [tilespmem:s28+$0xFFFFFFB0]  }
0x179: {  	v4 =	vld [tilespmem:s28+$0xFFFFFFC0]  }
0x17a: {  	v5 =	vld [tilespmem:s28+$0xFFFFFFD0]  }
0x17b: {  	v1 =	vld [tilespmem:s28+$0xFFFFFFE0]  }
0x17c: {  	v6 =	vld [tilespmem:s28+$0xFFFFFFF0]  }
0x17d: {  	v7 =	vld [tilespmem:s28+$0xFFFFF310]  }
0x17e: {  	v8 =	vld [tilespmem:s28+$0xFFFFF380]  }
0x17f: {  	v9 =	vld [tilespmem:s28+$0xFFFFF370]  }
0x180: {  	v10 =	vld [tilespmem:s28+$0xFFFFF360]  }
0x181: {  	v11 =	vld [tilespmem:s28+$0xFFFFF350]  }
0x182: {  	v12 =	vand.u32 $0xFFFF, v7;
	v13 =	vld [tilespmem:s28+$0xFFFFF340]  }
0x183: {  	v14 =	vld [tilespmem:s28+$0xFFFFF330];
	v15 =	vand.u32 $0xFFFF, v8  }
0x184: {  	v16 =	vld [tilespmem:s28+$0xFFFFF320];
	v17 =	vand.u32 $0xFFFF, v9  }
0x185: {  	v18 =	vand.u32 $0xFFFF, v10;
	v19 =	vld [tilespmem:s28+$0x0]  }
0x186: {  	v20 =	vld [tilespmem:s28+$0xFFFFFF90];
	v21 =	vand.u32 $0xFFFF, v11  }
0x187: {  	v12 =	vld.idx.msk [tilespmem:v12+s2+$0x0], $0xffff;
	v22 =	vand.u32 $0xFFFF, v13  }
0x188: {  	v23 =	vand.u32 $0xFFFF, v14;
	v15 =	vld.idx.msk [tilespmem:v15+s2+$0x0], $0xffff  }
0x189: {  	v24 =	vand.u32 $0xFFFF, v16;
	v17 =	vld.idx.msk [tilespmem:v17+s2+$0x0], $0xffff  }
0x18a: {  	v7 =	vshrl.u32 v7, $0x10;
	v18 =	vld.idx.msk [tilespmem:v18+s2+$0x0], $0xffff  }
0x18b: {  	v8 =	vshrl.u32 v8, $0x10;
	v21 =	vld.idx.msk [tilespmem:v21+s2+$0x0], $0xffff  }
0x18c: {  	v9 =	vshrl.u32 v9, $0x10;
	v22 =	vld.idx.msk [tilespmem:v22+s2+$0x0], $0xffff  }
0x18d: {  	v10 =	vshrl.u32 v10, $0x10;
	v12 =	vmul.f32 v12, v20;
	v20 =	vld.idx.msk [tilespmem:v23+s2+$0x0], $0xffff  }
0x18e: {  	v11 =	vshrl.u32 v11, $0x10;
	v15 =	vmul.f32 v15, v19;
	v23 =	vld.idx.msk [tilespmem:v24+s2+$0x0], $0xffff  }
0x18f: {  	v6 =	vmul.f32 v17, v6;
	[tilespmem:v7+s22+$0x0] =	vst.idx.add.f32.msk $0xffff, v12;
	v7 =	vshrl.u32 v13, $0x10  }
0x190: {  	v12 =	vshrl.u32 v14, $0x10;
	v13 =	vmul.f32 v18, v1;
	[tilespmem:v8+s22+$0x0] =	vst.idx.add.f32.msk $0xffff, v15  }
.Ltmp6:
0x191: {  	v1 =	vshrl.u32 v16, $0x10;
	v5 =	vmul.f32 v21, v5;
	[tilespmem:v9+s22+$0x0] =	vst.idx.add.f32.msk $0xffff, v6;
	(pc) =	sbr.rel @p0 .LBB2_14-.Ltmp6, $4  }
0x192: {  	v4 =	vmul.f32 v22, v4;
	[tilespmem:v10+s22+$0x0] =	vst.idx.add.f32.msk $0xffff, v13  }
0x193: {  	v3 =	vmul.f32 v20, v3;
	[tilespmem:v11+s22+$0x0] =	vst.idx.add.f32.msk $0xffff, v5  }
0x194: {  	v2 =	vmul.f32 v23, v2;
	[tilespmem:v7+s22+$0x0] =	vst.idx.add.f32.msk $0xffff, v4  }
0x195: {  	[tilespmem:v12+s22+$0x0] =	vst.idx.add.f32.msk $0xffff, v3  }
0x196: {  	_ =	sdelay $0x1  }
0x197: {  	s26 =	sadd.s32 $0x1, s26  }
0x198: {  	p0 =	sne.s32 s26, s13  }
.Ltmp7:
0x199: {  	[tilespmem:v1+s22+$0x0] =	vst.idx.add.f32.msk $0xffff, v2;
	(pc) =	sbr.rel @p0 .LBB2_1-.Ltmp7, $4  }
0x19a: {  	[hbm4b:s12+s17] =	stream.strided.scatter [tilespmem:s22], [sflag:$0x5], $0xC380, s18, s17, $0x38;
	[tilespmem:$0x1EB00] =	vst v63  }
0x19b: {  	_ =	swait.ge [sflag:s19], $0xC380  }
0x19c: {  	[sflag:s19] =	ssyncset.done $0x0  }
0x19d: {  	[sflag:s19] =	ssyncadd.s32 $0xFFFF3C80  }
0x19e: {  	_ =	sfence.sel $0x180000  }
0x19f: {  	[bflag:$0x0] =	sbarrier.arrive $0xFFFF  }
0x1a0: {  	_ =	strace $0x9000004D  }
0x1a1: {  	[bflag:$0x2] =	sbarrier.arrive $0xFFFF  }
0x1a2: {  	p0 =	sne.s32 s0, $0x0;
	s0 =	rddreg [dreg:$0x1]  }
0x1a3: {  	s0 =	sadd.s32 @!p0 $0x100000, s0  }
0x1a4: {  	[sflag:s0] =	ssyncadd.tile.s32 @!p0 $0x1;
	_ =	shalt  }
.Lfunc_end2:
_tile_overlayer_lowered:
.L_overlay_start_2:
0x1a5: {  	(tag) =	ssettag $0x2  }
0x1a6: {  	s0 =	rddreg [dreg:$0x0];
	s2 =	stileid.u32  }
0x1a7: {  	s1 =	rddreg [dreg:$0x1];
	p0 =	sne.s32 s2, $0x0  }
0x1a8: {  	s3 =	rddreg [dreg:$0x2];
	[bflag:$0x3] =	sbarrier.arrive $0xFFFF;
	s2 =	simm.s32 @!p0 $0x1C05  }
0x1a9: {  	[timem:s3], [sflag:s2] =	dma.local @!p0 [hbm:s0], s1  }
0x1aa: {  	s0 =	simm.s32 @!p0 $0x5  }
0x1ab: {  	_ =	swait.ge @!p0 [sflag:s0], s1  }
0x1ac: {  	s1 =	ssub.s32 @!p0 $0x0, s1;
	[sflag:s0] =	ssyncset.done @!p0 $0x0  }
0x1ad: {  	[sflag:s0] =	ssyncadd.s32 @!p0 s1  }
0x1ae: {  	[bflag:$0x3] =	sbarrier.arrive $0xFFFF  }
0x1af: {  	_ =	shalt  }

// kernel: kernel.9.cloned.1.call-start
scs
__scs_entry_jumppad:
0x0: {  	(pc) =	sbr.rel $0x88, $3  }
0x1: {  	(tag) =	ssettag $0x0;
	lr =	simm.s32 $0x1  }
0x2: {  	[smem:$0x3F99] =	sst lr;
	_ =	strace $0xD0000000  }
0x3: {  	_ = 	snop  }
0x4: {  	_ = 	snop  }
0x5: {  	_ = 	snop  }
0x6: {  	_ = 	snop  }
0x7: {  	_ = 	snop  }
__scs_overlays_trampoline_lowered:
0x8: {  	[smem:$0x3FA8] =	sst s0  }
0x9: {  	[smem:$0x3FA9] =	sst s1  }
0xa: {  	[smem:$0x3FAA] =	sst s2  }
0xb: {  	[smem:$0x3FAB] =	sst s3  }
0xc: {  	[smem:$0x3FAC] =	sst s4  }
0xd: {  	[smem:$0x3FAD] =	sst s5  }
0xe: {  	[smem:$0x3FAE] =	sst s6  }
0xf: {  	[smem:$0x3FAF] =	sst s7  }
0x10: {  	[smem:$0x3FB0] =	sst s8  }
0x11: {  	[smem:$0x3FB1] =	sst s9;
	s0 =	simm.s32 @!p0 $0x0  }
0x12: {  	s1 =	sld [smem:$0x3F97];
	s0 =	simm.s32 @p0 $0x1  }
0x13: {  	[smem:$0x3FB2] =	sst s0;
	s0 =	simm.s32 @!p1 $0x0  }
0x14: {  	s2 =	sld [smem:$0x3F96];
	s0 =	simm.s32 @p1 $0x1  }
0x15: {  	[smem:$0x3FB3] =	sst s0;
	s0 =	simm.s32 @!p2 $0x0  }
0x16: {  	s3 =	sld [smem:$0x3FDB];
	s0 =	simm.s32 @p2 $0x1  }
0x17: {  	s4 =	simm.s32 $0x1BF5;
	[smem:$0x3FB5] =	sst s0  }
0x18: {  	s0 =	sld [smem:$0x3F98];
	_ =	swait.ge [sflag:s4], $0x0  }
0x19: {  	s7 =	sld [smem:$0x3F99]  }
0x1a: {  	s8 =	sadd.s32 $0xFFFFE003, lr  }
0x1b: {  	s9 =	sadd.s32 $0xFFFFFEF7, lr;
	s5 =	simm.s32 $0xFFFFFFFF;
	p2 =	slt.u32 s8, $0xFFFFF086  }
0x1c: {  	p1 =	slt.u32 s9, $0xF7A;
	s5 =	simm.s32 @!p2 $0x0  }
0x1d: {  	s5 =	simm.s32 @p1 $0x1;
	p0 =	seq.s32 s7, s2  }
0x1e: {  	s7 =	smul.u32 @!p0 $0xF7A, s2;
	p2 =	seq.s32 @!p0 s5, $0x0  }
0x1f: {  	s9 =	smul.u32 $0xF7A, s1;
	s8 =	simm.s32 @!p0 $0x1BF5;
	p2 =	por !p2, p0  }
0x20: {  	[sflag:s8] =	ssyncset.s32 @!p0 $0xFFFFF086;
	s6 =	sadd.s32 @!p0 s3, s7;
	s7 =	simm.s32 @!p0 $0x108  }
0x21: {  	s3 =	sadd.s32 s3, s9;
	s6 =	sadd.s32 @!p0 $0x88, s6;
	s7 =	simm.s32 @p2 $0x1082  }
0x22: {  	[simem:s7], [sflag:s8] =	dma.local @!p0 [hbm:s6], $0xF7A  }
0x23: {  	s9 =	sor.u32 $0xD0000000, s2;
	s6 =	simm.s32 $0x108;
	_ =	swait.ge @!p0 [sflag:s8], $0x0  }
0x24: {  	s3 =	sadd.s32 $0x88, s3;
	s6 =	simm.s32 @!p1 $0x1082;
	[sflag:s4] =	ssyncset.s32 $0xFFFFF086  }
0x25: {  	[simem:s6], [sflag:s4] =	dma.local [hbm:s3], $0xF7A  }
0x26: {  	[smem:$0x3F99] =	sst s1;
	(tag) =	ssettag s2;
	_ =	strace s9  }
0x27: {  	s1 =	sld [smem:$0x3FA9]  }
0x28: {  	s2 =	sld [smem:$0x3FAA]  }
0x29: {  	s4 =	sld [smem:$0x3FAC]  }
0x2a: {  	p0 =	seq.s32 s5, $0x0;
	s5 =	sld [smem:$0x3FAD]  }
0x2b: {  	s6 =	sld [smem:$0x3FAE]  }
0x2c: {  	s7 =	sld [smem:$0x3FAF]  }
0x2d: {  	s3 =	simm.s32 $0x108;
	s8 =	sld [smem:$0x3FB0]  }
0x2e: {  	s3 =	simm.s32 @!p0 $0x1082;
	s9 =	sld [smem:$0x3FB1]  }
0x2f: {  	lr =	sadd.s32 s0, s3;
	s0 =	sld [smem:$0x3FA8]  }
0x30: {  	s3 =	sld [smem:$0x3FAB]  }
0x31: {  	[smem:$0x3FB4] =	sst s10  }
0x32: {  	s10 =	sld [smem:$0x3FB2];
	_ =	sdelay $0x3  }
0x33: {  	p0 =	seq.s32 s10, $0x1;
	s10 =	sld [smem:$0x3FB4];
	_ =	sdelay $0x3  }
0x34: {  	[smem:$0x3FB4] =	sst s10  }
0x35: {  	s10 =	sld [smem:$0x3FB3];
	_ =	sdelay $0x3  }
0x36: {  	p1 =	seq.s32 s10, $0x1;
	s10 =	sld [smem:$0x3FB4];
	_ =	sdelay $0x3  }
0x37: {  	[smem:$0x3FB4] =	sst s10  }
0x38: {  	s10 =	sld [smem:$0x3FB5]  }
0x39: {  	_ = 	snop;
	(pc) =	sbr.ind lr, $3  }
0x3a: {  	_ = 	snop  }
0x3b: {  	_ = 	snop  }
0x3c: {  	p2 =	seq.s32 s10, $0x1;
	s10 =	sld [smem:$0x3FB4]  }
0x3d: {  	_ =	shalt  }
0x3e: {  	_ =	shalt  }
0x3f: {  	_ =	shalt  }
0x40: {  	_ =	shalt  }
0x41: {  	_ =	shalt  }
0x42: {  	_ =	shalt  }
0x43: {  	_ =	shalt  }
0x44: {  	_ =	shalt  }
0x45: {  	_ =	shalt  }
0x46: {  	_ =	shalt  }
0x47: {  	_ =	shalt  }
0x48: {  	_ =	shalt  }
0x49: {  	_ =	shalt  }
0x4a: {  	_ =	shalt  }
0x4b: {  	_ =	shalt  }
0x4c: {  	_ =	shalt  }
0x4d: {  	_ =	shalt  }
0x4e: {  	_ =	shalt  }
0x4f: {  	_ =	shalt  }
0x50: {  	_ =	shalt  }
0x51: {  	_ =	shalt  }
0x52: {  	_ =	shalt  }
0x53: {  	_ =	shalt  }
0x54: {  	_ =	shalt  }
0x55: {  	_ =	shalt  }
0x56: {  	_ =	shalt  }
0x57: {  	_ =	shalt  }
0x58: {  	_ =	shalt  }
0x59: {  	_ =	shalt  }
0x5a: {  	_ =	shalt  }
0x5b: {  	_ =	shalt  }
0x5c: {  	_ =	shalt  }
0x5d: {  	_ =	shalt  }
0x5e: {  	_ =	shalt  }
0x5f: {  	_ =	shalt  }
0x60: {  	_ =	shalt  }
0x61: {  	_ =	shalt  }
0x62: {  	_ =	shalt  }
0x63: {  	_ =	shalt  }
0x64: {  	_ =	shalt  }
0x65: {  	_ =	shalt  }
0x66: {  	_ =	shalt  }
0x67: {  	_ =	shalt  }
0x68: {  	_ =	shalt  }
0x69: {  	_ =	shalt  }
0x6a: {  	_ =	shalt  }
0x6b: {  	_ =	shalt  }
0x6c: {  	_ =	shalt  }
0x6d: {  	_ =	shalt  }
0x6e: {  	_ =	shalt  }
0x6f: {  	_ =	shalt  }
0x70: {  	_ =	shalt  }
0x71: {  	_ =	shalt  }
0x72: {  	_ =	shalt  }
0x73: {  	_ =	shalt  }
0x74: {  	_ =	shalt  }
0x75: {  	_ =	shalt  }
0x76: {  	_ =	shalt  }
0x77: {  	_ =	shalt  }
0x78: {  	_ =	shalt  }
0x79: {  	_ =	shalt  }
0x7a: {  	_ =	shalt  }
0x7b: {  	_ =	shalt  }
0x7c: {  	_ =	shalt  }
0x7d: {  	_ =	shalt  }
0x7e: {  	_ =	shalt  }
0x7f: {  	_ =	shalt  }
0x80: {  	_ =	shalt  }
0x81: {  	_ =	shalt  }
0x82: {  	_ =	shalt  }
0x83: {  	_ =	shalt  }
0x84: {  	_ =	shalt  }
0x85: {  	_ =	shalt  }
0x86: {  	_ =	shalt  }
0x87: {  	_ =	shalt  }
.Lfunc_end0:
.L_simem_size_0:
called_computation_lowered:
.L_overlay_start_0:
0x88: {  	s2 =	sld [smem:$0x3FD9]  }
0x89: {  	s3 =	sld [smem:$0x3FFE];
	_ =	sdelay $0x1  }
0x8a: {  	s1 =	srdreg.scid  }
0x8b: {  	s0 =	sand.u32 $0x1, s1  }
0x8c: {  	s16 =	sshll.u32 s0, $0xA;
	s2 =	sadd.s32 s3, s2  }
0x8d: {  	s2 =	sadd.s32 s2, s16  }
0x8e: {  	[smem:$0x3FC0] =	sst s2  }
0x8f: {  	_ = 	snop  }
0x90: {  	(tm) =	ssettm $0x1  }
0x91: {  	s17 =	sld [smem:$0x3FFB];
	_ =	sdelay $0x3  }
0x92: {  	_ =	strace s17  }
0x93: {  	s2 =	sld [smem:$0x3FFC];
	_ =	sdelay $0x3  }
0x94: {  	_ =	strace s2  }
0x95: {  	s2 =	sld [smem:$0x3FFD];
	_ =	sdelay $0x3  }
0x96: {  	_ =	strace s2  }
0x97: {  	_ =	strace $0x8FFFFFFF  }
0x98: {  	s18 =	sld [smem:$0x3FDB];
	_ =	sdelay $0x1  }
0x99: {  	s19 =	simm.s32 $_scs_section_size  }
0x9a: {  	s4 =	simm.s32 $_size__tile_overlayer_lowered;
	s5 =	simm.s32 $_tile_overlayer_lowered  }
0x9b: {  	s22 =	simm.s32 $0x1BFF;
	s21 =	sshll.u32 s5, $0x1;
	s2 =	sadd.s32 s19, s18  }
0x9c: {  	s6 =	simm.s32 $0x0;
	s20 =	sshll.u32 s4, $0x1;
	s4 =	sadd.s32 s21, s2  }
0x9d: {  	[timem:s6], [sflag:s22] =	dma.local [hbm:s4], s20  }
0x9e: {  	_ =	swait.ge [sflag:s22], s20  }
0x9f: {  	s3 =	ssub.s32 $0x0, s20;
	[sflag:s22] =	ssyncset.done $0x0  }
0xa0: {  	[sflag:s22] =	ssyncadd.s32 s3;
	_ =	sdelay $0x1  }
0xa1: {  	s23 =	simm.s32 $0x1B8B  }
0xa2: {  	_ =	swait.ge [sflag:s23], $0x1  }
0xa3: {  	[sflag:s23] =	ssyncset.done $0x0  }
0xa4: {  	s25 =	simm.s32 $0x1B8E;
	s24 =	sld [smem:$0x3FFE];
	[sflag:s23] =	ssyncadd.s32 $0xFFFFFFFF  }
0xa5: {  	s26 =	simm.s32 $execute0_lowered;
	[smem:$0x3FD2] =	sst s25  }
0xa6: {  	s4 =	sshll.u32 s26, $0x1;
	_ =	strace $0x80000046;
	[dreg:$0x1] =	wrdreg $0xFFFFFFFF  }
0xa7: {  	s28 =	simm.s32 $_size_execute0_lowered;
	s2 =	sadd.s32 s2, s4;
	[dreg:$0x0] =	wrdreg $0x0  }
0xa8: {  	s4 =	sshll.u32 s28, $0x1;
	[dreg:$0x2] =	wrdreg s2  }
0xa9: {  	[dreg:$0x3] =	wrdreg s4  }
0xaa: {  	[dreg:$0x4] =	wrdreg $0xC0  }
0xab: {  	_ =	task [dreg:s6], $0x5FFFF  }
0xac: {  	[dreg:$0x1] =	wrdreg $0xFFFFFFFF  }
0xad: {  	[dreg:$0x0] =	wrdreg $0x60  }
0xae: {  	[dreg:$0x2] =	wrdreg s24  }
0xaf: {  	[dreg:$0x3] =	wrdreg $0x9  }
0xb0: {  	_ =	task.clear_ibuf [dreg:s6], $0x4FFFF;
	_ =	strace $0x90000046  }
0xb1: {  	s29 =	simm.s32 $0x9;
	_ =	strace $0x80000048  }
0xb2: {  	_ =	swait.ge [sflag:s29], $0x1  }
0xb3: {  	[sflag:s29] =	ssyncadd.s32 $0xFFFFFFFF  }
0xb4: {  	_ =	strace $0x90000048  }
0xb5: {  	_ =	sfence  }
0xb6: {  	s30 =	sld [smem:$0x0];
	_ =	sdelay $0x2  }
0xb7: {  	s31 =	sshll.u32 s1, $0xD;
	s1 =	sshrl.u32 s1, $0x2  }
0xb8: {  	s3 =	sand.u32 $0x4000, s31;
	s1 =	sadd.s32 s1, s30  }
0xb9: {  	s0 =	sor.u32 s3, s0;
	s1 =	sshll.u32 s1, $0x11  }
0xba: {  	s0 =	sor.u32 s1, s0  }
0xbb: {  	s0 =	sadd.s32 $0x8F2B, s0  }
0xbc: {  	[sflag:s0] =	ssyncadd.remote.s32 $0x1  }
0xbd: {  	_ =	sfence.sel $0xFFFF  }
0xbe: {  	[dreg:$0x0] =	wrdreg $0xFFFFFFFF;
	(pc) =	sbr.abs _section_cstart, $3  }
0xbf: {  	[dreg:$0x1] =	wrdreg $0xFFFFFFFF  }
0xc0: {  	_ =	task.clear_ibuf [dreg:s6], $0x2FFFF;
	_ =	strace $0x9FFFFFFF  }
0xc1: {  	(tm) =	ssettm $0x7FFFFFFF  }
tec
execute0_lowered:
.L_overlay_start_1:
0x0: {  	(tag) =	ssettag $0x1  }
0x1: {  	s1 =	srdreg.scid  }
0x2: {  	s0 =	stileid.u32;
	s4 =	rddreg [dreg:$0x0]  }
0x3: {  	s14 =	simm.s32 $0x18700;
	s15 =	simm.s32 $0x1A000;
	s16 =	simm.s32 $0x1B900  }
0x4: {  	s17 =	simm.s32 $0x80;
	s18 =	simm.s32 $0x400;
	s19 =	simm.s32 $0x5  }
0x5: {  	s20 =	simm.s32 $0x1D200;
	s21 =	simm.s32 $0x1;
	s6 =	sshrl.u32 s0, $0x2  }
0x6: {  	s22 =	simm.s32 $0xC380;
	s23 =	simm.s32 $0x2;
	s7 =	smul.u32 $0x61C00, s6  }
0x7: {  	s5 =	sand.u32 $0x1, s1;
	s2 =	sshll.u32 s0, $0x1;
	s25 =	smul.u32 $0xC3500, s6  }
0x8: {  	s24 =	simm.s32 $0x3;
	s3 =	sor.u32 s5, s2;
	s28 =	smul.u32 $0x186A0, s6  }
0x9: {  	s2 =	simm.s32 $0x0;
	s26 =	ssub.s32 $0x2, s5;
	s11 =	smul.u32 $0x61A80, s6  }
0xa: {  	s8 =	sshll.u32 s3, $0x7;
	[smem:$0x7FF] =	sst s2;
	s3 =	sshll.u32 s3, $0x4  }
0xb: {  	s30 =	sshrl.u32 s26, $0x1;
	s8 =	sand.u32 $0x380, s8;
	_ =	strace $0x80000047  }
0xc: {  	s3 =	sand.u32 $0x70, s3;
	s29 =	sshrl.u32 s25, $0x3;
	s13 =	ssub.s32 s26, s30  }
0xd: {  	s10 =	sadd.s32 $0x3E80, s11;
	s25 =	simm.s32 $0x4;
	s26 =	simm.s32 $0x0  }
0xe: {  	s7 =	sor.u32 s7, s8;
	s9 =	sadd.s32 s3, s4;
	s3 =	sadd.s32 $0x94800, s4  }
0xf: {  	s8 =	sadd.s32 $0x2580, s11;
	s13 =	smax.u32 s13, $0x1;
	s7 =	sshrl.u32 s7, $0x3  }
0x10: {  	s31 =	sadd.s32 s3, s29;
	s12 =	sadd.s32 s7, s4;
	s4 =	sadd.s32 s3, s28  }
0x11: {  	s5 =	sadd.s32 $0x320, s31;
	s6 =	sadd.s32 $0x640, s31;
	s7 =	sadd.s32 $0x1E00, s9  }
0x12: {  	v0 =	vimm.f32 $0.0e+00;
	s9 =	sadd.s32 $0x3200, s11;
	s11 =	sadd.s32 $0x4B00, s11;
	s12 =	sadd.s32 $0xE200, s12  }
.LBB2_1:
0x13: {  	[tilespmem:s14], [sflag:$0x1] =	stream.linear.gather [hbm4b:s4+s2], $0x1900, $0x38;
	[tilespmem:$0x1EB00] =	vst v63  }
0x14: {  	_ = 	snop  }
0x15: {  	[tilespmem:s15], [sflag:$0x2] =	stream.linear.gather [hbm4b:s5+s2], $0x1900, $0x38;
	[tilespmem:$0x1EB00] =	vst v63  }
0x16: {  	_ = 	snop  }
0x17: {  	[tilespmem:s16], [sflag:$0x3] =	stream.linear.gather [hbm4b:s6+s2], $0x1900, $0x38;
	[tilespmem:$0x1EB00] =	vst v63  }
0x18: {  	_ = 	snop  }
0x19: {  	[tilespmem:s2], [sflag:$0x5] =	stream.strided.gather [hbm4b:s7+s17], $0xC380, s18, s17, $0x38;
	[tilespmem:$0x1EB00] =	vst v63  }
0x1a: {  	_ =	swait.ge [sflag:s19], $0xC380  }
0x1b: {  	[sflag:s19] =	ssyncset.done $0x0  }
0x1c: {  	s28 =	simm.s32 $0xC3C0;
	[sflag:s19] =	ssyncadd.s32 $0xFFFF3C80  }
0x1d: {  	[tilespmem:s28+$0xFFFFFFC0] =	vst v0  }
0x1e: {  	[tilespmem:s28+$0x30] =	vst v0  }
0x1f: {  	[tilespmem:s28+$0x20] =	vst v0  }
0x20: {  	[tilespmem:s28+$0x10] =	vst v0  }
0x21: {  	[tilespmem:s28+$0x0] =	vst v0  }
0x22: {  	[tilespmem:s28+$0xFFFFFFF0] =	vst v0  }
0x23: {  	s29 =	simm.s32 $0x0;
	[tilespmem:s28+$0xFFFFFFE0] =	vst v0  }
.LBB2_2:
0x24: {  	s29 =	sadd.s32 $0x8, s29;
	[tilespmem:s28+$0xFFFFFFD0] =	vst v0;
	s28 =	sadd.s32 $0x80, s28  }
0x25: {  	[tilespmem:s28+$0xFFFFFFC0] =	vst v0;
	p0 =	slt.u32 s29, $0xC28  }
0x26: {  	[tilespmem:s28+$0x30] =	vst v0  }
.Ltmp0:
0x27: {  	[tilespmem:s28+$0x20] =	vst v0;
	(pc) =	sbr.rel @p0 .LBB2_2-.Ltmp0, $4  }
0x28: {  	[tilespmem:s28+$0x10] =	vst v0  }
0x29: {  	[tilespmem:s28+$0x0] =	vst v0  }
0x2a: {  	[tilespmem:s28+$0xFFFFFFF0] =	vst v0  }
0x2b: {  	[tilespmem:s28+$0xFFFFFFE0] =	vst v0  }
0x2c: {  	[tilespmem:s28+$0xFFFFFFD0] =	vst v0  }
0x2d: {  	[tilespmem:$0x18680] =	vst v0  }
0x2e: {  	[tilespmem:$0x18690] =	vst v0  }
0x2f: {  	[tilespmem:$0x186A0] =	vst v0  }
0x30: {  	[tilespmem:$0x186B0] =	vst v0  }
0x31: {  	s28 =	simm.s32 $0x0;
	[tilespmem:$0x186C0] =	vst v0  }
.LBB2_4:
0x32: {  	s29 =	smul.u32 $0x3200, s28;
	_ =	sdelay $0x1  }
0x33: {  	s30 =	sadd.s32 s29, s8  }
0x34: {  	s30 =	sshrl.u32 s30, $0x2  }
0x35: {  	s30 =	sadd.s32 s3, s30  }
0x36: {  	[tilespmem:s20], [sflag:$0x4] =	stream.linear.gather [hbm4b:s30+s2], $0x1900, $0x38;
	[tilespmem:$0x1EB00] =	vst v63  }
0x37: {  	_ =	swait.ge [sflag:s21], $0x1900  }
0x38: {  	[sflag:s21] =	ssyncset.done $0x0  }
0x39: {  	s30 =	simm.s32 $0x193F0;
	[sflag:s21] =	ssyncadd.s32 $0xFFFFE700  }
0x3a: {  	v2 =	vld [tilespmem:s30+$0xFFFFFFA0]  }
0x3b: {  	v1 =	vld [tilespmem:s30+$0xFFFFFFB0]  }
0x3c: {  	v3 =	vld [tilespmem:s30+$0xFFFFFFC0]  }
0x3d: {  	v4 =	vld [tilespmem:s30+$0xFFFFFFD0]  }
0x3e: {  	v5 =	vld [tilespmem:s30+$0xFFFFFFE0]  }
0x3f: {  	v6 =	vld [tilespmem:s30+$0xFFFFFFF0]  }
0x40: {  	v7 =	vld [tilespmem:s30+$0xFFFFF310]  }
0x41: {  	v8 =	vld [tilespmem:s30+$0xFFFFF380]  }
0x42: {  	v9 =	vld [tilespmem:s30+$0xFFFFF370]  }
0x43: {  	v10 =	vld [tilespmem:s30+$0xFFFFF360]  }
0x44: {  	v11 =	vld [tilespmem:s30+$0xFFFFF350]  }
0x45: {  	v14 =	vld [tilespmem:s30+$0xFFFFF330];
	v12 =	vand.u32 $0xFFFF, v7  }
0x46: {  	v13 =	vld [tilespmem:s30+$0xFFFFF340];
	v15 =	vand.u32 $0xFFFF, v8  }
0x47: {  	v16 =	vld [tilespmem:s30+$0xFFFFF320];
	v17 =	vand.u32 $0xFFFF, v9  }
0x48: {  	v19 =	vld [tilespmem:s30+$0x0];
	v18 =	vand.u32 $0xFFFF, v10  }
0x49: {  	v20 =	vld [tilespmem:s30+$0xFFFFFF90];
	v21 =	vand.u32 $0xFFFF, v11  }
0x4a: {  	v23 =	vand.u32 $0xFFFF, v14;
	v12 =	vld.idx.msk [tilespmem:v12+s2+$0x0], $0xffff  }
0x4b: {  	v22 =	vand.u32 $0xFFFF, v13;
	v15 =	vld.idx.msk [tilespmem:v15+s2+$0x0], $0xffff  }
0x4c: {  	v24 =	vand.u32 $0xFFFF, v16;
	v17 =	vld.idx.msk [tilespmem:v17+s2+$0x0], $0xffff  }
0x4d: {  	v7 =	vshrl.u32 v7, $0x10;
	v18 =	vld.idx.msk [tilespmem:v18+s2+$0x0], $0xffff  }
0x4e: {  	v8 =	vshrl.u32 v8, $0x10;
	v21 =	vld.idx.msk [tilespmem:v21+s2+$0x0], $0xffff  }
0x4f: {  	v9 =	vshrl.u32 v9, $0x10;
	v59 =	vld.idx.msk [tilespmem:v23+s2+$0x0], $0xffff  }
0x50: {  	v10 =	vshrl.u32 v10, $0x10;
	v22 =	vld.idx.msk [tilespmem:v22+s2+$0x0], $0xffff;
	v12 =	vmul.f32 v12, v20  }
0x51: {  	v11 =	vshrl.u32 v11, $0x10;
	v60 =	vld.idx.msk [tilespmem:v24+s2+$0x0], $0xffff;
	v15 =	vmul.f32 v15, v19  }
0x52: {  	v61 =	vshrl.u32 v13, $0x10;
	v6 =	vmul.f32 v17, v6;
	[tilespmem:v7+s22+$0x0] =	vst.idx.add.f32.msk $0xffff, v12  }
0x53: {  	v62 =	vshrl.u32 v14, $0x10;
	v5 =	vmul.f32 v18, v5;
	[tilespmem:v8+s22+$0x0] =	vst.idx.add.f32.msk $0xffff, v15  }
0x54: {  	v4 =	vmul.f32 v21, v4;
	v63 =	vmul.f32 v59, v1;
	v1 =	vshrl.u32 v16, $0x10;
	[tilespmem:v9+s22+$0x0] =	vst.idx.add.f32.msk $0xffff, v6  }
0x55: {  	v3 =	vmul.f32 v22, v3;
	[tilespmem:v10+s22+$0x0] =	vst.idx.add.f32.msk $0xffff, v5  }
0x56: {  	[tilespmem:v11+s22+$0x0] =	vst.idx.add.f32.msk $0xffff, v4  }
0x57: {  	v2 =	vmul.f32 v60, v2;
	[tilespmem:v61+s22+$0x0] =	vst.idx.add.f32.msk $0xffff, v3  }
0x58: {  	s31 =	simm.s32 $0x0;
	[tilespmem:v62+s22+$0x0] =	vst.idx.add.f32.msk $0xffff, v63  }
.LBB2_5:
0x59: {  	s31 =	sadd.s32 $0x80, s31;
	[tilespmem:v1+s22+$0x0] =	vst.idx.add.f32.msk $0xffff, v2;
	s30 =	sadd.s32 $0x80, s30  }
0x5a: {  	v2 =	vld [tilespmem:s30+$0xFFFFFFA0];
	p0 =	slt.u32 s31, $0xC00  }
0x5b: {  	v3 =	vld [tilespmem:s30+$0xFFFFFFB0]  }
0x5c: {  	v4 =	vld [tilespmem:s30+$0xFFFFFFC0]  }
0x5d: {  	v5 =	vld [tilespmem:s30+$0xFFFFFFD0]  }
0x5e: {  	v1 =	vld [tilespmem:s30+$0xFFFFFFE0]  }
0x5f: {  	v6 =	vld [tilespmem:s30+$0xFFFFFFF0]  }
0x60: {  	v7 =	vld [tilespmem:s30+$0xFFFFF310]  }
0x61: {  	v8 =	vld [tilespmem:s30+$0xFFFFF380]  }
0x62: {  	v9 =	vld [tilespmem:s30+$0xFFFFF370]  }
0x63: {  	v10 =	vld [tilespmem:s30+$0xFFFFF360]  }
0x64: {  	v11 =	vld [tilespmem:s30+$0xFFFFF350]  }
0x65: {  	v12 =	vand.u32 $0xFFFF, v7;
	v13 =	vld [tilespmem:s30+$0xFFFFF340]  }
0x66: {  	v14 =	vld [tilespmem:s30+$0xFFFFF330];
	v15 =	vand.u32 $0xFFFF, v8  }
0x67: {  	v16 =	vld [tilespmem:s30+$0xFFFFF320];
	v17 =	vand.u32 $0xFFFF, v9  }
0x68: {  	v18 =	vand.u32 $0xFFFF, v10;
	v19 =	vld [tilespmem:s30+$0x0]  }
0x69: {  	v20 =	vld [tilespmem:s30+$0xFFFFFF90];
	v21 =	vand.u32 $0xFFFF, v11  }
0x6a: {  	v12 =	vld.idx.msk [tilespmem:v12+s2+$0x0], $0xffff;
	v22 =	vand.u32 $0xFFFF, v13  }
0x6b: {  	v23 =	vand.u32 $0xFFFF, v14;
	v15 =	vld.idx.msk [tilespmem:v15+s2+$0x0], $0xffff  }
0x6c: {  	v24 =	vand.u32 $0xFFFF, v16;
	v17 =	vld.idx.msk [tilespmem:v17+s2+$0x0], $0xffff  }
0x6d: {  	v7 =	vshrl.u32 v7, $0x10;
	v18 =	vld.idx.msk [tilespmem:v18+s2+$0x0], $0xffff  }
0x6e: {  	v8 =	vshrl.u32 v8, $0x10;
	v21 =	vld.idx.msk [tilespmem:v21+s2+$0x0], $0xffff  }
0x6f: {  	v9 =	vshrl.u32 v9, $0x10;
	v22 =	vld.idx.msk [tilespmem:v22+s2+$0x0], $0xffff  }
0x70: {  	v10 =	vshrl.u32 v10, $0x10;
	v12 =	vmul.f32 v12, v20;
	v20 =	vld.idx.msk [tilespmem:v23+s2+$0x0], $0xffff  }
0x71: {  	v11 =	vshrl.u32 v11, $0x10;
	v15 =	vmul.f32 v15, v19;
	v23 =	vld.idx.msk [tilespmem:v24+s2+$0x0], $0xffff  }
0x72: {  	v6 =	vmul.f32 v17, v6;
	[tilespmem:v7+s22+$0x0] =	vst.idx.add.f32.msk $0xffff, v12;
	v7 =	vshrl.u32 v13, $0x10  }
0x73: {  	v12 =	vshrl.u32 v14, $0x10;
	v13 =	vmul.f32 v18, v1;
	[tilespmem:v8+s22+$0x0] =	vst.idx.add.f32.msk $0xffff, v15  }
.Ltmp1:
0x74: {  	v1 =	vshrl.u32 v16, $0x10;
	v5 =	vmul.f32 v21, v5;
	[tilespmem:v9+s22+$0x0] =	vst.idx.add.f32.msk $0xffff, v6;
	(pc) =	sbr.rel @p0 .LBB2_5-.Ltmp1, $4  }
0x75: {  	v4 =	vmul.f32 v22, v4;
	[tilespmem:v10+s22+$0x0] =	vst.idx.add.f32.msk $0xffff, v13  }
0x76: {  	v3 =	vmul.f32 v20, v3;
	[tilespmem:v11+s22+$0x0] =	vst.idx.add.f32.msk $0xffff, v5  }
0x77: {  	v2 =	vmul.f32 v23, v2;
	[tilespmem:v7+s22+$0x0] =	vst.idx.add.f32.msk $0xffff, v4  }
0x78: {  	[tilespmem:v12+s22+$0x0] =	vst.idx.add.f32.msk $0xffff, v3  }
0x79: {  	_ =	sdelay $0x1  }
0x7a: {  	s30 =	sadd.s32 s29, s9  }
0x7b: {  	s30 =	sshrl.u32 s30, $0x2  }
0x7c: {  	[tilespmem:v1+s22+$0x0] =	vst.idx.add.f32.msk $0xffff, v2;
	s30 =	sadd.s32 s3, s30  }
0x7d: {  	[tilespmem:s14], [sflag:$0x1] =	stream.linear.gather [hbm4b:s30+s2], $0x1900, $0x38;
	[tilespmem:$0x1EB00] =	vst v63  }
0x7e: {  	_ =	swait.ge [sflag:s23], $0x1900  }
0x7f: {  	[sflag:s23] =	ssyncset.done $0x0  }
0x80: {  	s30 =	simm.s32 $0x1ACF0;
	[sflag:s23] =	ssyncadd.s32 $0xFFFFE700  }
0x81: {  	v2 =	vld [tilespmem:s30+$0xFFFFFFA0]  }
0x82: {  	v1 =	vld [tilespmem:s30+$0xFFFFFFB0]  }
0x83: {  	v3 =	vld [tilespmem:s30+$0xFFFFFFC0]  }
0x84: {  	v4 =	vld [tilespmem:s30+$0xFFFFFFD0]  }
0x85: {  	v5 =	vld [tilespmem:s30+$0xFFFFFFE0]  }
0x86: {  	v6 =	vld [tilespmem:s30+$0xFFFFFFF0]  }
0x87: {  	v7 =	vld [tilespmem:s30+$0xFFFFF310]  }
0x88: {  	v8 =	vld [tilespmem:s30+$0xFFFFF380]  }
0x89: {  	v9 =	vld [tilespmem:s30+$0xFFFFF370]  }
0x8a: {  	v10 =	vld [tilespmem:s30+$0xFFFFF360]  }
0x8b: {  	v11 =	vld [tilespmem:s30+$0xFFFFF350]  }
0x8c: {  	v14 =	vld [tilespmem:s30+$0xFFFFF330];
	v12 =	vand.u32 $0xFFFF, v7  }
0x8d: {  	v13 =	vld [tilespmem:s30+$0xFFFFF340];
	v15 =	vand.u32 $0xFFFF, v8  }
0x8e: {  	v16 =	vld [tilespmem:s30+$0xFFFFF320];
	v17 =	vand.u32 $0xFFFF, v9  }
0x8f: {  	v19 =	vld [tilespmem:s30+$0x0];
	v18 =	vand.u32 $0xFFFF, v10  }
0x90: {  	v20 =	vld [tilespmem:s30+$0xFFFFFF90];
	v21 =	vand.u32 $0xFFFF, v11  }
0x91: {  	v23 =	vand.u32 $0xFFFF, v14;
	v12 =	vld.idx.msk [tilespmem:v12+s2+$0x0], $0xffff  }
0x92: {  	v22 =	vand.u32 $0xFFFF, v13;
	v15 =	vld.idx.msk [tilespmem:v15+s2+$0x0], $0xffff  }
0x93: {  	v24 =	vand.u32 $0xFFFF, v16;
	v17 =	vld.idx.msk [tilespmem:v17+s2+$0x0], $0xffff  }
0x94: {  	v7 =	vshrl.u32 v7, $0x10;
	v18 =	vld.idx.msk [tilespmem:v18+s2+$0x0], $0xffff  }
0x95: {  	v8 =	vshrl.u32 v8, $0x10;
	v21 =	vld.idx.msk [tilespmem:v21+s2+$0x0], $0xffff  }
0x96: {  	v9 =	vshrl.u32 v9, $0x10;
	v59 =	vld.idx.msk [tilespmem:v23+s2+$0x0], $0xffff  }
0x97: {  	v10 =	vshrl.u32 v10, $0x10;
	v22 =	vld.idx.msk [tilespmem:v22+s2+$0x0], $0xffff;
	v12 =	vmul.f32 v12, v20  }
0x98: {  	v11 =	vshrl.u32 v11, $0x10;
	v60 =	vld.idx.msk [tilespmem:v24+s2+$0x0], $0xffff;
	v15 =	vmul.f32 v15, v19  }
0x99: {  	v61 =	vshrl.u32 v13, $0x10;
	v6 =	vmul.f32 v17, v6;
	[tilespmem:v7+s22+$0x0] =	vst.idx.add.f32.msk $0xffff, v12  }
0x9a: {  	v62 =	vshrl.u32 v14, $0x10;
	v5 =	vmul.f32 v18, v5;
	[tilespmem:v8+s22+$0x0] =	vst.idx.add.f32.msk $0xffff, v15  }
0x9b: {  	v4 =	vmul.f32 v21, v4;
	v63 =	vmul.f32 v59, v1;
	v1 =	vshrl.u32 v16, $0x10;
	[tilespmem:v9+s22+$0x0] =	vst.idx.add.f32.msk $0xffff, v6  }
0x9c: {  	v3 =	vmul.f32 v22, v3;
	[tilespmem:v10+s22+$0x0] =	vst.idx.add.f32.msk $0xffff, v5  }
0x9d: {  	[tilespmem:v11+s22+$0x0] =	vst.idx.add.f32.msk $0xffff, v4  }
0x9e: {  	v2 =	vmul.f32 v60, v2;
	[tilespmem:v61+s22+$0x0] =	vst.idx.add.f32.msk $0xffff, v3  }
0x9f: {  	s31 =	simm.s32 $0x0;
	[tilespmem:v62+s22+$0x0] =	vst.idx.add.f32.msk $0xffff, v63  }
.LBB2_7:
0xa0: {  	s31 =	sadd.s32 $0x80, s31;
	[tilespmem:v1+s22+$0x0] =	vst.idx.add.f32.msk $0xffff, v2;
	s30 =	sadd.s32 $0x80, s30  }
0xa1: {  	v2 =	vld [tilespmem:s30+$0xFFFFFFA0];
	p0 =	slt.u32 s31, $0xC00  }
0xa2: {  	v3 =	vld [tilespmem:s30+$0xFFFFFFB0]  }
0xa3: {  	v4 =	vld [tilespmem:s30+$0xFFFFFFC0]  }
0xa4: {  	v5 =	vld [tilespmem:s30+$0xFFFFFFD0]  }
0xa5: {  	v1 =	vld [tilespmem:s30+$0xFFFFFFE0]  }
0xa6: {  	v6 =	vld [tilespmem:s30+$0xFFFFFFF0]  }
0xa7: {  	v7 =	vld [tilespmem:s30+$0xFFFFF310]  }
0xa8: {  	v8 =	vld [tilespmem:s30+$0xFFFFF380]  }
0xa9: {  	v9 =	vld [tilespmem:s30+$0xFFFFF370]  }
0xaa: {  	v10 =	vld [tilespmem:s30+$0xFFFFF360]  }
0xab: {  	v11 =	vld [tilespmem:s30+$0xFFFFF350]  }
0xac: {  	v12 =	vand.u32 $0xFFFF, v7;
	v13 =	vld [tilespmem:s30+$0xFFFFF340]  }
0xad: {  	v14 =	vld [tilespmem:s30+$0xFFFFF330];
	v15 =	vand.u32 $0xFFFF, v8  }
0xae: {  	v16 =	vld [tilespmem:s30+$0xFFFFF320];
	v17 =	vand.u32 $0xFFFF, v9  }
0xaf: {  	v18 =	vand.u32 $0xFFFF, v10;
	v19 =	vld [tilespmem:s30+$0x0]  }
0xb0: {  	v20 =	vld [tilespmem:s30+$0xFFFFFF90];
	v21 =	vand.u32 $0xFFFF, v11  }
0xb1: {  	v12 =	vld.idx.msk [tilespmem:v12+s2+$0x0], $0xffff;
	v22 =	vand.u32 $0xFFFF, v13  }
0xb2: {  	v23 =	vand.u32 $0xFFFF, v14;
	v15 =	vld.idx.msk [tilespmem:v15+s2+$0x0], $0xffff  }
0xb3: {  	v24 =	vand.u32 $0xFFFF, v16;
	v17 =	vld.idx.msk [tilespmem:v17+s2+$0x0], $0xffff  }
0xb4: {  	v7 =	vshrl.u32 v7, $0x10;
	v18 =	vld.idx.msk [tilespmem:v18+s2+$0x0], $0xffff  }
0xb5: {  	v8 =	vshrl.u32 v8, $0x10;
	v21 =	vld.idx.msk [tilespmem:v21+s2+$0x0], $0xffff  }
0xb6: {  	v9 =	vshrl.u32 v9, $0x10;
	v22 =	vld.idx.msk [tilespmem:v22+s2+$0x0], $0xffff  }
0xb7: {  	v10 =	vshrl.u32 v10, $0x10;
	v12 =	vmul.f32 v12, v20;
	v20 =	vld.idx.msk [tilespmem:v23+s2+$0x0], $0xffff  }
0xb8: {  	v11 =	vshrl.u32 v11, $0x10;
	v15 =	vmul.f32 v15, v19;
	v23 =	vld.idx.msk [tilespmem:v24+s2+$0x0], $0xffff  }
0xb9: {  	v6 =	vmul.f32 v17, v6;
	[tilespmem:v7+s22+$0x0] =	vst.idx.add.f32.msk $0xffff, v12;
	v7 =	vshrl.u32 v13, $0x10  }
0xba: {  	v12 =	vshrl.u32 v14, $0x10;
	v13 =	vmul.f32 v18, v1;
	[tilespmem:v8+s22+$0x0] =	vst.idx.add.f32.msk $0xffff, v15  }
.Ltmp2:
0xbb: {  	v1 =	vshrl.u32 v16, $0x10;
	v5 =	vmul.f32 v21, v5;
	[tilespmem:v9+s22+$0x0] =	vst.idx.add.f32.msk $0xffff, v6;
	(pc) =	sbr.rel @p0 .LBB2_7-.Ltmp2, $4  }
0xbc: {  	v4 =	vmul.f32 v22, v4;
	[tilespmem:v10+s22+$0x0] =	vst.idx.add.f32.msk $0xffff, v13  }
0xbd: {  	v3 =	vmul.f32 v20, v3;
	[tilespmem:v11+s22+$0x0] =	vst.idx.add.f32.msk $0xffff, v5  }
0xbe: {  	v2 =	vmul.f32 v23, v2;
	[tilespmem:v7+s22+$0x0] =	vst.idx.add.f32.msk $0xffff, v4  }
0xbf: {  	[tilespmem:v12+s22+$0x0] =	vst.idx.add.f32.msk $0xffff, v3  }
0xc0: {  	_ = 	snop  }
0xc1: {  	p0 =	seq.s32 s28, $0x1E  }
0xc2: {  	s30 =	sadd.s32 @!p0 s29, s10  }
0xc3: {  	s30 =	sshrl.u32 @!p0 s30, $0x2  }
0xc4: {  	[tilespmem:v1+s22+$0x0] =	vst.idx.add.f32.msk $0xffff, v2;
	s31 =	simm.s32 @!p0 $0x0;
	s1 =	simm.s32 @!p0 $0x1A000;
	s30 =	sadd.s32 @!p0 s3, s30  }
0xc5: {  	[tilespmem:s1], [sflag:$0x2] =	stream.linear.gather @!p0 [hbm4b:s30+s31], $0x1900, $0x38;
	[tilespmem:$0x1EB00] =	vst v63  }
0xc6: {  	_ =	swait.ge [sflag:s24], $0x1900  }
0xc7: {  	[sflag:s24] =	ssyncset.done $0x0  }
0xc8: {  	s30 =	simm.s32 $0x1C5F0;
	[sflag:s24] =	ssyncadd.s32 $0xFFFFE700  }
0xc9: {  	v2 =	vld [tilespmem:s30+$0xFFFFFFA0]  }
0xca: {  	v1 =	vld [tilespmem:s30+$0xFFFFFFB0]  }
0xcb: {  	v3 =	vld [tilespmem:s30+$0xFFFFFFC0]  }
0xcc: {  	v4 =	vld [tilespmem:s30+$0xFFFFFFD0]  }
0xcd: {  	v5 =	vld [tilespmem:s30+$0xFFFFFFE0]  }
0xce: {  	v6 =	vld [tilespmem:s30+$0xFFFFFFF0]  }
0xcf: {  	v7 =	vld [tilespmem:s30+$0xFFFFF310]  }
0xd0: {  	v8 =	vld [tilespmem:s30+$0xFFFFF380]  }
0xd1: {  	v9 =	vld [tilespmem:s30+$0xFFFFF370]  }
0xd2: {  	v10 =	vld [tilespmem:s30+$0xFFFFF360]  }
0xd3: {  	v11 =	vld [tilespmem:s30+$0xFFFFF350]  }
0xd4: {  	v14 =	vld [tilespmem:s30+$0xFFFFF330];
	v12 =	vand.u32 $0xFFFF, v7  }
0xd5: {  	v13 =	vld [tilespmem:s30+$0xFFFFF340];
	v15 =	vand.u32 $0xFFFF, v8  }
0xd6: {  	v16 =	vld [tilespmem:s30+$0xFFFFF320];
	v17 =	vand.u32 $0xFFFF, v9  }
0xd7: {  	v19 =	vld [tilespmem:s30+$0x0];
	v18 =	vand.u32 $0xFFFF, v10  }
0xd8: {  	v20 =	vld [tilespmem:s30+$0xFFFFFF90];
	v21 =	vand.u32 $0xFFFF, v11  }
0xd9: {  	v23 =	vand.u32 $0xFFFF, v14;
	v12 =	vld.idx.msk [tilespmem:v12+s2+$0x0], $0xffff  }
0xda: {  	v22 =	vand.u32 $0xFFFF, v13;
	v15 =	vld.idx.msk [tilespmem:v15+s2+$0x0], $0xffff  }
0xdb: {  	v24 =	vand.u32 $0xFFFF, v16;
	v17 =	vld.idx.msk [tilespmem:v17+s2+$0x0], $0xffff  }
0xdc: {  	v7 =	vshrl.u32 v7, $0x10;
	v18 =	vld.idx.msk [tilespmem:v18+s2+$0x0], $0xffff  }
0xdd: {  	v8 =	vshrl.u32 v8, $0x10;
	v21 =	vld.idx.msk [tilespmem:v21+s2+$0x0], $0xffff  }
0xde: {  	v9 =	vshrl.u32 v9, $0x10;
	v59 =	vld.idx.msk [tilespmem:v23+s2+$0x0], $0xffff  }
0xdf: {  	v10 =	vshrl.u32 v10, $0x10;
	v22 =	vld.idx.msk [tilespmem:v22+s2+$0x0], $0xffff;
	v12 =	vmul.f32 v12, v20  }
0xe0: {  	v11 =	vshrl.u32 v11, $0x10;
	v60 =	vld.idx.msk [tilespmem:v24+s2+$0x0], $0xffff;
	v15 =	vmul.f32 v15, v19  }
0xe1: {  	v61 =	vshrl.u32 v13, $0x10;
	v6 =	vmul.f32 v17, v6;
	[tilespmem:v7+s22+$0x0] =	vst.idx.add.f32.msk $0xffff, v12  }
0xe2: {  	v62 =	vshrl.u32 v14, $0x10;
	v5 =	vmul.f32 v18, v5;
	[tilespmem:v8+s22+$0x0] =	vst.idx.add.f32.msk $0xffff, v15  }
0xe3: {  	v4 =	vmul.f32 v21, v4;
	v63 =	vmul.f32 v59, v1;
	v1 =	vshrl.u32 v16, $0x10;
	[tilespmem:v9+s22+$0x0] =	vst.idx.add.f32.msk $0xffff, v6  }
0xe4: {  	v3 =	vmul.f32 v22, v3;
	[tilespmem:v10+s22+$0x0] =	vst.idx.add.f32.msk $0xffff, v5  }
0xe5: {  	[tilespmem:v11+s22+$0x0] =	vst.idx.add.f32.msk $0xffff, v4  }
0xe6: {  	v2 =	vmul.f32 v60, v2;
	[tilespmem:v61+s22+$0x0] =	vst.idx.add.f32.msk $0xffff, v3  }
0xe7: {  	s31 =	simm.s32 $0x0;
	[tilespmem:v62+s22+$0x0] =	vst.idx.add.f32.msk $0xffff, v63  }
.LBB2_9:
0xe8: {  	s31 =	sadd.s32 $0x80, s31;
	[tilespmem:v1+s22+$0x0] =	vst.idx.add.f32.msk $0xffff, v2;
	s30 =	sadd.s32 $0x80, s30  }
0xe9: {  	v2 =	vld [tilespmem:s30+$0xFFFFFFA0];
	p1 =	slt.u32 s31, $0xC00  }
0xea: {  	v3 =	vld [tilespmem:s30+$0xFFFFFFB0]  }
0xeb: {  	v4 =	vld [tilespmem:s30+$0xFFFFFFC0]  }
0xec: {  	v5 =	vld [tilespmem:s30+$0xFFFFFFD0]  }
0xed: {  	v1 =	vld [tilespmem:s30+$0xFFFFFFE0]  }
0xee: {  	v6 =	vld [tilespmem:s30+$0xFFFFFFF0]  }
0xef: {  	v7 =	vld [tilespmem:s30+$0xFFFFF310]  }
0xf0: {  	v8 =	vld [tilespmem:s30+$0xFFFFF380]  }
0xf1: {  	v9 =	vld [tilespmem:s30+$0xFFFFF370]  }
0xf2: {  	v10 =	vld [tilespmem:s30+$0xFFFFF360]  }
0xf3: {  	v11 =	vld [tilespmem:s30+$0xFFFFF350]  }
0xf4: {  	v12 =	vand.u32 $0xFFFF, v7;
	v13 =	vld [tilespmem:s30+$0xFFFFF340]  }
0xf5: {  	v14 =	vld [tilespmem:s30+$0xFFFFF330];
	v15 =	vand.u32 $0xFFFF, v8  }
0xf6: {  	v16 =	vld [tilespmem:s30+$0xFFFFF320];
	v17 =	vand.u32 $0xFFFF, v9  }
0xf7: {  	v18 =	vand.u32 $0xFFFF, v10;
	v19 =	vld [tilespmem:s30+$0x0]  }
0xf8: {  	v20 =	vld [tilespmem:s30+$0xFFFFFF90];
	v21 =	vand.u32 $0xFFFF, v11  }
0xf9: {  	v12 =	vld.idx.msk [tilespmem:v12+s2+$0x0], $0xffff;
	v22 =	vand.u32 $0xFFFF, v13  }
0xfa: {  	v23 =	vand.u32 $0xFFFF, v14;
	v15 =	vld.idx.msk [tilespmem:v15+s2+$0x0], $0xffff  }
0xfb: {  	v24 =	vand.u32 $0xFFFF, v16;
	v17 =	vld.idx.msk [tilespmem:v17+s2+$0x0], $0xffff  }
0xfc: {  	v7 =	vshrl.u32 v7, $0x10;
	v18 =	vld.idx.msk [tilespmem:v18+s2+$0x0], $0xffff  }
0xfd: {  	v8 =	vshrl.u32 v8, $0x10;
	v21 =	vld.idx.msk [tilespmem:v21+s2+$0x0], $0xffff  }
0xfe: {  	v9 =	vshrl.u32 v9, $0x10;
	v22 =	vld.idx.msk [tilespmem:v22+s2+$0x0], $0xffff  }
0xff: {  	v10 =	vshrl.u32 v10, $0x10;
	v12 =	vmul.f32 v12, v20;
	v20 =	vld.idx.msk [tilespmem:v23+s2+$0x0], $0xffff  }
0x100: {  	v11 =	vshrl.u32 v11, $0x10;
	v15 =	vmul.f32 v15, v19;
	v23 =	vld.idx.msk [tilespmem:v24+s2+$0x0], $0xffff  }
0x101: {  	v6 =	vmul.f32 v17, v6;
	[tilespmem:v7+s22+$0x0] =	vst.idx.add.f32.msk $0xffff, v12;
	v7 =	vshrl.u32 v13, $0x10  }
0x102: {  	v12 =	vshrl.u32 v14, $0x10;
	v13 =	vmul.f32 v18, v1;
	[tilespmem:v8+s22+$0x0] =	vst.idx.add.f32.msk $0xffff, v15  }
.Ltmp3:
0x103: {  	v1 =	vshrl.u32 v16, $0x10;
	v5 =	vmul.f32 v21, v5;
	[tilespmem:v9+s22+$0x0] =	vst.idx.add.f32.msk $0xffff, v6;
	(pc) =	sbr.rel @p1 .LBB2_9-.Ltmp3, $4  }
0x104: {  	v4 =	vmul.f32 v22, v4;
	[tilespmem:v10+s22+$0x0] =	vst.idx.add.f32.msk $0xffff, v13  }
0x105: {  	v3 =	vmul.f32 v20, v3;
	[tilespmem:v11+s22+$0x0] =	vst.idx.add.f32.msk $0xffff, v5  }
0x106: {  	v2 =	vmul.f32 v23, v2;
	[tilespmem:v7+s22+$0x0] =	vst.idx.add.f32.msk $0xffff, v4  }
0x107: {  	[tilespmem:v12+s22+$0x0] =	vst.idx.add.f32.msk $0xffff, v3  }
0x108: {  	_ =	sdelay $0x1  }
0x109: {  	s1 =	sadd.s32 @!p0 s29, s11  }
0x10a: {  	s1 =	sshrl.u32 @!p0 s1, $0x2  }
0x10b: {  	[tilespmem:v1+s22+$0x0] =	vst.idx.add.f32.msk $0xffff, v2;
	s29 =	simm.s32 @!p0 $0x0;
	s30 =	simm.s32 @!p0 $0x1B900;
	s1 =	sadd.s32 @!p0 s3, s1  }
0x10c: {  	[tilespmem:s30], [sflag:$0x3] =	stream.linear.gather @!p0 [hbm4b:s1+s29], $0x1900, $0x38;
	[tilespmem:$0x1EB00] =	vst v63  }
0x10d: {  	_ =	swait.ge [sflag:s25], $0x1900  }
0x10e: {  	[sflag:s25] =	ssyncset.done $0x0  }
0x10f: {  	s29 =	simm.s32 $0x1DEF0;
	[sflag:s25] =	ssyncadd.s32 $0xFFFFE700  }
0x110: {  	v2 =	vld [tilespmem:s29+$0xFFFFFFA0]  }
0x111: {  	v1 =	vld [tilespmem:s29+$0xFFFFFFB0]  }
0x112: {  	v3 =	vld [tilespmem:s29+$0xFFFFFFC0]  }
0x113: {  	v4 =	vld [tilespmem:s29+$0xFFFFFFD0]  }
0x114: {  	v5 =	vld [tilespmem:s29+$0xFFFFFFE0]  }
0x115: {  	v6 =	vld [tilespmem:s29+$0xFFFFFFF0]  }
0x116: {  	v7 =	vld [tilespmem:s29+$0xFFFFF310]  }
0x117: {  	v8 =	vld [tilespmem:s29+$0xFFFFF380]  }
0x118: {  	v9 =	vld [tilespmem:s29+$0xFFFFF370]  }
0x119: {  	v10 =	vld [tilespmem:s29+$0xFFFFF360]  }
0x11a: {  	v11 =	vld [tilespmem:s29+$0xFFFFF350]  }
0x11b: {  	v14 =	vld [tilespmem:s29+$0xFFFFF330];
	v12 =	vand.u32 $0xFFFF, v7  }
0x11c: {  	v13 =	vld [tilespmem:s29+$0xFFFFF340];
	v15 =	vand.u32 $0xFFFF, v8  }
0x11d: {  	v16 =	vld [tilespmem:s29+$0xFFFFF320];
	v17 =	vand.u32 $0xFFFF, v9  }
0x11e: {  	v19 =	vld [tilespmem:s29+$0x0];
	v18 =	vand.u32 $0xFFFF, v10  }
0x11f: {  	v20 =	vld [tilespmem:s29+$0xFFFFFF90];
	v21 =	vand.u32 $0xFFFF, v11  }
0x120: {  	v23 =	vand.u32 $0xFFFF, v14;
	v12 =	vld.idx.msk [tilespmem:v12+s2+$0x0], $0xffff  }
0x121: {  	v22 =	vand.u32 $0xFFFF, v13;
	v15 =	vld.idx.msk [tilespmem:v15+s2+$0x0], $0xffff  }
0x122: {  	v24 =	vand.u32 $0xFFFF, v16;
	v17 =	vld.idx.msk [tilespmem:v17+s2+$0x0], $0xffff  }
0x123: {  	v7 =	vshrl.u32 v7, $0x10;
	v18 =	vld.idx.msk [tilespmem:v18+s2+$0x0], $0xffff  }
0x124: {  	v8 =	vshrl.u32 v8, $0x10;
	v21 =	vld.idx.msk [tilespmem:v21+s2+$0x0], $0xffff  }
0x125: {  	v9 =	vshrl.u32 v9, $0x10;
	v59 =	vld.idx.msk [tilespmem:v23+s2+$0x0], $0xffff  }
0x126: {  	v10 =	vshrl.u32 v10, $0x10;
	v22 =	vld.idx.msk [tilespmem:v22+s2+$0x0], $0xffff;
	v12 =	vmul.f32 v12, v20  }
0x127: {  	v11 =	vshrl.u32 v11, $0x10;
	v60 =	vld.idx.msk [tilespmem:v24+s2+$0x0], $0xffff;
	v15 =	vmul.f32 v15, v19  }
0x128: {  	v61 =	vshrl.u32 v13, $0x10;
	v6 =	vmul.f32 v17, v6;
	[tilespmem:v7+s22+$0x0] =	vst.idx.add.f32.msk $0xffff, v12  }
0x129: {  	v62 =	vshrl.u32 v14, $0x10;
	v5 =	vmul.f32 v18, v5;
	[tilespmem:v8+s22+$0x0] =	vst.idx.add.f32.msk $0xffff, v15  }
0x12a: {  	v4 =	vmul.f32 v21, v4;
	v63 =	vmul.f32 v59, v1;
	v1 =	vshrl.u32 v16, $0x10;
	[tilespmem:v9+s22+$0x0] =	vst.idx.add.f32.msk $0xffff, v6  }
0x12b: {  	v3 =	vmul.f32 v22, v3;
	[tilespmem:v10+s22+$0x0] =	vst.idx.add.f32.msk $0xffff, v5  }
0x12c: {  	[tilespmem:v11+s22+$0x0] =	vst.idx.add.f32.msk $0xffff, v4  }
0x12d: {  	v2 =	vmul.f32 v60, v2;
	[tilespmem:v61+s22+$0x0] =	vst.idx.add.f32.msk $0xffff, v3  }
0x12e: {  	s30 =	simm.s32 $0x0;
	[tilespmem:v62+s22+$0x0] =	vst.idx.add.f32.msk $0xffff, v63  }
.LBB2_11:
0x12f: {  	s30 =	sadd.s32 $0x80, s30;
	[tilespmem:v1+s22+$0x0] =	vst.idx.add.f32.msk $0xffff, v2;
	s29 =	sadd.s32 $0x80, s29  }
0x130: {  	v2 =	vld [tilespmem:s29+$0xFFFFFFA0];
	p0 =	slt.u32 s30, $0xC00  }
0x131: {  	v3 =	vld [tilespmem:s29+$0xFFFFFFB0]  }
0x132: {  	v4 =	vld [tilespmem:s29+$0xFFFFFFC0]  }
0x133: {  	v5 =	vld [tilespmem:s29+$0xFFFFFFD0]  }
0x134: {  	v1 =	vld [tilespmem:s29+$0xFFFFFFE0]  }
0x135: {  	v6 =	vld [tilespmem:s29+$0xFFFFFFF0]  }
0x136: {  	v7 =	vld [tilespmem:s29+$0xFFFFF310]  }
0x137: {  	v8 =	vld [tilespmem:s29+$0xFFFFF380]  }
0x138: {  	v9 =	vld [tilespmem:s29+$0xFFFFF370]  }
0x139: {  	v10 =	vld [tilespmem:s29+$0xFFFFF360]  }
0x13a: {  	v11 =	vld [tilespmem:s29+$0xFFFFF350]  }
0x13b: {  	v12 =	vand.u32 $0xFFFF, v7;
	v13 =	vld [tilespmem:s29+$0xFFFFF340]  }
0x13c: {  	v14 =	vld [tilespmem:s29+$0xFFFFF330];
	v15 =	vand.u32 $0xFFFF, v8  }
0x13d: {  	v16 =	vld [tilespmem:s29+$0xFFFFF320];
	v17 =	vand.u32 $0xFFFF, v9  }
0x13e: {  	v18 =	vand.u32 $0xFFFF, v10;
	v19 =	vld [tilespmem:s29+$0x0]  }
0x13f: {  	v20 =	vld [tilespmem:s29+$0xFFFFFF90];
	v21 =	vand.u32 $0xFFFF, v11  }
0x140: {  	v12 =	vld.idx.msk [tilespmem:v12+s2+$0x0], $0xffff;
	v22 =	vand.u32 $0xFFFF, v13  }
0x141: {  	v23 =	vand.u32 $0xFFFF, v14;
	v15 =	vld.idx.msk [tilespmem:v15+s2+$0x0], $0xffff  }
0x142: {  	v24 =	vand.u32 $0xFFFF, v16;
	v17 =	vld.idx.msk [tilespmem:v17+s2+$0x0], $0xffff  }
0x143: {  	v7 =	vshrl.u32 v7, $0x10;
	v18 =	vld.idx.msk [tilespmem:v18+s2+$0x0], $0xffff  }
0x144: {  	v8 =	vshrl.u32 v8, $0x10;
	v21 =	vld.idx.msk [tilespmem:v21+s2+$0x0], $0xffff  }
0x145: {  	v9 =	vshrl.u32 v9, $0x10;
	v22 =	vld.idx.msk [tilespmem:v22+s2+$0x0], $0xffff  }
0x146: {  	v10 =	vshrl.u32 v10, $0x10;
	v12 =	vmul.f32 v12, v20;
	v20 =	vld.idx.msk [tilespmem:v23+s2+$0x0], $0xffff  }
0x147: {  	v11 =	vshrl.u32 v11, $0x10;
	v15 =	vmul.f32 v15, v19;
	v23 =	vld.idx.msk [tilespmem:v24+s2+$0x0], $0xffff  }
0x148: {  	v6 =	vmul.f32 v17, v6;
	[tilespmem:v7+s22+$0x0] =	vst.idx.add.f32.msk $0xffff, v12;
	v7 =	vshrl.u32 v13, $0x10  }
0x149: {  	v12 =	vshrl.u32 v14, $0x10;
	v13 =	vmul.f32 v18, v1;
	[tilespmem:v8+s22+$0x0] =	vst.idx.add.f32.msk $0xffff, v15  }
.Ltmp4:
0x14a: {  	v1 =	vshrl.u32 v16, $0x10;
	v5 =	vmul.f32 v21, v5;
	[tilespmem:v9+s22+$0x0] =	vst.idx.add.f32.msk $0xffff, v6;
	(pc) =	sbr.rel @p0 .LBB2_11-.Ltmp4, $4  }
0x14b: {  	v4 =	vmul.f32 v22, v4;
	[tilespmem:v10+s22+$0x0] =	vst.idx.add.f32.msk $0xffff, v13  }
0x14c: {  	v3 =	vmul.f32 v20, v3;
	[tilespmem:v11+s22+$0x0] =	vst.idx.add.f32.msk $0xffff, v5  }
0x14d: {  	v2 =	vmul.f32 v23, v2;
	[tilespmem:v7+s22+$0x0] =	vst.idx.add.f32.msk $0xffff, v4  }
0x14e: {  	[tilespmem:v12+s22+$0x0] =	vst.idx.add.f32.msk $0xffff, v3  }
0x14f: {  	s28 =	sadd.s32 $0x1, s28  }
0x150: {  	p0 =	sne.s32 s28, $0x1F  }
.Ltmp5:
0x151: {  	_ = 	snop;
	(pc) =	sbr.rel @p0 .LBB2_4-.Ltmp5, $2  }
0x152: {  	_ =	sdelay $0x2  }
0x153: {  	[tilespmem:v1+s22+$0x0] =	vst.idx.add.f32.msk $0xffff, v2  }
0x154: {  	_ =	swait.ge [sflag:s21], $0x1900  }
0x155: {  	[sflag:s21] =	ssyncset.done $0x0  }
0x156: {  	s28 =	simm.s32 $0x193F0;
	[sflag:s21] =	ssyncadd.s32 $0xFFFFE700  }
0x157: {  	v2 =	vld [tilespmem:s28+$0xFFFFFFA0]  }
0x158: {  	v1 =	vld [tilespmem:s28+$0xFFFFFFB0]  }
0x159: {  	v3 =	vld [tilespmem:s28+$0xFFFFFFC0]  }
0x15a: {  	v4 =	vld [tilespmem:s28+$0xFFFFFFD0]  }
0x15b: {  	v5 =	vld [tilespmem:s28+$0xFFFFFFE0]  }
0x15c: {  	v6 =	vld [tilespmem:s28+$0xFFFFFFF0]  }
0x15d: {  	v7 =	vld [tilespmem:s28+$0xFFFFF310]  }
0x15e: {  	v8 =	vld [tilespmem:s28+$0xFFFFF380]  }
0x15f: {  	v9 =	vld [tilespmem:s28+$0xFFFFF370]  }
0x160: {  	v10 =	vld [tilespmem:s28+$0xFFFFF360]  }
0x161: {  	v11 =	vld [tilespmem:s28+$0xFFFFF350]  }
0x162: {  	v14 =	vld [tilespmem:s28+$0xFFFFF330];
	v12 =	vand.u32 $0xFFFF, v7  }
0x163: {  	v13 =	vld [tilespmem:s28+$0xFFFFF340];
	v15 =	vand.u32 $0xFFFF, v8  }
0x164: {  	v16 =	vld [tilespmem:s28+$0xFFFFF320];
	v17 =	vand.u32 $0xFFFF, v9  }
0x165: {  	v19 =	vld [tilespmem:s28+$0x0];
	v18 =	vand.u32 $0xFFFF, v10  }
0x166: {  	v20 =	vld [tilespmem:s28+$0xFFFFFF90];
	v21 =	vand.u32 $0xFFFF, v11  }
0x167: {  	v23 =	vand.u32 $0xFFFF, v14;
	v12 =	vld.idx.msk [tilespmem:v12+s2+$0x0], $0xffff  }
0x168: {  	v22 =	vand.u32 $0xFFFF, v13;
	v15 =	vld.idx.msk [tilespmem:v15+s2+$0x0], $0xffff  }
0x169: {  	v24 =	vand.u32 $0xFFFF, v16;
	v17 =	vld.idx.msk [tilespmem:v17+s2+$0x0], $0xffff  }
0x16a: {  	v7 =	vshrl.u32 v7, $0x10;
	v18 =	vld.idx.msk [tilespmem:v18+s2+$0x0], $0xffff  }
0x16b: {  	v8 =	vshrl.u32 v8, $0x10;
	v21 =	vld.idx.msk [tilespmem:v21+s2+$0x0], $0xffff  }
0x16c: {  	v9 =	vshrl.u32 v9, $0x10;
	v59 =	vld.idx.msk [tilespmem:v23+s2+$0x0], $0xffff  }
0x16d: {  	v10 =	vshrl.u32 v10, $0x10;
	v22 =	vld.idx.msk [tilespmem:v22+s2+$0x0], $0xffff;
	v12 =	vmul.f32 v12, v20  }
0x16e: {  	v11 =	vshrl.u32 v11, $0x10;
	v60 =	vld.idx.msk [tilespmem:v24+s2+$0x0], $0xffff;
	v15 =	vmul.f32 v15, v19  }
0x16f: {  	v61 =	vshrl.u32 v13, $0x10;
	v6 =	vmul.f32 v17, v6;
	[tilespmem:v7+s22+$0x0] =	vst.idx.add.f32.msk $0xffff, v12  }
0x170: {  	v62 =	vshrl.u32 v14, $0x10;
	v5 =	vmul.f32 v18, v5;
	[tilespmem:v8+s22+$0x0] =	vst.idx.add.f32.msk $0xffff, v15  }
0x171: {  	v4 =	vmul.f32 v21, v4;
	v63 =	vmul.f32 v59, v1;
	v1 =	vshrl.u32 v16, $0x10;
	[tilespmem:v9+s22+$0x0] =	vst.idx.add.f32.msk $0xffff, v6  }
0x172: {  	v3 =	vmul.f32 v22, v3;
	[tilespmem:v10+s22+$0x0] =	vst.idx.add.f32.msk $0xffff, v5  }
0x173: {  	[tilespmem:v11+s22+$0x0] =	vst.idx.add.f32.msk $0xffff, v4  }
0x174: {  	v2 =	vmul.f32 v60, v2;
	[tilespmem:v61+s22+$0x0] =	vst.idx.add.f32.msk $0xffff, v3  }
0x175: {  	s29 =	simm.s32 $0x0;
	[tilespmem:v62+s22+$0x0] =	vst.idx.add.f32.msk $0xffff, v63  }
.LBB2_14:
0x176: {  	s29 =	sadd.s32 $0x80, s29;
	[tilespmem:v1+s22+$0x0] =	vst.idx.add.f32.msk $0xffff, v2;
	s28 =	sadd.s32 $0x80, s28  }
0x177: {  	v2 =	vld [tilespmem:s28+$0xFFFFFFA0];
	p0 =	slt.u32 s29, $0xC00  }
0x178: {  	v3 =	vld [tilespmem:s28+$0xFFFFFFB0]  }
0x179: {  	v4 =	vld [tilespmem:s28+$0xFFFFFFC0]  }
0x17a: {  	v5 =	vld [tilespmem:s28+$0xFFFFFFD0]  }
0x17b: {  	v1 =	vld [tilespmem:s28+$0xFFFFFFE0]  }
0x17c: {  	v6 =	vld [tilespmem:s28+$0xFFFFFFF0]  }
0x17d: {  	v7 =	vld [tilespmem:s28+$0xFFFFF310]  }
0x17e: {  	v8 =	vld [tilespmem:s28+$0xFFFFF380]  }
0x17f: {  	v9 =	vld [tilespmem:s28+$0xFFFFF370]  }
0x180: {  	v10 =	vld [tilespmem:s28+$0xFFFFF360]  }
0x181: {  	v11 =	vld [tilespmem:s28+$0xFFFFF350]  }
0x182: {  	v12 =	vand.u32 $0xFFFF, v7;
	v13 =	vld [tilespmem:s28+$0xFFFFF340]  }
0x183: {  	v14 =	vld [tilespmem:s28+$0xFFFFF330];
	v15 =	vand.u32 $0xFFFF, v8  }
0x184: {  	v16 =	vld [tilespmem:s28+$0xFFFFF320];
	v17 =	vand.u32 $0xFFFF, v9  }
0x185: {  	v18 =	vand.u32 $0xFFFF, v10;
	v19 =	vld [tilespmem:s28+$0x0]  }
0x186: {  	v20 =	vld [tilespmem:s28+$0xFFFFFF90];
	v21 =	vand.u32 $0xFFFF, v11  }
0x187: {  	v12 =	vld.idx.msk [tilespmem:v12+s2+$0x0], $0xffff;
	v22 =	vand.u32 $0xFFFF, v13  }
0x188: {  	v23 =	vand.u32 $0xFFFF, v14;
	v15 =	vld.idx.msk [tilespmem:v15+s2+$0x0], $0xffff  }
0x189: {  	v24 =	vand.u32 $0xFFFF, v16;
	v17 =	vld.idx.msk [tilespmem:v17+s2+$0x0], $0xffff  }
0x18a: {  	v7 =	vshrl.u32 v7, $0x10;
	v18 =	vld.idx.msk [tilespmem:v18+s2+$0x0], $0xffff  }
0x18b: {  	v8 =	vshrl.u32 v8, $0x10;
	v21 =	vld.idx.msk [tilespmem:v21+s2+$0x0], $0xffff  }
0x18c: {  	v9 =	vshrl.u32 v9, $0x10;
	v22 =	vld.idx.msk [tilespmem:v22+s2+$0x0], $0xffff  }
0x18d: {  	v10 =	vshrl.u32 v10, $0x10;
	v12 =	vmul.f32 v12, v20;
	v20 =	vld.idx.msk [tilespmem:v23+s2+$0x0], $0xffff  }
0x18e: {  	v11 =	vshrl.u32 v11, $0x10;
	v15 =	vmul.f32 v15, v19;
	v23 =	vld.idx.msk [tilespmem:v24+s2+$0x0], $0xffff  }
0x18f: {  	v6 =	vmul.f32 v17, v6;
	[tilespmem:v7+s22+$0x0] =	vst.idx.add.f32.msk $0xffff, v12;
	v7 =	vshrl.u32 v13, $0x10  }
0x190: {  	v12 =	vshrl.u32 v14, $0x10;
	v13 =	vmul.f32 v18, v1;
	[tilespmem:v8+s22+$0x0] =	vst.idx.add.f32.msk $0xffff, v15  }
.Ltmp6:
0x191: {  	v1 =	vshrl.u32 v16, $0x10;
	v5 =	vmul.f32 v21, v5;
	[tilespmem:v9+s22+$0x0] =	vst.idx.add.f32.msk $0xffff, v6;
	(pc) =	sbr.rel @p0 .LBB2_14-.Ltmp6, $4  }
0x192: {  	v4 =	vmul.f32 v22, v4;
	[tilespmem:v10+s22+$0x0] =	vst.idx.add.f32.msk $0xffff, v13  }
0x193: {  	v3 =	vmul.f32 v20, v3;
	[tilespmem:v11+s22+$0x0] =	vst.idx.add.f32.msk $0xffff, v5  }
0x194: {  	v2 =	vmul.f32 v23, v2;
	[tilespmem:v7+s22+$0x0] =	vst.idx.add.f32.msk $0xffff, v4  }
0x195: {  	[tilespmem:v12+s22+$0x0] =	vst.idx.add.f32.msk $0xffff, v3  }
0x196: {  	_ =	sdelay $0x1  }
0x197: {  	s26 =	sadd.s32 $0x1, s26  }
0x198: {  	p0 =	sne.s32 s26, s13  }
.Ltmp7:
0x199: {  	[tilespmem:v1+s22+$0x0] =	vst.idx.add.f32.msk $0xffff, v2;
	(pc) =	sbr.rel @p0 .LBB2_1-.Ltmp7, $4  }
0x19a: {  	[hbm4b:s12+s17] =	stream.strided.scatter [tilespmem:s22], [sflag:$0x5], $0xC380, s18, s17, $0x38;
	[tilespmem:$0x1EB00] =	vst v63  }
0x19b: {  	_ =	swait.ge [sflag:s19], $0xC380  }
0x19c: {  	[sflag:s19] =	ssyncset.done $0x0  }
0x19d: {  	[sflag:s19] =	ssyncadd.s32 $0xFFFF3C80  }
0x19e: {  	_ =	sfence.sel $0x180000  }
0x19f: {  	[bflag:$0x0] =	sbarrier.arrive $0xFFFF  }
0x1a0: {  	_ =	strace $0x90000047  }
0x1a1: {  	[bflag:$0x2] =	sbarrier.arrive $0xFFFF  }
0x1a2: {  	p0 =	sne.s32 s0, $0x0;
	s0 =	rddreg [dreg:$0x1]  }
0x1a3: {  	s0 =	sadd.s32 @!p0 $0x100000, s0  }
0x1a4: {  	[sflag:s0] =	ssyncadd.tile.s32 @!p0 $0x1;
	_ =	shalt  }
.Lfunc_end2:
_tile_overlayer_lowered:
.L_overlay_start_2:
0x1a5: {  	(tag) =	ssettag $0x2  }
0x1a6: {  	s0 =	rddreg [dreg:$0x0];
	s2 =	stileid.u32  }
0x1a7: {  	s1 =	rddreg [dreg:$0x1];
	p0 =	sne.s32 s2, $0x0  }
0x1a8: {  	s3 =	rddreg [dreg:$0x2];
	[bflag:$0x3] =	sbarrier.arrive $0xFFFF;
	s2 =	simm.s32 @!p0 $0x1C05  }
0x1a9: {  	[timem:s3], [sflag:s2] =	dma.local @!p0 [hbm:s0], s1  }
0x1aa: {  	s0 =	simm.s32 @!p0 $0x5  }
0x1ab: {  	_ =	swait.ge @!p0 [sflag:s0], s1  }
0x1ac: {  	s1 =	ssub.s32 @!p0 $0x0, s1;
	[sflag:s0] =	ssyncset.done @!p0 $0x0  }
0x1ad: {  	[sflag:s0] =	ssyncadd.s32 @!p0 s1  }
0x1ae: {  	[bflag:$0x3] =	sbarrier.arrive $0xFFFF  }
0x1af: {  	_ =	shalt  }

</sc_bundles>
